<compile_context>
chip_gen: v7x
topology: tpu7x:2x2x1
jax: 0.10.2.dev20260603
libtpu: 0.0.44.dev20260713+nightly
codegen_flags: <defaults>
</compile_context>

<pallas_src>
import functools

import jax
import jax.numpy as jnp
from jax import lax
from jax.experimental import pallas as pl
from jax.experimental.pallas import tpu as pltpu
from jax.experimental.pallas import tpu_sc as plsc

G, N, E = 8, 2048, 32768
N_ITER = 5
NC, NS, L = 2, 16, 16
NW = NC * NS
WPG = NW // G
EW = E // WPG
@functools.cache
def _get_mesh():
    return plsc.VectorSubcoreMesh(core_axis_name="c", subcore_axis_name="s",
                                  num_cores=NC, num_subcores=NS)


@functools.cache
def _get_sc_dedup():
    return functools.partial(
        pl.kernel,
        out_type=(
            jax.ShapeDtypeStruct((G, E), jnp.float32),
            jax.ShapeDtypeStruct((G, WPG, N), jnp.float32),
            jax.ShapeDtypeStruct((G, WPG, N), jnp.float32),
            jax.ShapeDtypeStruct((G, WPG, N), jnp.float32),
            jax.ShapeDtypeStruct((G * N * N,), jnp.int32),
        ),
        mesh=_get_mesh(),
        compiler_params=pltpu.CompilerParams(needs_layout_passes=False),
        scratch_types=[
            pltpu.VMEM((EW,), jnp.int32),
            pltpu.VMEM((EW,), jnp.int32),
            pltpu.VMEM((EW,), jnp.int32),
            pltpu.VMEM((EW,), jnp.int32),
            pltpu.VMEM((EW,), jnp.int32),
            pltpu.VMEM((EW,), jnp.float32),
            pltpu.VMEM((N,), jnp.float32),
            pltpu.VMEM((N,), jnp.float32),
            pltpu.VMEM((N,), jnp.float32),
            pltpu.VMEM((N,), jnp.float32),
            pltpu.SemaphoreType.DMA,
        ],
    )(_sc_dedup_body)


def _sc_dedup_body(keys_hbm, eids_hbm, rows_hbm, cols_hbm, lab_hbm,
                   w_hbm, deg_hbm, s0_hbm, bc_hbm, big_hbm,
                   keys_v, eids_v, win_v, rows_v, cols_v, wch_v, lab_v,
                   deg_v, s0_v, bc_v, sem):
    wid = lax.axis_index("c") * NS + lax.axis_index("s")
    g = wid // WPG
    k = wid % WPG
    pltpu.sync_copy(keys_hbm.at[g, pl.ds(k * EW, EW)], keys_v)
    pltpu.sync_copy(eids_hbm.at[pl.ds(k * EW, EW)], eids_v)
    pltpu.sync_copy(lab_hbm.at[g], lab_v)

    pltpu.async_copy(eids_v, big_hbm.at[keys_v], sem).wait()
    plsc.subcore_barrier()
    pltpu.async_copy(big_hbm.at[keys_v], win_v, sem).wait()

    pltpu.sync_copy(rows_hbm.at[g, pl.ds(k * EW, EW)], rows_v)
    pltpu.sync_copy(cols_hbm.at[g, pl.ds(k * EW, EW)], cols_v)

    def zero_body(i, _):
        z = jnp.zeros((L,), jnp.float32)
        deg_v[pl.ds(i * L, L)] = z
        s0_v[pl.ds(i * L, L)] = z
        bc_v[pl.ds(i * L, L)] = z
        return 0

    lax.fori_loop(0, N // L, zero_body, 0)

    NSL = N // WPG
    ones16 = jnp.ones((L,), jnp.float32)

    def bc_body(i, _):
        l16 = lab_v[pl.ds(k * NSL + i * L, L)].astype(jnp.int32)
        plsc.addupdate_scatter(bc_v, [l16], ones16)
        return 0

    lax.fori_loop(0, NSL // L, bc_body, 0)

    def row_body(r, _):
        for u in range(8):
            o = r * 128 + u * L
            e16 = eids_v[pl.ds(o, L)]
            v16 = win_v[pl.ds(o, L)]
            wl = jnp.where(e16 == v16, 1.0, 0.0)
            wch_v[pl.ds(o, L)] = wl
            r16 = rows_v[pl.ds(o, L)]
            c16 = cols_v[pl.ds(o, L)]
            plsc.addupdate_scatter(deg_v, [r16], wl)
            lbl = plsc.load_gather(lab_v, [c16])
            plsc.addupdate_scatter(s0_v, [r16], lbl * wl)
        return 0

    lax.fori_loop(0, EW // 128, row_body, 0)
    pltpu.sync_copy(wch_v, w_hbm.at[g, pl.ds(k * EW, EW)])
    pltpu.sync_copy(deg_v, deg_hbm.at[g, k])
    pltpu.sync_copy(s0_v, s0_hbm.at[g, k])
    pltpu.sync_copy(bc_v, bc_hbm.at[g, k])


@functools.cache
def _get_sc_segsum():
    return functools.partial(
        pl.kernel,
        out_type=(
            jax.ShapeDtypeStruct((G, WPG, N), jnp.float32),
            jax.ShapeDtypeStruct((G, WPG, N), jnp.float32),
        ),
        mesh=_get_mesh(),
        compiler_params=pltpu.CompilerParams(needs_layout_passes=False),
        scratch_types=[
            pltpu.VMEM((N,), jnp.float32),
            pltpu.VMEM((N,), jnp.float32),
            pltpu.VMEM((N,), jnp.float32),
            pltpu.VMEM((EW,), jnp.int32),
            pltpu.VMEM((EW,), jnp.int32),
            pltpu.VMEM((EW,), jnp.float32),
        ],
    )(_sc_segsum_body)


def _sc_segsum_body(rows_hbm, cols_hbm, w_hbm, lab_hbm, spart_hbm, bc_hbm,
                    lab_v, s_v, bc_v, rows_v, cols_v, w_v):
    wid = lax.axis_index("c") * NS + lax.axis_index("s")
    g = wid // WPG
    k = wid % WPG
    pltpu.sync_copy(lab_hbm.at[g], lab_v)
    pltpu.sync_copy(rows_hbm.at[g, pl.ds(k * EW, EW)], rows_v)
    pltpu.sync_copy(cols_hbm.at[g, pl.ds(k * EW, EW)], cols_v)
    pltpu.sync_copy(w_hbm.at[g, pl.ds(k * EW, EW)], w_v)

    def zero_body(i, _):
        z = jnp.zeros((L,), jnp.float32)
        s_v[pl.ds(i * L, L)] = z
        bc_v[pl.ds(i * L, L)] = z
        return 0

    lax.fori_loop(0, N // L, zero_body, 0)

    NSL = N // WPG
    ones16 = jnp.ones((L,), jnp.float32)

    def bc_body(i, _):
        l16 = lab_v[pl.ds(k * NSL + i * L, L)].astype(jnp.int32)
        plsc.addupdate_scatter(bc_v, [l16], ones16)
        return 0

    lax.fori_loop(0, NSL // L, bc_body, 0)

    def step(s, _):
        for u in range(8):
            o = s * 128 + u * L
            r16 = rows_v[pl.ds(o, L)]
            c16 = cols_v[pl.ds(o, L)]
            w16 = w_v[pl.ds(o, L)]
            lbl = plsc.load_gather(lab_v, [c16])
            plsc.addupdate_scatter(s_v, [r16], lbl * w16)
        return 0

    lax.fori_loop(0, EW // 128, step, 0)
    pltpu.sync_copy(s_v, spart_hbm.at[g, k])
    pltpu.sync_copy(bc_v, bc_hbm.at[g, k])


def _tc_step_body(last, l_ref, s_ref, deg_ref, w_ref,
                  lnext_ref, *rest):
    if last:
        (fout_ref,) = rest
    w00 = w_ref[0, 0]
    w01 = w_ref[0, 1]
    l_row = l_ref[0]
    deg_row = jnp.sum(deg_ref[0], axis=0, keepdims=True)
    s_row = jnp.sum(s_ref[0], axis=0, keepdims=True)
    mb = jnp.max(deg_row)
    a = mb * w00
    h_row = a * l_row + w01 * s_row - w01 * (mb - deg_row)

    h_col = h_row.reshape(N, 1)

    eqcnt = jnp.sum(jnp.where(h_col == h_row, 1.0, 0.0), axis=0,
                    keepdims=True)
    invc = 1.0 / eqcnt
    acc = jnp.sum(jnp.where(h_row < h_col, invc, 0.0), axis=1,
                  keepdims=True)
    rank = jnp.floor(acc + 0.5)
    if last:
        jjf = lax.broadcasted_iota(jnp.int32, (1, N), 1).astype(jnp.float32)
        cnt = jnp.sum(jnp.where(rank == jjf, 1.0, 0.0), axis=0,
                      keepdims=True)
        fout_ref[...] = cnt.reshape(1, 1, N)
    lnext_ref[...] = rank.reshape(1, 1, N)


def _tc_step(l_flat, spart, degpart, W, last):
    body = functools.partial(_tc_step_body, last)
    row3 = pl.BlockSpec((1, 1, N), lambda g: (g, 0, 0))
    ps, pd = spart.shape[1], degpart.shape[1]
    out_specs = [row3, row3] if last else [row3]
    out_shape = [jax.ShapeDtypeStruct((G, 1, N), jnp.float32)] * (
        2 if last else 1)
    outs = pl.pallas_call(
        body,
        grid=(G,),
        in_specs=[
            row3,
            pl.BlockSpec((1, ps, N), lambda g: (g, 0, 0)),
            pl.BlockSpec((1, pd, N), lambda g: (g, 0, 0)),
            pl.BlockSpec((1, 2), lambda g: (0, 0)),
        ],
        out_specs=out_specs,
        out_shape=out_shape,
    )(l_flat.reshape(G, 1, N), spart, degpart, W)
    if last:
        return outs[0].reshape(G, N), outs[1].reshape(G, N)
    return outs[0].reshape(G, N), None


def _tc_gram_body(bc_ref, k_ref):
    F = jnp.sum(bc_ref[...], axis=1)
    K0 = lax.dot_general(F, F, (((1,), (1,)), ((), ())),
                         preferred_element_type=jnp.float32)
    ii = lax.broadcasted_iota(jnp.int32, (G, G), 0)
    jj = lax.broadcasted_iota(jnp.int32, (G, G), 1)
    eye = jnp.where(ii == jj, 1.0, 0.0)
    dr = jnp.sqrt(jnp.sum(K0 * eye, axis=0, keepdims=True))
    dc = jnp.sqrt(jnp.sum(K0 * eye, axis=1, keepdims=True))
    k_ref[...] = K0 / (dr * dc)


def kernel(adj_indices, labels, W):
    adj = adj_indices.astype(jnp.int32)
    rows = adj[:, 0, :]
    cols = adj[:, 1, :]
    gofs = (jnp.arange(G, dtype=jnp.int32) * (N * N))[:, None]
    keys = gofs + rows * N + cols
    eids = jnp.arange(E, dtype=jnp.int32)
    lab0 = labels.astype(jnp.float32)

    w, degpart, s0part, bc0, _ = _get_sc_dedup()(keys, eids, rows, cols,
                                                 lab0)

    bcs = [bc0]
    l_cur, _ = _tc_step(lab0, s0part, degpart, W, last=False)
    for it in range(N_ITER - 1):
        spart, bct = _get_sc_segsum()(rows, cols, w, l_cur)
        bcs.append(bct)
        l_cur, cnt_last = _tc_step(l_cur, spart, degpart, W,
                                   last=(it == N_ITER - 2))
    bcs.append(cnt_last.reshape(G, 1, N))

    K = pl.pallas_call(
        _tc_gram_body,
        out_shape=jax.ShapeDtypeStruct((G, G), jnp.float32),
    )(jnp.concatenate(bcs, axis=1))
    return K

# --- scband reference (transcript-rebuilt; emitter-appended) ---
"""Pipeline reference for scband-torch-wlkernel-14285061227092 (READ-ONLY COPY).

The authoritative reference and input builder live on the scoring server;
editing this copy changes nothing except your own understanding.
"""

import jax, jax.numpy as jnp
import numpy as np

G, N, E = 8, 2048, 32768
N_ITER = 5


def setup_inputs(seed: int = 0):
    key = jax.random.key(seed)
    k1, k2, k3 = jax.random.split(key, 3)
    adj_indices = jax.random.randint(k1, (G, 2, E), 0, N)
    labels = jax.random.randint(k2, (G, N), 0, 16)
    W = jax.random.normal(k3, (1, 2), dtype=jnp.float32)
    return {"adj_indices": adj_indices, "labels": labels, "W": W}


def _wl_iteration(rows, cols, labels, W):
    # dense neighbor mask (torch: neighbor_mask[rows, cols] = True on coalesced sparse adj)
    mask = jnp.zeros((N, N), dtype=bool).at[rows, cols].set(True)
    neighbor_labels = jnp.where(mask, labels[None, :], -1)
    # torch.sort(..., descending=True)
    snl = jnp.flip(jnp.sort(neighbor_labels, axis=1), axis=1)
    valid = snl != -1
    max_nb = valid.sum(axis=1).max()
    keep = jnp.arange(N)[None, :] < max_nb
    node_exp = jnp.broadcast_to(labels[:, None], (N, N))
    feats = jnp.stack([node_exp.astype(jnp.float32), snl.astype(jnp.float32)], axis=-1)  # [N, N, 2]
    terms = jnp.squeeze(feats @ W.T, -1)  # Linear(2,1,bias=False)
    hashed = jnp.where(keep, terms, 0.0).sum(axis=1)  # sum over neighbors
    _, inv = jnp.unique(hashed, return_inverse=True, size=N)  # sorted unique, return_inverse
    return inv.reshape(-1)


def reference(adj_indices, labels, W):
    all_labels = [[labels[g] for g in range(G)]]
    for _ in range(N_ITER):
        new = [
            _wl_iteration(adj_indices[g, 0], adj_indices[g, 1], all_labels[-1][g], W)
            for g in range(G)
        ]
        all_labels.append(new)
    rows_out = []
    for g in range(G):
        acc = jnp.zeros((N,), jnp.float32)
        for it in all_labels:
            acc = acc + jnp.bincount(it[g], length=N).astype(jnp.float32)
        rows_out.append(acc)
    F = jnp.stack(rows_out)
    K = F @ F.T
    d = jnp.sqrt(jnp.diag(K))
    K = K / (d[None, :] * d[:, None])
    return K

if __name__ == "__main__":
    import jax
    _d = setup_inputs()
    print(jax.jit(kernel)(*tuple(_d.values())))

</pallas_src>

<mosaic_0001>
#map = affine_map<(d0, d1) -> (0, 0)>
#map1 = affine_map<(d0, d1) -> (0)>
#map2 = affine_map<(d0, d1) -> (0, 0, 0)>
module attributes {stable_mosaic.version = 14 : i64} {
  func.func @_sc_dedup_body(%arg0: i32, %arg1: i32, %arg2: memref<8x32768xi32, #tpu.memory_space<hbm>>, %arg3: memref<32768xi32, #tpu.memory_space<hbm>>, %arg4: memref<8x32768xi32, #tpu.memory_space<hbm>>, %arg5: memref<8x32768xi32, #tpu.memory_space<hbm>>, %arg6: memref<8x2048xf32, #tpu.memory_space<hbm>>, %arg7: memref<8x32768xf32, #tpu.memory_space<hbm>>, %arg8: memref<8x4x2048xf32, #tpu.memory_space<hbm>>, %arg9: memref<8x4x2048xf32, #tpu.memory_space<hbm>>, %arg10: memref<8x4x2048xf32, #tpu.memory_space<hbm>>, %arg11: memref<33554432xi32, #tpu.memory_space<hbm>>, %arg12: memref<8192xi32, #tpu.memory_space<vmem>>, %arg13: memref<8192xi32, #tpu.memory_space<vmem>>, %arg14: memref<8192xi32, #tpu.memory_space<vmem>>, %arg15: memref<8192xi32, #tpu.memory_space<vmem>>, %arg16: memref<8192xi32, #tpu.memory_space<vmem>>, %arg17: memref<8192xf32, #tpu.memory_space<vmem>>, %arg18: memref<2048xf32, #tpu.memory_space<vmem>>, %arg19: memref<2048xf32, #tpu.memory_space<vmem>>, %arg20: memref<2048xf32, #tpu.memory_space<vmem>>, %arg21: memref<2048xf32, #tpu.memory_space<vmem>>, %arg22: memref<!tpu.dma_semaphore, #tpu.memory_space<semaphore_mem>>) attributes {dimension_semantics = [#tpu.dimension_semantics<core_parallel>, #tpu.dimension_semantics<subcore_parallel>], iteration_bounds = array<i64: 2, 16>, scalar_prefetch = 0 : i64, scratch_operands = 11 : i64, tpu.core_type = #tpu.core_type<sc_vector_subcore>, window_params = [{transform_indices = #map}, {transform_indices = #map1}, {transform_indices = #map}, {transform_indices = #map}, {transform_indices = #map}, {transform_indices = #map}, {transform_indices = #map2}, {transform_indices = #map2}, {transform_indices = #map2}, {transform_indices = #map1}]} {
    %mul3A = arith.constant 16 : i32
    %mul3A_0 = arith.muli %arg0, %mul3A : i32
    %add3A = arith.addi %mul3A_0, %arg1 : i32
    %jit3A = arith.constant 4 : i32
    %div3A = arith.divsi %add3A, %jit3A : i32
    %sign3A = arith.constant 0 : i32
    %sign3A_1 = arith.cmpi sgt, %add3A, %sign3A : i32
    %sign3A_2 = arith.extui %sign3A_1 : i1 to i32
    %sign3A_3 = arith.constant 0 : i32
    %sign3A_4 = arith.cmpi slt, %add3A, %sign3A_3 : i32
    %sign3A_5 = arith.extui %sign3A_4 : i1 to i32
    %sign3A_6 = arith.subi %sign3A_2, %sign3A_5 : i32
    %sign3A_7 = arith.constant 0 : i32
    %sign3A_8 = arith.cmpi sgt, %jit3A, %sign3A_7 : i32
    %sign3A_9 = arith.extui %sign3A_8 : i1 to i32
    %sign3A_10 = arith.constant 0 : i32
    %sign3A_11 = arith.cmpi slt, %jit3A, %sign3A_10 : i32
    %sign3A_12 = arith.extui %sign3A_11 : i1 to i32
    %sign3A_13 = arith.subi %sign3A_9, %sign3A_12 : i32
    %ne3A = arith.cmpi ne, %sign3A_6, %sign3A_13 : i32
    %rem3A = arith.remsi %add3A, %jit3A : i32
    %ne3A_14 = arith.constant 0 : i32
    %ne3A_15 = arith.cmpi ne, %rem3A, %ne3A_14 : i32
    %and3A = arith.andi %ne3A, %ne3A_15 : i1
    %sub3A = arith.constant 1 : i32
    %sub3A_16 = arith.subi %div3A, %sub3A : i32
    %select_n3A = arith.select %and3A, %sub3A_16, %div3A : i32
    %jit3A_17 = arith.constant 4 : i32
    %eq3A = arith.constant 0 : i32
    %eq3A_18 = arith.cmpi eq, %jit3A_17, %eq3A : i32
    %jit3A_19 = arith.constant 1 : i32
    %select_n3A_20 = arith.select %eq3A_18, %jit3A_19, %jit3A_17 : i32
    %rem3A_21 = arith.remsi %add3A, %select_n3A_20 : i32
    %ne3A_22 = arith.constant 0 : i32
    %ne3A_23 = arith.cmpi ne, %rem3A_21, %ne3A_22 : i32
    %lt3A = arith.constant 0 : i32
    %lt3A_24 = arith.cmpi slt, %rem3A_21, %lt3A : i32
    %lt3A_25 = arith.constant 0 : i32
    %lt3A_26 = arith.cmpi slt, %select_n3A_20, %lt3A_25 : i32
    %ne3A_27 = arith.xori %lt3A_24, %lt3A_26 : i1
    %and3A_28 = arith.andi %ne3A_27, %ne3A_23 : i1
    %add3A_29 = arith.addi %rem3A_21, %select_n3A_20 : i32
    %select_n3A_30 = arith.select %and3A_28, %add3A_29, %rem3A_21 : i32
    %mul3A_31 = arith.constant 8192 : i32
    %mul3A_32 = arith.muli %select_n3A_30, %mul3A_31 : i32
    "tpu.region"() ({
      %run_scoped3A = tpu.sem_alloc : memref<!tpu.dma_semaphore, #tpu.memory_space<semaphore_mem>>
      %dma_start3A_68 = tpu.memref_slice %arg2[%select_n3A, %mul3A_32] : memref<8x32768xi32, #tpu.memory_space<hbm>> -> memref<1x8192xi32, #tpu.memory_space<hbm>>
      %dma_start3A_69 = tpu.memref_squeeze %dma_start3A_68 : memref<1x8192xi32, #tpu.memory_space<hbm>> -> memref<8192xi32, #tpu.memory_space<hbm>>
      %dma_start3A_70 = tpu.memref_slice %arg2[%select_n3A, %mul3A_32] : memref<8x32768xi32, #tpu.memory_space<hbm>> -> memref<1x8192xi32, #tpu.memory_space<hbm>>
      %dma_start3A_71 = tpu.memref_squeeze %dma_start3A_70 : memref<1x8192xi32, #tpu.memory_space<hbm>> -> memref<8192xi32, #tpu.memory_space<hbm>>
      tpu.enqueue_dma source(%dma_start3A_71 : memref<8192xi32, #tpu.memory_space<hbm>>) target(%arg12 : memref<8192xi32, #tpu.memory_space<vmem>>) target_semaphore(%run_scoped3A : memref<!tpu.dma_semaphore, #tpu.memory_space<semaphore_mem>>)
      %dma_wait3A_72 = tpu.memref_slice %arg2[%select_n3A, %mul3A_32] : memref<8x32768xi32, #tpu.memory_space<hbm>> -> memref<1x8192xi32, #tpu.memory_space<hbm>>
      %dma_wait3A_73 = tpu.memref_squeeze %dma_wait3A_72 : memref<1x8192xi32, #tpu.memory_space<hbm>> -> memref<8192xi32, #tpu.memory_space<hbm>>
      %dma_wait3A_74 = tpu.memref_slice %arg2[%select_n3A, %mul3A_32] : memref<8x32768xi32, #tpu.memory_space<hbm>> -> memref<1x8192xi32, #tpu.memory_space<hbm>>
      %dma_wait3A_75 = tpu.memref_squeeze %dma_wait3A_74 : memref<1x8192xi32, #tpu.memory_space<hbm>> -> memref<8192xi32, #tpu.memory_space<hbm>>
      tpu.wait_dma2 semaphore(%run_scoped3A : memref<!tpu.dma_semaphore, #tpu.memory_space<semaphore_mem>>) src(%dma_wait3A_75 : memref<8192xi32, #tpu.memory_space<hbm>>) dst(%arg12 : memref<8192xi32, #tpu.memory_space<vmem>>)
      tpu.yield
    }) : () -> ()
    %mul3A_33 = arith.constant 8192 : i32
    %mul3A_34 = arith.muli %select_n3A_30, %mul3A_33 : i32
    "tpu.region"() ({
      %run_scoped3A = tpu.sem_alloc : memref<!tpu.dma_semaphore, #tpu.memory_space<semaphore_mem>>
      %dma_start3A_68 = tpu.memref_slice %arg3[%mul3A_34] : memref<32768xi32, #tpu.memory_space<hbm>> -> memref<8192xi32, #tpu.memory_space<hbm>>
      %dma_start3A_69 = tpu.memref_slice %arg3[%mul3A_34] : memref<32768xi32, #tpu.memory_space<hbm>> -> memref<8192xi32, #tpu.memory_space<hbm>>
      tpu.enqueue_dma source(%dma_start3A_69 : memref<8192xi32, #tpu.memory_space<hbm>>) target(%arg13 : memref<8192xi32, #tpu.memory_space<vmem>>) target_semaphore(%run_scoped3A : memref<!tpu.dma_semaphore, #tpu.memory_space<semaphore_mem>>)
      %dma_wait3A_70 = tpu.memref_slice %arg3[%mul3A_34] : memref<32768xi32, #tpu.memory_space<hbm>> -> memref<8192xi32, #tpu.memory_space<hbm>>
      %dma_wait3A_71 = tpu.memref_slice %arg3[%mul3A_34] : memref<32768xi32, #tpu.memory_space<hbm>> -> memref<8192xi32, #tpu.memory_space<hbm>>
      tpu.wait_dma2 semaphore(%run_scoped3A : memref<!tpu.dma_semaphore, #tpu.memory_space<semaphore_mem>>) src(%dma_wait3A_71 : memref<8192xi32, #tpu.memory_space<hbm>>) dst(%arg13 : memref<8192xi32, #tpu.memory_space<vmem>>)
      tpu.yield
    }) : () -> ()
    "tpu.region"() ({
      %run_scoped3A = tpu.sem_alloc : memref<!tpu.dma_semaphore, #tpu.memory_space<semaphore_mem>>
      %dma_start3A_68 = arith.constant 0 : i32
      %dma_start3A_69 = tpu.memref_slice %arg6[%select_n3A, %dma_start3A_68] : memref<8x2048xf32, #tpu.memory_space<hbm>> -> memref<1x2048xf32, #tpu.memory_space<hbm>>
      %dma_start3A_70 = tpu.memref_squeeze %dma_start3A_69 : memref<1x2048xf32, #tpu.memory_space<hbm>> -> memref<2048xf32, #tpu.memory_space<hbm>>
      %dma_start3A_71 = arith.constant 0 : i32
      %dma_start3A_72 = tpu.memref_slice %arg6[%select_n3A, %dma_start3A_71] : memref<8x2048xf32, #tpu.memory_space<hbm>> -> memref<1x2048xf32, #tpu.memory_space<hbm>>
      %dma_start3A_73 = tpu.memref_squeeze %dma_start3A_72 : memref<1x2048xf32, #tpu.memory_space<hbm>> -> memref<2048xf32, #tpu.memory_space<hbm>>
      tpu.enqueue_dma source(%dma_start3A_73 : memref<2048xf32, #tpu.memory_space<hbm>>) target(%arg18 : memref<2048xf32, #tpu.memory_space<vmem>>) target_semaphore(%run_scoped3A : memref<!tpu.dma_semaphore, #tpu.memory_space<semaphore_mem>>)
      %dma_wait3A_74 = arith.constant 0 : i32
      %dma_wait3A_75 = tpu.memref_slice %arg6[%select_n3A, %dma_wait3A_74] : memref<8x2048xf32, #tpu.memory_space<hbm>> -> memref<1x2048xf32, #tpu.memory_space<hbm>>
      %dma_wait3A_76 = tpu.memref_squeeze %dma_wait3A_75 : memref<1x2048xf32, #tpu.memory_space<hbm>> -> memref<2048xf32, #tpu.memory_space<hbm>>
      %dma_wait3A_77 = arith.constant 0 : i32
      %dma_wait3A_78 = tpu.memref_slice %arg6[%select_n3A, %dma_wait3A_77] : memref<8x2048xf32, #tpu.memory_space<hbm>> -> memref<1x2048xf32, #tpu.memory_space<hbm>>
      %dma_wait3A_79 = tpu.memref_squeeze %dma_wait3A_78 : memref<1x2048xf32, #tpu.memory_space<hbm>> -> memref<2048xf32, #tpu.memory_space<hbm>>
      tpu.wait_dma2 semaphore(%run_scoped3A : memref<!tpu.dma_semaphore, #tpu.memory_space<semaphore_mem>>) src(%dma_wait3A_79 : memref<2048xf32, #tpu.memory_space<hbm>>) dst(%arg18 : memref<2048xf32, #tpu.memory_space<vmem>>)
      tpu.yield
    }) : () -> ()
    %dma_start3A = arith.constant 0 : i32
    %dma_start3A_35 = tpu.memref_slice %arg11[%dma_start3A] : memref<33554432xi32, #tpu.memory_space<hbm>> -> memref<33554432xi32, #tpu.memory_space<hbm>>
    tpu.enqueue_indirect_dma source(%arg13 : memref<8192xi32, #tpu.memory_space<vmem>>) target(%dma_start3A_35 : memref<33554432xi32, #tpu.memory_space<hbm>>) offsets(%arg12 : memref<8192xi32, #tpu.memory_space<vmem>>) semaphore(%arg22 : memref<!tpu.dma_semaphore, #tpu.memory_space<semaphore_mem>>)
    %dma_wait3A = arith.constant 0 : i32
    %dma_wait3A_36 = tpu.memref_slice %arg11[%dma_wait3A] : memref<33554432xi32, #tpu.memory_space<hbm>> -> memref<33554432xi32, #tpu.memory_space<hbm>>
    tpu.wait_indirect_dma semaphore(%arg22 : memref<!tpu.dma_semaphore, #tpu.memory_space<semaphore_mem>>) src(%arg13 : memref<8192xi32, #tpu.memory_space<vmem>>) dst(%dma_wait3A_36 : memref<33554432xi32, #tpu.memory_space<hbm>>)
    %barrier3A = arith.constant 0 : index
    tpu.barrier barrier_id(%barrier3A)
    %dma_start3A_37 = arith.constant 0 : i32
    %dma_start3A_38 = tpu.memref_slice %arg11[%dma_start3A_37] : memref<33554432xi32, #tpu.memory_space<hbm>> -> memref<33554432xi32, #tpu.memory_space<hbm>>
    tpu.enqueue_indirect_dma source(%dma_start3A_38 : memref<33554432xi32, #tpu.memory_space<hbm>>) target(%arg14 : memref<8192xi32, #tpu.memory_space<vmem>>) offsets(%arg12 : memref<8192xi32, #tpu.memory_space<vmem>>) semaphore(%arg22 : memref<!tpu.dma_semaphore, #tpu.memory_space<semaphore_mem>>)
    %dma_wait3A_39 = arith.constant 0 : i32
    %dma_wait3A_40 = tpu.memref_slice %arg11[%dma_wait3A_39] : memref<33554432xi32, #tpu.memory_space<hbm>> -> memref<33554432xi32, #tpu.memory_space<hbm>>
    tpu.wait_indirect_dma semaphore(%arg22 : memref<!tpu.dma_semaphore, #tpu.memory_space<semaphore_mem>>) src(%dma_wait3A_40 : memref<33554432xi32, #tpu.memory_space<hbm>>) dst(%arg14 : memref<8192xi32, #tpu.memory_space<vmem>>)
    %mul3A_41 = arith.constant 8192 : i32
    %mul3A_42 = arith.muli %select_n3A_30, %mul3A_41 : i32
    "tpu.region"() ({
      %run_scoped3A = tpu.sem_alloc : memref<!tpu.dma_semaphore, #tpu.memory_space<semaphore_mem>>
      %dma_start3A_68 = tpu.memref_slice %arg4[%select_n3A, %mul3A_42] : memref<8x32768xi32, #tpu.memory_space<hbm>> -> memref<1x8192xi32, #tpu.memory_space<hbm>>
      %dma_start3A_69 = tpu.memref_squeeze %dma_start3A_68 : memref<1x8192xi32, #tpu.memory_space<hbm>> -> memref<8192xi32, #tpu.memory_space<hbm>>
      %dma_start3A_70 = tpu.memref_slice %arg4[%select_n3A, %mul3A_42] : memref<8x32768xi32, #tpu.memory_space<hbm>> -> memref<1x8192xi32, #tpu.memory_space<hbm>>
      %dma_start3A_71 = tpu.memref_squeeze %dma_start3A_70 : memref<1x8192xi32, #tpu.memory_space<hbm>> -> memref<8192xi32, #tpu.memory_space<hbm>>
      tpu.enqueue_dma source(%dma_start3A_71 : memref<8192xi32, #tpu.memory_space<hbm>>) target(%arg15 : memref<8192xi32, #tpu.memory_space<vmem>>) target_semaphore(%run_scoped3A : memref<!tpu.dma_semaphore, #tpu.memory_space<semaphore_mem>>)
      %dma_wait3A_72 = tpu.memref_slice %arg4[%select_n3A, %mul3A_42] : memref<8x32768xi32, #tpu.memory_space<hbm>> -> memref<1x8192xi32, #tpu.memory_space<hbm>>
      %dma_wait3A_73 = tpu.memref_squeeze %dma_wait3A_72 : memref<1x8192xi32, #tpu.memory_space<hbm>> -> memref<8192xi32, #tpu.memory_space<hbm>>
      %dma_wait3A_74 = tpu.memref_slice %arg4[%select_n3A, %mul3A_42] : memref<8x32768xi32, #tpu.memory_space<hbm>> -> memref<1x8192xi32, #tpu.memory_space<hbm>>
      %dma_wait3A_75 = tpu.memref_squeeze %dma_wait3A_74 : memref<1x8192xi32, #tpu.memory_space<hbm>> -> memref<8192xi32, #tpu.memory_space<hbm>>
      tpu.wait_dma2 semaphore(%run_scoped3A : memref<!tpu.dma_semaphore, #tpu.memory_space<semaphore_mem>>) src(%dma_wait3A_75 : memref<8192xi32, #tpu.memory_space<hbm>>) dst(%arg15 : memref<8192xi32, #tpu.memory_space<vmem>>)
      tpu.yield
    }) : () -> ()
    %mul3A_43 = arith.constant 8192 : i32
    %mul3A_44 = arith.muli %select_n3A_30, %mul3A_43 : i32
    "tpu.region"() ({
      %run_scoped3A = tpu.sem_alloc : memref<!tpu.dma_semaphore, #tpu.memory_space<semaphore_mem>>
      %dma_start3A_68 = tpu.memref_slice %arg5[%select_n3A, %mul3A_44] : memref<8x32768xi32, #tpu.memory_space<hbm>> -> memref<1x8192xi32, #tpu.memory_space<hbm>>
      %dma_start3A_69 = tpu.memref_squeeze %dma_start3A_68 : memref<1x8192xi32, #tpu.memory_space<hbm>> -> memref<8192xi32, #tpu.memory_space<hbm>>
      %dma_start3A_70 = tpu.memref_slice %arg5[%select_n3A, %mul3A_44] : memref<8x32768xi32, #tpu.memory_space<hbm>> -> memref<1x8192xi32, #tpu.memory_space<hbm>>
      %dma_start3A_71 = tpu.memref_squeeze %dma_start3A_70 : memref<1x8192xi32, #tpu.memory_space<hbm>> -> memref<8192xi32, #tpu.memory_space<hbm>>
      tpu.enqueue_dma source(%dma_start3A_71 : memref<8192xi32, #tpu.memory_space<hbm>>) target(%arg16 : memref<8192xi32, #tpu.memory_space<vmem>>) target_semaphore(%run_scoped3A : memref<!tpu.dma_semaphore, #tpu.memory_space<semaphore_mem>>)
      %dma_wait3A_72 = tpu.memref_slice %arg5[%select_n3A, %mul3A_44] : memref<8x32768xi32, #tpu.memory_space<hbm>> -> memref<1x8192xi32, #tpu.memory_space<hbm>>
      %dma_wait3A_73 = tpu.memref_squeeze %dma_wait3A_72 : memref<1x8192xi32, #tpu.memory_space<hbm>> -> memref<8192xi32, #tpu.memory_space<hbm>>
      %dma_wait3A_74 = tpu.memref_slice %arg5[%select_n3A, %mul3A_44] : memref<8x32768xi32, #tpu.memory_space<hbm>> -> memref<1x8192xi32, #tpu.memory_space<hbm>>
      %dma_wait3A_75 = tpu.memref_squeeze %dma_wait3A_74 : memref<1x8192xi32, #tpu.memory_space<hbm>> -> memref<8192xi32, #tpu.memory_space<hbm>>
      tpu.wait_dma2 semaphore(%run_scoped3A : memref<!tpu.dma_semaphore, #tpu.memory_space<semaphore_mem>>) src(%dma_wait3A_75 : memref<8192xi32, #tpu.memory_space<hbm>>) dst(%arg16 : memref<8192xi32, #tpu.memory_space<vmem>>)
      tpu.yield
    }) : () -> ()
    %scan3A = arith.constant 0 : i32
    %scan3A_45 = arith.constant 0 : i32
    %scan3A_46 = arith.constant 128 : i32
    %scan3A_47 = arith.addi %scan3A_45, %scan3A_46 : i32
    %scan3A_48 = arith.constant 1 : i32
    %scan3A_49 = scf.for %scan3A_68 = %scan3A_45 to %scan3A_47 step %scan3A_48 iter_args(%scan3A_69 = %scan3A) -> (i32)  : i32 {
      %broadcast_in_dim3A_70 = arith.constant 0.000000e+00 : f32
      %broadcast_in_dim3A_71 = vector.broadcast %broadcast_in_dim3A_70 : f32 to vector<16xf32>
      %mul3A_72 = arith.constant 16 : i32
      %mul3A_73 = arith.muli %scan3A_68, %mul3A_72 : i32
      %swap3A = arith.index_cast %mul3A_73 : i32 to index
      %swap3A_74 = tpu.vector_load %arg19[%swap3A] {strides = array<i32>} : memref<2048xf32, #tpu.memory_space<vmem>>, vector<16xf32>,
      tpu.vector_store %arg19[%swap3A], %broadcast_in_dim3A_71 {strides = array<i32>} : memref<2048xf32, #tpu.memory_space<vmem>>, vector<16xf32>,
      %mul3A_75 = arith.constant 16 : i32
      %mul3A_76 = arith.muli %scan3A_68, %mul3A_75 : i32
      %swap3A_77 = arith.index_cast %mul3A_76 : i32 to index
      %swap3A_78 = tpu.vector_load %arg20[%swap3A_77] {strides = array<i32>} : memref<2048xf32, #tpu.memory_space<vmem>>, vector<16xf32>,
      tpu.vector_store %arg20[%swap3A_77], %broadcast_in_dim3A_71 {strides = array<i32>} : memref<2048xf32, #tpu.memory_space<vmem>>, vector<16xf32>,
      %mul3A_79 = arith.constant 16 : i32
      %mul3A_80 = arith.muli %scan3A_68, %mul3A_79 : i32
      %swap3A_81 = arith.index_cast %mul3A_80 : i32 to index
      %swap3A_82 = tpu.vector_load %arg21[%swap3A_81] {strides = array<i32>} : memref<2048xf32, #tpu.memory_space<vmem>>, vector<16xf32>,
      tpu.vector_store %arg21[%swap3A_81], %broadcast_in_dim3A_71 {strides = array<i32>} : memref<2048xf32, #tpu.memory_space<vmem>>, vector<16xf32>,
      %scan3A_83 = arith.constant 0 : i32
      scf.yield %scan3A_83 : i32
    }
    %scan3A_50 = arith.constant 128 : i32
    %broadcast_in_dim3A = arith.constant 1.000000e+00 : f32
    %broadcast_in_dim3A_51 = vector.broadcast %broadcast_in_dim3A : f32 to vector<16xf32>
    %scan3A_52 = arith.constant 0 : i32
    %scan3A_53 = arith.constant 0 : i32
    %scan3A_54 = arith.constant 32 : i32
    %scan3A_55 = arith.addi %scan3A_53, %scan3A_54 : i32
    %scan3A_56 = arith.constant 1 : i32
    %scan3A_57 = scf.for %scan3A_68 = %scan3A_53 to %scan3A_55 step %scan3A_56 iter_args(%scan3A_69 = %scan3A_52) -> (i32)  : i32 {
      %mul3A_70 = arith.constant 512 : i32
      %mul3A_71 = arith.muli %select_n3A_30, %mul3A_70 : i32
      %mul3A_72 = arith.constant 16 : i32
      %mul3A_73 = arith.muli %scan3A_68, %mul3A_72 : i32
      %add3A_74 = arith.addi %mul3A_71, %mul3A_73 : i32
      %get3A = arith.index_cast %add3A_74 : i32 to index
      %get3A_75 = tpu.vector_load %arg18[%get3A] {strides = array<i32>} : memref<2048xf32, #tpu.memory_space<vmem>>, vector<16xf32>,
      %convert_element_type3A = arith.fptosi %get3A_75 : vector<16xf32> to vector<16xi32>
      tpu.vector_store_idx %arg21[%convert_element_type3A], %broadcast_in_dim3A_51 {add = true} : memref<2048xf32, #tpu.memory_space<vmem>>[vector<16xi32>], vector<16xf32>,
      %scan3A_76 = arith.constant 0 : i32
      scf.yield %scan3A_76 : i32
    }
    %scan3A_58 = arith.constant 32 : i32
    %scan3A_59 = arith.constant 0 : i32
    %scan3A_60 = arith.constant 0 : i32
    %scan3A_61 = arith.constant 64 : i32
    %scan3A_62 = arith.addi %scan3A_60, %scan3A_61 : i32
    %scan3A_63 = arith.constant 1 : i32
    %scan3A_64 = scf.for %scan3A_68 = %scan3A_60 to %scan3A_62 step %scan3A_63 iter_args(%scan3A_69 = %scan3A_59) -> (i32)  : i32 {
      %mul3A_70 = arith.constant 128 : i32
      %mul3A_71 = arith.muli %scan3A_68, %mul3A_70 : i32
      %add3A_72 = arith.constant 0 : i32
      %add3A_73 = arith.addi %mul3A_71, %add3A_72 : i32
      %get3A = arith.index_cast %add3A_73 : i32 to index
      %get3A_74 = tpu.vector_load %arg13[%get3A] {strides = array<i32>} : memref<8192xi32, #tpu.memory_space<vmem>>, vector<16xi32>,
      %get3A_75 = arith.index_cast %add3A_73 : i32 to index
      %get3A_76 = tpu.vector_load %arg14[%get3A_75] {strides = array<i32>} : memref<8192xi32, #tpu.memory_space<vmem>>, vector<16xi32>,
      %eq3A_77 = arith.cmpi eq, %get3A_74, %get3A_76 : vector<16xi32>
      %jit3A_78 = arith.constant 1.000000e+00 : f32
      %jit3A_79 = arith.constant 0.000000e+00 : f32
      %broadcast_in_dim3A_80 = vector.broadcast %jit3A_78 : f32 to vector<16xf32>
      %broadcast_in_dim3A_81 = vector.broadcast %jit3A_79 : f32 to vector<16xf32>
      %select_n3A_82 = arith.select %eq3A_77, %broadcast_in_dim3A_80, %broadcast_in_dim3A_81 : vector<16xi1>, vector<16xf32>
      %swap3A = arith.index_cast %add3A_73 : i32 to index
      %swap3A_83 = tpu.vector_load %arg17[%swap3A] {strides = array<i32>} : memref<8192xf32, #tpu.memory_space<vmem>>, vector<16xf32>,
      tpu.vector_store %arg17[%swap3A], %select_n3A_82 {strides = array<i32>} : memref<8192xf32, #tpu.memory_space<vmem>>, vector<16xf32>,
      %get3A_84 = arith.index_cast %add3A_73 : i32 to index
      %get3A_85 = tpu.vector_load %arg15[%get3A_84] {strides = array<i32>} : memref<8192xi32, #tpu.memory_space<vmem>>, vector<16xi32>,
      %get3A_86 = arith.index_cast %add3A_73 : i32 to index
      %get3A_87 = tpu.vector_load %arg16[%get3A_86] {strides = array<i32>} : memref<8192xi32, #tpu.memory_space<vmem>>, vector<16xi32>,
      tpu.vector_store_idx %arg19[%get3A_85], %select_n3A_82 {add = true} : memref<2048xf32, #tpu.memory_space<vmem>>[vector<16xi32>], vector<16xf32>,
      %gather3A = tpu.vector_load_idx %arg18[%get3A_87] : memref<2048xf32, #tpu.memory_space<vmem>>[vector<16xi32>], vector<16xf32>,
      %mul3A_88 = arith.mulf %gather3A, %select_n3A_82 : vector<16xf32>
      tpu.vector_store_idx %arg20[%get3A_85], %mul3A_88 {add = true} : memref<2048xf32, #tpu.memory_space<vmem>>[vector<16xi32>], vector<16xf32>,
      %mul3A_89 = arith.constant 128 : i32
      %mul3A_90 = arith.muli %scan3A_68, %mul3A_89 : i32
      %add3A_91 = arith.constant 16 : i32
      %add3A_92 = arith.addi %mul3A_90, %add3A_91 : i32
      %get3A_93 = arith.index_cast %add3A_92 : i32 to index
      %get3A_94 = tpu.vector_load %arg13[%get3A_93] {strides = array<i32>} : memref<8192xi32, #tpu.memory_space<vmem>>, vector<16xi32>,
      %get3A_95 = arith.index_cast %add3A_92 : i32 to index
      %get3A_96 = tpu.vector_load %arg14[%get3A_95] {strides = array<i32>} : memref<8192xi32, #tpu.memory_space<vmem>>, vector<16xi32>,
      %eq3A_97 = arith.cmpi eq, %get3A_94, %get3A_96 : vector<16xi32>
      %jit3A_98 = arith.constant 1.000000e+00 : f32
      %jit3A_99 = arith.constant 0.000000e+00 : f32
      %broadcast_in_dim3A_100 = vector.broadcast %jit3A_98 : f32 to vector<16xf32>
      %broadcast_in_dim3A_101 = vector.broadcast %jit3A_99 : f32 to vector<16xf32>
      %select_n3A_102 = arith.select %eq3A_97, %broadcast_in_dim3A_100, %broadcast_in_dim3A_101 : vector<16xi1>, vector<16xf32>
      %swap3A_103 = arith.index_cast %add3A_92 : i32 to index
      %swap3A_104 = tpu.vector_load %arg17[%swap3A_103] {strides = array<i32>} : memref<8192xf32, #tpu.memory_space<vmem>>, vector<16xf32>,
      tpu.vector_store %arg17[%swap3A_103], %select_n3A_102 {strides = array<i32>} : memref<8192xf32, #tpu.memory_space<vmem>>, vector<16xf32>,
      %get3A_105 = arith.index_cast %add3A_92 : i32 to index
      %get3A_106 = tpu.vector_load %arg15[%get3A_105] {strides = array<i32>} : memref<8192xi32, #tpu.memory_space<vmem>>, vector<16xi32>,
      %get3A_107 = arith.index_cast %add3A_92 : i32 to index
      %get3A_108 = tpu.vector_load %arg16[%get3A_107] {strides = array<i32>} : memref<8192xi32, #tpu.memory_space<vmem>>, vector<16xi32>,
      tpu.vector_store_idx %arg19[%get3A_106], %select_n3A_102 {add = true} : memref<2048xf32, #tpu.memory_space<vmem>>[vector<16xi32>], vector<16xf32>,
      %gather3A_109 = tpu.vector_load_idx %arg18[%get3A_108] : memref<2048xf32, #tpu.memory_space<vmem>>[vector<16xi32>], vector<16xf32>,
      %mul3A_110 = arith.mulf %gather3A_109, %select_n3A_102 : vector<16xf32>
      tpu.vector_store_idx %arg20[%get3A_106], %mul3A_110 {add = true} : memref<2048xf32, #tpu.memory_space<vmem>>[vector<16xi32>], vector<16xf32>,
      %mul3A_111 = arith.constant 128 : i32
      %mul3A_112 = arith.muli %scan3A_68, %mul3A_111 : i32
      %add3A_113 = arith.constant 32 : i32
      %add3A_114 = arith.addi %mul3A_112, %add3A_113 : i32
      %get3A_115 = arith.index_cast %add3A_114 : i32 to index
      %get3A_116 = tpu.vector_load %arg13[%get3A_115] {strides = array<i32>} : memref<8192xi32, #tpu.memory_space<vmem>>, vector<16xi32>,
      %get3A_117 = arith.index_cast %add3A_114 : i32 to index
      %get3A_118 = tpu.vector_load %arg14[%get3A_117] {strides = array<i32>} : memref<8192xi32, #tpu.memory_space<vmem>>, vector<16xi32>,
      %eq3A_119 = arith.cmpi eq, %get3A_116, %get3A_118 : vector<16xi32>
      %jit3A_120 = arith.constant 1.000000e+00 : f32
      %jit3A_121 = arith.constant 0.000000e+00 : f32
      %broadcast_in_dim3A_122 = vector.broadcast %jit3A_120 : f32 to vector<16xf32>
      %broadcast_in_dim3A_123 = vector.broadcast %jit3A_121 : f32 to vector<16xf32>
      %select_n3A_124 = arith.select %eq3A_119, %broadcast_in_dim3A_122, %broadcast_in_dim3A_123 : vector<16xi1>, vector<16xf32>
      %swap3A_125 = arith.index_cast %add3A_114 : i32 to index
      %swap3A_126 = tpu.vector_load %arg17[%swap3A_125] {strides = array<i32>} : memref<8192xf32, #tpu.memory_space<vmem>>, vector<16xf32>,
      tpu.vector_store %arg17[%swap3A_125], %select_n3A_124 {strides = array<i32>} : memref<8192xf32, #tpu.memory_space<vmem>>, vector<16xf32>,
      %get3A_127 = arith.index_cast %add3A_114 : i32 to index
      %get3A_128 = tpu.vector_load %arg15[%get3A_127] {strides = array<i32>} : memref<8192xi32, #tpu.memory_space<vmem>>, vector<16xi32>,
      %get3A_129 = arith.index_cast %add3A_114 : i32 to index
      %get3A_130 = tpu.vector_load %arg16[%get3A_129] {strides = array<i32>} : memref<8192xi32, #tpu.memory_space<vmem>>, vector<16xi32>,
      tpu.vector_store_idx %arg19[%get3A_128], %select_n3A_124 {add = true} : memref<2048xf32, #tpu.memory_space<vmem>>[vector<16xi32>], vector<16xf32>,
      %gather3A_131 = tpu.vector_load_idx %arg18[%get3A_130] : memref<2048xf32, #tpu.memory_space<vmem>>[vector<16xi32>], vector<16xf32>,
      %mul3A_132 = arith.mulf %gather3A_131, %select_n3A_124 : vector<16xf32>
      tpu.vector_store_idx %arg20[%get3A_128], %mul3A_132 {add = true} : memref<2048xf32, #tpu.memory_space<vmem>>[vector<16xi32>], vector<16xf32>,
      %mul3A_133 = arith.constant 128 : i32
      %mul3A_134 = arith.muli %scan3A_68, %mul3A_133 : i32
      %add3A_135 = arith.constant 48 : i32
      %add3A_136 = arith.addi %mul3A_134, %add3A_135 : i32
      %get3A_137 = arith.index_cast %add3A_136 : i32 to index
      %get3A_138 = tpu.vector_load %arg13[%get3A_137] {strides = array<i32>} : memref<8192xi32, #tpu.memory_space<vmem>>, vector<16xi32>,
      %get3A_139 = arith.index_cast %add3A_136 : i32 to index
      %get3A_140 = tpu.vector_load %arg14[%get3A_139] {strides = array<i32>} : memref<8192xi32, #tpu.memory_space<vmem>>, vector<16xi32>,
      %eq3A_141 = arith.cmpi eq, %get3A_138, %get3A_140 : vector<16xi32>
      %jit3A_142 = arith.constant 1.000000e+00 : f32
      %jit3A_143 = arith.constant 0.000000e+00 : f32
      %broadcast_in_dim3A_144 = vector.broadcast %jit3A_142 : f32 to vector<16xf32>
      %broadcast_in_dim3A_145 = vector.broadcast %jit3A_143 : f32 to vector<16xf32>
      %select_n3A_146 = arith.select %eq3A_141, %broadcast_in_dim3A_144, %broadcast_in_dim3A_145 : vector<16xi1>, vector<16xf32>
      %swap3A_147 = arith.index_cast %add3A_136 : i32 to index
      %swap3A_148 = tpu.vector_load %arg17[%swap3A_147] {strides = array<i32>} : memref<8192xf32, #tpu.memory_space<vmem>>, vector<16xf32>,
      tpu.vector_store %arg17[%swap3A_147], %select_n3A_146 {strides = array<i32>} : memref<8192xf32, #tpu.memory_space<vmem>>, vector<16xf32>,
      %get3A_149 = arith.index_cast %add3A_136 : i32 to index
      %get3A_150 = tpu.vector_load %arg15[%get3A_149] {strides = array<i32>} : memref<8192xi32, #tpu.memory_space<vmem>>, vector<16xi32>,
      %get3A_151 = arith.index_cast %add3A_136 : i32 to index
      %get3A_152 = tpu.vector_load %arg16[%get3A_151] {strides = array<i32>} : memref<8192xi32, #tpu.memory_space<vmem>>, vector<16xi32>,
      tpu.vector_store_idx %arg19[%get3A_150], %select_n3A_146 {add = true} : memref<2048xf32, #tpu.memory_space<vmem>>[vector<16xi32>], vector<16xf32>,
      %gather3A_153 = tpu.vector_load_idx %arg18[%get3A_152] : memref<2048xf32, #tpu.memory_space<vmem>>[vector<16xi32>], vector<16xf32>,
      %mul3A_154 = arith.mulf %gather3A_153, %select_n3A_146 : vector<16xf32>
      tpu.vector_store_idx %arg20[%get3A_150], %mul3A_154 {add = true} : memref<2048xf32, #tpu.memory_space<vmem>>[vector<16xi32>], vector<16xf32>,
      %mul3A_155 = arith.constant 128 : i32
      %mul3A_156 = arith.muli %scan3A_68, %mul3A_155 : i32
      %add3A_157 = arith.constant 64 : i32
      %add3A_158 = arith.addi %mul3A_156, %add3A_157 : i32
      %get3A_159 = arith.index_cast %add3A_158 : i32 to index
      %get3A_160 = tpu.vector_load %arg13[%get3A_159] {strides = array<i32>} : memref<8192xi32, #tpu.memory_space<vmem>>, vector<16xi32>,
      %get3A_161 = arith.index_cast %add3A_158 : i32 to index
      %get3A_162 = tpu.vector_load %arg14[%get3A_161] {strides = array<i32>} : memref<8192xi32, #tpu.memory_space<vmem>>, vector<16xi32>,
      %eq3A_163 = arith.cmpi eq, %get3A_160, %get3A_162 : vector<16xi32>
      %jit3A_164 = arith.constant 1.000000e+00 : f32
      %jit3A_165 = arith.constant 0.000000e+00 : f32
      %broadcast_in_dim3A_166 = vector.broadcast %jit3A_164 : f32 to vector<16xf32>
      %broadcast_in_dim3A_167 = vector.broadcast %jit3A_165 : f32 to vector<16xf32>
      %select_n3A_168 = arith.select %eq3A_163, %broadcast_in_dim3A_166, %broadcast_in_dim3A_167 : vector<16xi1>, vector<16xf32>
      %swap3A_169 = arith.index_cast %add3A_158 : i32 to index
      %swap3A_170 = tpu.vector_load %arg17[%swap3A_169] {strides = array<i32>} : memref<8192xf32, #tpu.memory_space<vmem>>, vector<16xf32>,
      tpu.vector_store %arg17[%swap3A_169], %select_n3A_168 {strides = array<i32>} : memref<8192xf32, #tpu.memory_space<vmem>>, vector<16xf32>,
      %get3A_171 = arith.index_cast %add3A_158 : i32 to index
      %get3A_172 = tpu.vector_load %arg15[%get3A_171] {strides = array<i32>} : memref<8192xi32, #tpu.memory_space<vmem>>, vector<16xi32>,
      %get3A_173 = arith.index_cast %add3A_158 : i32 to index
      %get3A_174 = tpu.vector_load %arg16[%get3A_173] {strides = array<i32>} : memref<8192xi32, #tpu.memory_space<vmem>>, vector<16xi32>,
      tpu.vector_store_idx %arg19[%get3A_172], %select_n3A_168 {add = true} : memref<2048xf32, #tpu.memory_space<vmem>>[vector<16xi32>], vector<16xf32>,
      %gather3A_175 = tpu.vector_load_idx %arg18[%get3A_174] : memref<2048xf32, #tpu.memory_space<vmem>>[vector<16xi32>], vector<16xf32>,
      %mul3A_176 = arith.mulf %gather3A_175, %select_n3A_168 : vector<16xf32>
      tpu.vector_store_idx %arg20[%get3A_172], %mul3A_176 {add = true} : memref<2048xf32, #tpu.memory_space<vmem>>[vector<16xi32>], vector<16xf32>,
      %mul3A_177 = arith.constant 128 : i32
      %mul3A_178 = arith.muli %scan3A_68, %mul3A_177 : i32
      %add3A_179 = arith.constant 80 : i32
      %add3A_180 = arith.addi %mul3A_178, %add3A_179 : i32
      %get3A_181 = arith.index_cast %add3A_180 : i32 to index
      %get3A_182 = tpu.vector_load %arg13[%get3A_181] {strides = array<i32>} : memref<8192xi32, #tpu.memory_space<vmem>>, vector<16xi32>,
      %get3A_183 = arith.index_cast %add3A_180 : i32 to index
      %get3A_184 = tpu.vector_load %arg14[%get3A_183] {strides = array<i32>} : memref<8192xi32, #tpu.memory_space<vmem>>, vector<16xi32>,
      %eq3A_185 = arith.cmpi eq, %get3A_182, %get3A_184 : vector<16xi32>
      %jit3A_186 = arith.constant 1.000000e+00 : f32
      %jit3A_187 = arith.constant 0.000000e+00 : f32
      %broadcast_in_dim3A_188 = vector.broadcast %jit3A_186 : f32 to vector<16xf32>
      %broadcast_in_dim3A_189 = vector.broadcast %jit3A_187 : f32 to vector<16xf32>
      %select_n3A_190 = arith.select %eq3A_185, %broadcast_in_dim3A_188, %broadcast_in_dim3A_189 : vector<16xi1>, vector<16xf32>
      %swap3A_191 = arith.index_cast %add3A_180 : i32 to index
      %swap3A_192 = tpu.vector_load %arg17[%swap3A_191] {strides = array<i32>} : memref<8192xf32, #tpu.memory_space<vmem>>, vector<16xf32>,
      tpu.vector_store %arg17[%swap3A_191], %select_n3A_190 {strides = array<i32>} : memref<8192xf32, #tpu.memory_space<vmem>>, vector<16xf32>,
      %get3A_193 = arith.index_cast %add3A_180 : i32 to index
      %get3A_194 = tpu.vector_load %arg15[%get3A_193] {strides = array<i32>} : memref<8192xi32, #tpu.memory_space<vmem>>, vector<16xi32>,
      %get3A_195 = arith.index_cast %add3A_180 : i32 to index
      %get3A_196 = tpu.vector_load %arg16[%get3A_195] {strides = array<i32>} : memref<8192xi32, #tpu.memory_space<vmem>>, vector<16xi32>,
      tpu.vector_store_idx %arg19[%get3A_194], %select_n3A_190 {add = true} : memref<2048xf32, #tpu.memory_space<vmem>>[vector<16xi32>], vector<16xf32>,
      %gather3A_197 = tpu.vector_load_idx %arg18[%get3A_196] : memref<2048xf32, #tpu.memory_space<vmem>>[vector<16xi32>], vector<16xf32>,
      %mul3A_198 = arith.mulf %gather3A_197, %select_n3A_190 : vector<16xf32>
      tpu.vector_store_idx %arg20[%get3A_194], %mul3A_198 {add = true} : memref<2048xf32, #tpu.memory_space<vmem>>[vector<16xi32>], vector<16xf32>,
      %mul3A_199 = arith.constant 128 : i32
      %mul3A_200 = arith.muli %scan3A_68, %mul3A_199 : i32
      %add3A_201 = arith.constant 96 : i32
      %add3A_202 = arith.addi %mul3A_200, %add3A_201 : i32
      %get3A_203 = arith.index_cast %add3A_202 : i32 to index
      %get3A_204 = tpu.vector_load %arg13[%get3A_203] {strides = array<i32>} : memref<8192xi32, #tpu.memory_space<vmem>>, vector<16xi32>,
      %get3A_205 = arith.index_cast %add3A_202 : i32 to index
      %get3A_206 = tpu.vector_load %arg14[%get3A_205] {strides = array<i32>} : memref<8192xi32, #tpu.memory_space<vmem>>, vector<16xi32>,
      %eq3A_207 = arith.cmpi eq, %get3A_204, %get3A_206 : vector<16xi32>
      %jit3A_208 = arith.constant 1.000000e+00 : f32
      %jit3A_209 = arith.constant 0.000000e+00 : f32
      %broadcast_in_dim3A_210 = vector.broadcast %jit3A_208 : f32 to vector<16xf32>
      %broadcast_in_dim3A_211 = vector.broadcast %jit3A_209 : f32 to vector<16xf32>
      %select_n3A_212 = arith.select %eq3A_207, %broadcast_in_dim3A_210, %broadcast_in_dim3A_211 : vector<16xi1>, vector<16xf32>
      %swap3A_213 = arith.index_cast %add3A_202 : i32 to index
      %swap3A_214 = tpu.vector_load %arg17[%swap3A_213] {strides = array<i32>} : memref<8192xf32, #tpu.memory_space<vmem>>, vector<16xf32>,
      tpu.vector_store %arg17[%swap3A_213], %select_n3A_212 {strides = array<i32>} : memref<8192xf32, #tpu.memory_space<vmem>>, vector<16xf32>,
      %get3A_215 = arith.index_cast %add3A_202 : i32 to index
      %get3A_216 = tpu.vector_load %arg15[%get3A_215] {strides = array<i32>} : memref<8192xi32, #tpu.memory_space<vmem>>, vector<16xi32>,
      %get3A_217 = arith.index_cast %add3A_202 : i32 to index
      %get3A_218 = tpu.vector_load %arg16[%get3A_217] {strides = array<i32>} : memref<8192xi32, #tpu.memory_space<vmem>>, vector<16xi32>,
      tpu.vector_store_idx %arg19[%get3A_216], %select_n3A_212 {add = true} : memref<2048xf32, #tpu.memory_space<vmem>>[vector<16xi32>], vector<16xf32>,
      %gather3A_219 = tpu.vector_load_idx %arg18[%get3A_218] : memref<2048xf32, #tpu.memory_space<vmem>>[vector<16xi32>], vector<16xf32>,
      %mul3A_220 = arith.mulf %gather3A_219, %select_n3A_212 : vector<16xf32>
      tpu.vector_store_idx %arg20[%get3A_216], %mul3A_220 {add = true} : memref<2048xf32, #tpu.memory_space<vmem>>[vector<16xi32>], vector<16xf32>,
      %mul3A_221 = arith.constant 128 : i32
      %mul3A_222 = arith.muli %scan3A_68, %mul3A_221 : i32
      %add3A_223 = arith.constant 112 : i32
      %add3A_224 = arith.addi %mul3A_222, %add3A_223 : i32
      %get3A_225 = arith.index_cast %add3A_224 : i32 to index
      %get3A_226 = tpu.vector_load %arg13[%get3A_225] {strides = array<i32>} : memref<8192xi32, #tpu.memory_space<vmem>>, vector<16xi32>,
      %get3A_227 = arith.index_cast %add3A_224 : i32 to index
      %get3A_228 = tpu.vector_load %arg14[%get3A_227] {strides = array<i32>} : memref<8192xi32, #tpu.memory_space<vmem>>, vector<16xi32>,
      %eq3A_229 = arith.cmpi eq, %get3A_226, %get3A_228 : vector<16xi32>
      %jit3A_230 = arith.constant 1.000000e+00 : f32
      %jit3A_231 = arith.constant 0.000000e+00 : f32
      %broadcast_in_dim3A_232 = vector.broadcast %jit3A_230 : f32 to vector<16xf32>
      %broadcast_in_dim3A_233 = vector.broadcast %jit3A_231 : f32 to vector<16xf32>
      %select_n3A_234 = arith.select %eq3A_229, %broadcast_in_dim3A_232, %broadcast_in_dim3A_233 : vector<16xi1>, vector<16xf32>
      %swap3A_235 = arith.index_cast %add3A_224 : i32 to index
      %swap3A_236 = tpu.vector_load %arg17[%swap3A_235] {strides = array<i32>} : memref<8192xf32, #tpu.memory_space<vmem>>, vector<16xf32>,
      tpu.vector_store %arg17[%swap3A_235], %select_n3A_234 {strides = array<i32>} : memref<8192xf32, #tpu.memory_space<vmem>>, vector<16xf32>,
      %get3A_237 = arith.index_cast %add3A_224 : i32 to index
      %get3A_238 = tpu.vector_load %arg15[%get3A_237] {strides = array<i32>} : memref<8192xi32, #tpu.memory_space<vmem>>, vector<16xi32>,
      %get3A_239 = arith.index_cast %add3A_224 : i32 to index
      %get3A_240 = tpu.vector_load %arg16[%get3A_239] {strides = array<i32>} : memref<8192xi32, #tpu.memory_space<vmem>>, vector<16xi32>,
      tpu.vector_store_idx %arg19[%get3A_238], %select_n3A_234 {add = true} : memref<2048xf32, #tpu.memory_space<vmem>>[vector<16xi32>], vector<16xf32>,
      %gather3A_241 = tpu.vector_load_idx %arg18[%get3A_240] : memref<2048xf32, #tpu.memory_space<vmem>>[vector<16xi32>], vector<16xf32>,
      %mul3A_242 = arith.mulf %gather3A_241, %select_n3A_234 : vector<16xf32>
      tpu.vector_store_idx %arg20[%get3A_238], %mul3A_242 {add = true} : memref<2048xf32, #tpu.memory_space<vmem>>[vector<16xi32>], vector<16xf32>,
      %scan3A_243 = arith.constant 0 : i32
      scf.yield %scan3A_243 : i32
    }
    %scan3A_65 = arith.constant 64 : i32
    %mul3A_66 = arith.constant 8192 : i32
    %mul3A_67 = arith.muli %select_n3A_30, %mul3A_66 : i32
    "tpu.region"() ({
      %run_scoped3A = tpu.sem_alloc : memref<!tpu.dma_semaphore, #tpu.memory_space<semaphore_mem>>
      %dma_start3A_68 = tpu.memref_slice %arg7[%select_n3A, %mul3A_67] : memref<8x32768xf32, #tpu.memory_space<hbm>> -> memref<1x8192xf32, #tpu.memory_space<hbm>>
      %dma_start3A_69 = tpu.memref_squeeze %dma_start3A_68 : memref<1x8192xf32, #tpu.memory_space<hbm>> -> memref<8192xf32, #tpu.memory_space<hbm>>
      %dma_start3A_70 = tpu.memref_slice %arg7[%select_n3A, %mul3A_67] : memref<8x32768xf32, #tpu.memory_space<hbm>> -> memref<1x8192xf32, #tpu.memory_space<hbm>>
      %dma_start3A_71 = tpu.memref_squeeze %dma_start3A_70 : memref<1x8192xf32, #tpu.memory_space<hbm>> -> memref<8192xf32, #tpu.memory_space<hbm>>
      tpu.enqueue_dma source(%arg17 : memref<8192xf32, #tpu.memory_space<vmem>>) target(%dma_start3A_71 : memref<8192xf32, #tpu.memory_space<hbm>>) target_semaphore(%run_scoped3A : memref<!tpu.dma_semaphore, #tpu.memory_space<semaphore_mem>>)
      %dma_wait3A_72 = tpu.memref_slice %arg7[%select_n3A, %mul3A_67] : memref<8x32768xf32, #tpu.memory_space<hbm>> -> memref<1x8192xf32, #tpu.memory_space<hbm>>
      %dma_wait3A_73 = tpu.memref_squeeze %dma_wait3A_72 : memref<1x8192xf32, #tpu.memory_space<hbm>> -> memref<8192xf32, #tpu.memory_space<hbm>>
      %dma_wait3A_74 = tpu.memref_slice %arg7[%select_n3A, %mul3A_67] : memref<8x32768xf32, #tpu.memory_space<hbm>> -> memref<1x8192xf32, #tpu.memory_space<hbm>>
      %dma_wait3A_75 = tpu.memref_squeeze %dma_wait3A_74 : memref<1x8192xf32, #tpu.memory_space<hbm>> -> memref<8192xf32, #tpu.memory_space<hbm>>
      tpu.wait_dma2 semaphore(%run_scoped3A : memref<!tpu.dma_semaphore, #tpu.memory_space<semaphore_mem>>) src(%arg17 : memref<8192xf32, #tpu.memory_space<vmem>>) dst(%dma_wait3A_75 : memref<8192xf32, #tpu.memory_space<hbm>>)
      tpu.yield
    }) : () -> ()
    "tpu.region"() ({
      %run_scoped3A = tpu.sem_alloc : memref<!tpu.dma_semaphore, #tpu.memory_space<semaphore_mem>>
      %dma_start3A_68 = arith.constant 0 : i32
      %dma_start3A_69 = tpu.memref_slice %arg8[%select_n3A, %select_n3A_30, %dma_start3A_68] : memref<8x4x2048xf32, #tpu.memory_space<hbm>> -> memref<1x1x2048xf32, #tpu.memory_space<hbm>>
      %dma_start3A_70 = tpu.memref_squeeze %dma_start3A_69 : memref<1x1x2048xf32, #tpu.memory_space<hbm>> -> memref<2048xf32, #tpu.memory_space<hbm>>
      %dma_start3A_71 = arith.constant 0 : i32
      %dma_start3A_72 = tpu.memref_slice %arg8[%select_n3A, %select_n3A_30, %dma_start3A_71] : memref<8x4x2048xf32, #tpu.memory_space<hbm>> -> memref<1x1x2048xf32, #tpu.memory_space<hbm>>
      %dma_start3A_73 = tpu.memref_squeeze %dma_start3A_72 : memref<1x1x2048xf32, #tpu.memory_space<hbm>> -> memref<2048xf32, #tpu.memory_space<hbm>>
      tpu.enqueue_dma source(%arg19 : memref<2048xf32, #tpu.memory_space<vmem>>) target(%dma_start3A_73 : memref<2048xf32, #tpu.memory_space<hbm>>) target_semaphore(%run_scoped3A : memref<!tpu.dma_semaphore, #tpu.memory_space<semaphore_mem>>)
      %dma_wait3A_74 = arith.constant 0 : i32
      %dma_wait3A_75 = tpu.memref_slice %arg8[%select_n3A, %select_n3A_30, %dma_wait3A_74] : memref<8x4x2048xf32, #tpu.memory_space<hbm>> -> memref<1x1x2048xf32, #tpu.memory_space<hbm>>
      %dma_wait3A_76 = tpu.memref_squeeze %dma_wait3A_75 : memref<1x1x2048xf32, #tpu.memory_space<hbm>> -> memref<2048xf32, #tpu.memory_space<hbm>>
      %dma_wait3A_77 = arith.constant 0 : i32
      %dma_wait3A_78 = tpu.memref_slice %arg8[%select_n3A, %select_n3A_30, %dma_wait3A_77] : memref<8x4x2048xf32, #tpu.memory_space<hbm>> -> memref<1x1x2048xf32, #tpu.memory_space<hbm>>
      %dma_wait3A_79 = tpu.memref_squeeze %dma_wait3A_78 : memref<1x1x2048xf32, #tpu.memory_space<hbm>> -> memref<2048xf32, #tpu.memory_space<hbm>>
      tpu.wait_dma2 semaphore(%run_scoped3A : memref<!tpu.dma_semaphore, #tpu.memory_space<semaphore_mem>>) src(%arg19 : memref<2048xf32, #tpu.memory_space<vmem>>) dst(%dma_wait3A_79 : memref<2048xf32, #tpu.memory_space<hbm>>)
      tpu.yield
    }) : () -> ()
    "tpu.region"() ({
      %run_scoped3A = tpu.sem_alloc : memref<!tpu.dma_semaphore, #tpu.memory_space<semaphore_mem>>
      %dma_start3A_68 = arith.constant 0 : i32
      %dma_start3A_69 = tpu.memref_slice %arg9[%select_n3A, %select_n3A_30, %dma_start3A_68] : memref<8x4x2048xf32, #tpu.memory_space<hbm>> -> memref<1x1x2048xf32, #tpu.memory_space<hbm>>
      %dma_start3A_70 = tpu.memref_squeeze %dma_start3A_69 : memref<1x1x2048xf32, #tpu.memory_space<hbm>> -> memref<2048xf32, #tpu.memory_space<hbm>>
      %dma_start3A_71 = arith.constant 0 : i32
      %dma_start3A_72 = tpu.memref_slice %arg9[%select_n3A, %select_n3A_30, %dma_start3A_71] : memref<8x4x2048xf32, #tpu.memory_space<hbm>> -> memref<1x1x2048xf32, #tpu.memory_space<hbm>>
      %dma_start3A_73 = tpu.memref_squeeze %dma_start3A_72 : memref<1x1x2048xf32, #tpu.memory_space<hbm>> -> memref<2048xf32, #tpu.memory_space<hbm>>
      tpu.enqueue_dma source(%arg20 : memref<2048xf32, #tpu.memory_space<vmem>>) target(%dma_start3A_73 : memref<2048xf32, #tpu.memory_space<hbm>>) target_semaphore(%run_scoped3A : memref<!tpu.dma_semaphore, #tpu.memory_space<semaphore_mem>>)
      %dma_wait3A_74 = arith.constant 0 : i32
      %dma_wait3A_75 = tpu.memref_slice %arg9[%select_n3A, %select_n3A_30, %dma_wait3A_74] : memref<8x4x2048xf32, #tpu.memory_space<hbm>> -> memref<1x1x2048xf32, #tpu.memory_space<hbm>>
      %dma_wait3A_76 = tpu.memref_squeeze %dma_wait3A_75 : memref<1x1x2048xf32, #tpu.memory_space<hbm>> -> memref<2048xf32, #tpu.memory_space<hbm>>
      %dma_wait3A_77 = arith.constant 0 : i32
      %dma_wait3A_78 = tpu.memref_slice %arg9[%select_n3A, %select_n3A_30, %dma_wait3A_77] : memref<8x4x2048xf32, #tpu.memory_space<hbm>> -> memref<1x1x2048xf32, #tpu.memory_space<hbm>>
      %dma_wait3A_79 = tpu.memref_squeeze %dma_wait3A_78 : memref<1x1x2048xf32, #tpu.memory_space<hbm>> -> memref<2048xf32, #tpu.memory_space<hbm>>
      tpu.wait_dma2 semaphore(%run_scoped3A : memref<!tpu.dma_semaphore, #tpu.memory_space<semaphore_mem>>) src(%arg20 : memref<2048xf32, #tpu.memory_space<vmem>>) dst(%dma_wait3A_79 : memref<2048xf32, #tpu.memory_space<hbm>>)
      tpu.yield
    }) : () -> ()
    "tpu.region"() ({
      %run_scoped3A = tpu.sem_alloc : memref<!tpu.dma_semaphore, #tpu.memory_space<semaphore_mem>>
      %dma_start3A_68 = arith.constant 0 : i32
      %dma_start3A_69 = tpu.memref_slice %arg10[%select_n3A, %select_n3A_30, %dma_start3A_68] : memref<8x4x2048xf32, #tpu.memory_space<hbm>> -> memref<1x1x2048xf32, #tpu.memory_space<hbm>>
      %dma_start3A_70 = tpu.memref_squeeze %dma_start3A_69 : memref<1x1x2048xf32, #tpu.memory_space<hbm>> -> memref<2048xf32, #tpu.memory_space<hbm>>
      %dma_start3A_71 = arith.constant 0 : i32
      %dma_start3A_72 = tpu.memref_slice %arg10[%select_n3A, %select_n3A_30, %dma_start3A_71] : memref<8x4x2048xf32, #tpu.memory_space<hbm>> -> memref<1x1x2048xf32, #tpu.memory_space<hbm>>
      %dma_start3A_73 = tpu.memref_squeeze %dma_start3A_72 : memref<1x1x2048xf32, #tpu.memory_space<hbm>> -> memref<2048xf32, #tpu.memory_space<hbm>>
      tpu.enqueue_dma source(%arg21 : memref<2048xf32, #tpu.memory_space<vmem>>) target(%dma_start3A_73 : memref<2048xf32, #tpu.memory_space<hbm>>) target_semaphore(%run_scoped3A : memref<!tpu.dma_semaphore, #tpu.memory_space<semaphore_mem>>)
      %dma_wait3A_74 = arith.constant 0 : i32
      %dma_wait3A_75 = tpu.memref_slice %arg10[%select_n3A, %select_n3A_30, %dma_wait3A_74] : memref<8x4x2048xf32, #tpu.memory_space<hbm>> -> memref<1x1x2048xf32, #tpu.memory_space<hbm>>
      %dma_wait3A_76 = tpu.memref_squeeze %dma_wait3A_75 : memref<1x1x2048xf32, #tpu.memory_space<hbm>> -> memref<2048xf32, #tpu.memory_space<hbm>>
      %dma_wait3A_77 = arith.constant 0 : i32
      %dma_wait3A_78 = tpu.memref_slice %arg10[%select_n3A, %select_n3A_30, %dma_wait3A_77] : memref<8x4x2048xf32, #tpu.memory_space<hbm>> -> memref<1x1x2048xf32, #tpu.memory_space<hbm>>
      %dma_wait3A_79 = tpu.memref_squeeze %dma_wait3A_78 : memref<1x1x2048xf32, #tpu.memory_space<hbm>> -> memref<2048xf32, #tpu.memory_space<hbm>>
      tpu.wait_dma2 semaphore(%run_scoped3A : memref<!tpu.dma_semaphore, #tpu.memory_space<semaphore_mem>>) src(%arg21 : memref<2048xf32, #tpu.memory_space<vmem>>) dst(%dma_wait3A_79 : memref<2048xf32, #tpu.memory_space<hbm>>)
      tpu.yield
    }) : () -> ()
    return
  }
}

#map = affine_map<(d0, d1) -> (0, 0)>
#map1 = affine_map<(d0, d1) -> (0, 0, 0)>
module attributes {stable_mosaic.version = 14 : i64} {
  func.func @_sc_segsum_body(%arg0: i32, %arg1: i32, %arg2: memref<8x32768xi32, #tpu.memory_space<hbm>>, %arg3: memref<8x32768xi32, #tpu.memory_space<hbm>>, %arg4: memref<8x32768xf32, #tpu.memory_space<hbm>>, %arg5: memref<8x2048xf32, #tpu.memory_space<hbm>>, %arg6: memref<8x4x2048xf32, #tpu.memory_space<hbm>>, %arg7: memref<8x4x2048xf32, #tpu.memory_space<hbm>>, %arg8: memref<2048xf32, #tpu.memory_space<vmem>>, %arg9: memref<2048xf32, #tpu.memory_space<vmem>>, %arg10: memref<2048xf32, #tpu.memory_space<vmem>>, %arg11: memref<8192xi32, #tpu.memory_space<vmem>>, %arg12: memref<8192xi32, #tpu.memory_space<vmem>>, %arg13: memref<8192xf32, #tpu.memory_space<vmem>>) attributes {dimension_semantics = [#tpu.dimension_semantics<core_parallel>, #tpu.dimension_semantics<subcore_parallel>], iteration_bounds = array<i64: 2, 16>, scalar_prefetch = 0 : i64, scratch_operands = 6 : i64, tpu.core_type = #tpu.core_type<sc_vector_subcore>, window_params = [{transform_indices = #map}, {transform_indices = #map}, {transform_indices = #map}, {transform_indices = #map}, {transform_indices = #map1}, {transform_indices = #map1}]} {
    %mul3A = arith.constant 16 : i32
    %mul3A_0 = arith.muli %arg0, %mul3A : i32
    %add3A = arith.addi %mul3A_0, %arg1 : i32
    %jit3A = arith.constant 4 : i32
    %div3A = arith.divsi %add3A, %jit3A : i32
    %sign3A = arith.constant 0 : i32
    %sign3A_1 = arith.cmpi sgt, %add3A, %sign3A : i32
    %sign3A_2 = arith.extui %sign3A_1 : i1 to i32
    %sign3A_3 = arith.constant 0 : i32
    %sign3A_4 = arith.cmpi slt, %add3A, %sign3A_3 : i32
    %sign3A_5 = arith.extui %sign3A_4 : i1 to i32
    %sign3A_6 = arith.subi %sign3A_2, %sign3A_5 : i32
    %sign3A_7 = arith.constant 0 : i32
    %sign3A_8 = arith.cmpi sgt, %jit3A, %sign3A_7 : i32
    %sign3A_9 = arith.extui %sign3A_8 : i1 to i32
    %sign3A_10 = arith.constant 0 : i32
    %sign3A_11 = arith.cmpi slt, %jit3A, %sign3A_10 : i32
    %sign3A_12 = arith.extui %sign3A_11 : i1 to i32
    %sign3A_13 = arith.subi %sign3A_9, %sign3A_12 : i32
    %ne3A = arith.cmpi ne, %sign3A_6, %sign3A_13 : i32
    %rem3A = arith.remsi %add3A, %jit3A : i32
    %ne3A_14 = arith.constant 0 : i32
    %ne3A_15 = arith.cmpi ne, %rem3A, %ne3A_14 : i32
    %and3A = arith.andi %ne3A, %ne3A_15 : i1
    %sub3A = arith.constant 1 : i32
    %sub3A_16 = arith.subi %div3A, %sub3A : i32
    %select_n3A = arith.select %and3A, %sub3A_16, %div3A : i32
    %jit3A_17 = arith.constant 4 : i32
    %eq3A = arith.constant 0 : i32
    %eq3A_18 = arith.cmpi eq, %jit3A_17, %eq3A : i32
    %jit3A_19 = arith.constant 1 : i32
    %select_n3A_20 = arith.select %eq3A_18, %jit3A_19, %jit3A_17 : i32
    %rem3A_21 = arith.remsi %add3A, %select_n3A_20 : i32
    %ne3A_22 = arith.constant 0 : i32
    %ne3A_23 = arith.cmpi ne, %rem3A_21, %ne3A_22 : i32
    %lt3A = arith.constant 0 : i32
    %lt3A_24 = arith.cmpi slt, %rem3A_21, %lt3A : i32
    %lt3A_25 = arith.constant 0 : i32
    %lt3A_26 = arith.cmpi slt, %select_n3A_20, %lt3A_25 : i32
    %ne3A_27 = arith.xori %lt3A_24, %lt3A_26 : i1
    %and3A_28 = arith.andi %ne3A_27, %ne3A_23 : i1
    %add3A_29 = arith.addi %rem3A_21, %select_n3A_20 : i32
    %select_n3A_30 = arith.select %and3A_28, %add3A_29, %rem3A_21 : i32
    "tpu.region"() ({
      %run_scoped3A = tpu.sem_alloc : memref<!tpu.dma_semaphore, #tpu.memory_space<semaphore_mem>>
      %dma_start3A = arith.constant 0 : i32
      %dma_start3A_58 = tpu.memref_slice %arg5[%select_n3A, %dma_start3A] : memref<8x2048xf32, #tpu.memory_space<hbm>> -> memref<1x2048xf32, #tpu.memory_space<hbm>>
      %dma_start3A_59 = tpu.memref_squeeze %dma_start3A_58 : memref<1x2048xf32, #tpu.memory_space<hbm>> -> memref<2048xf32, #tpu.memory_space<hbm>>
      %dma_start3A_60 = arith.constant 0 : i32
      %dma_start3A_61 = tpu.memref_slice %arg5[%select_n3A, %dma_start3A_60] : memref<8x2048xf32, #tpu.memory_space<hbm>> -> memref<1x2048xf32, #tpu.memory_space<hbm>>
      %dma_start3A_62 = tpu.memref_squeeze %dma_start3A_61 : memref<1x2048xf32, #tpu.memory_space<hbm>> -> memref<2048xf32, #tpu.memory_space<hbm>>
      tpu.enqueue_dma source(%dma_start3A_62 : memref<2048xf32, #tpu.memory_space<hbm>>) target(%arg8 : memref<2048xf32, #tpu.memory_space<vmem>>) target_semaphore(%run_scoped3A : memref<!tpu.dma_semaphore, #tpu.memory_space<semaphore_mem>>)
      %dma_wait3A = arith.constant 0 : i32
      %dma_wait3A_63 = tpu.memref_slice %arg5[%select_n3A, %dma_wait3A] : memref<8x2048xf32, #tpu.memory_space<hbm>> -> memref<1x2048xf32, #tpu.memory_space<hbm>>
      %dma_wait3A_64 = tpu.memref_squeeze %dma_wait3A_63 : memref<1x2048xf32, #tpu.memory_space<hbm>> -> memref<2048xf32, #tpu.memory_space<hbm>>
      %dma_wait3A_65 = arith.constant 0 : i32
      %dma_wait3A_66 = tpu.memref_slice %arg5[%select_n3A, %dma_wait3A_65] : memref<8x2048xf32, #tpu.memory_space<hbm>> -> memref<1x2048xf32, #tpu.memory_space<hbm>>
      %dma_wait3A_67 = tpu.memref_squeeze %dma_wait3A_66 : memref<1x2048xf32, #tpu.memory_space<hbm>> -> memref<2048xf32, #tpu.memory_space<hbm>>
      tpu.wait_dma2 semaphore(%run_scoped3A : memref<!tpu.dma_semaphore, #tpu.memory_space<semaphore_mem>>) src(%dma_wait3A_67 : memref<2048xf32, #tpu.memory_space<hbm>>) dst(%arg8 : memref<2048xf32, #tpu.memory_space<vmem>>)
      tpu.yield
    }) : () -> ()
    %mul3A_31 = arith.constant 8192 : i32
    %mul3A_32 = arith.muli %select_n3A_30, %mul3A_31 : i32
    "tpu.region"() ({
      %run_scoped3A = tpu.sem_alloc : memref<!tpu.dma_semaphore, #tpu.memory_space<semaphore_mem>>
      %dma_start3A = tpu.memref_slice %arg2[%select_n3A, %mul3A_32] : memref<8x32768xi32, #tpu.memory_space<hbm>> -> memref<1x8192xi32, #tpu.memory_space<hbm>>
      %dma_start3A_58 = tpu.memref_squeeze %dma_start3A : memref<1x8192xi32, #tpu.memory_space<hbm>> -> memref<8192xi32, #tpu.memory_space<hbm>>
      %dma_start3A_59 = tpu.memref_slice %arg2[%select_n3A, %mul3A_32] : memref<8x32768xi32, #tpu.memory_space<hbm>> -> memref<1x8192xi32, #tpu.memory_space<hbm>>
      %dma_start3A_60 = tpu.memref_squeeze %dma_start3A_59 : memref<1x8192xi32, #tpu.memory_space<hbm>> -> memref<8192xi32, #tpu.memory_space<hbm>>
      tpu.enqueue_dma source(%dma_start3A_60 : memref<8192xi32, #tpu.memory_space<hbm>>) target(%arg11 : memref<8192xi32, #tpu.memory_space<vmem>>) target_semaphore(%run_scoped3A : memref<!tpu.dma_semaphore, #tpu.memory_space<semaphore_mem>>)
      %dma_wait3A = tpu.memref_slice %arg2[%select_n3A, %mul3A_32] : memref<8x32768xi32, #tpu.memory_space<hbm>> -> memref<1x8192xi32, #tpu.memory_space<hbm>>
      %dma_wait3A_61 = tpu.memref_squeeze %dma_wait3A : memref<1x8192xi32, #tpu.memory_space<hbm>> -> memref<8192xi32, #tpu.memory_space<hbm>>
      %dma_wait3A_62 = tpu.memref_slice %arg2[%select_n3A, %mul3A_32] : memref<8x32768xi32, #tpu.memory_space<hbm>> -> memref<1x8192xi32, #tpu.memory_space<hbm>>
      %dma_wait3A_63 = tpu.memref_squeeze %dma_wait3A_62 : memref<1x8192xi32, #tpu.memory_space<hbm>> -> memref<8192xi32, #tpu.memory_space<hbm>>
      tpu.wait_dma2 semaphore(%run_scoped3A : memref<!tpu.dma_semaphore, #tpu.memory_space<semaphore_mem>>) src(%dma_wait3A_63 : memref<8192xi32, #tpu.memory_space<hbm>>) dst(%arg11 : memref<8192xi32, #tpu.memory_space<vmem>>)
      tpu.yield
    }) : () -> ()
    %mul3A_33 = arith.constant 8192 : i32
    %mul3A_34 = arith.muli %select_n3A_30, %mul3A_33 : i32
    "tpu.region"() ({
      %run_scoped3A = tpu.sem_alloc : memref<!tpu.dma_semaphore, #tpu.memory_space<semaphore_mem>>
      %dma_start3A = tpu.memref_slice %arg3[%select_n3A, %mul3A_34] : memref<8x32768xi32, #tpu.memory_space<hbm>> -> memref<1x8192xi32, #tpu.memory_space<hbm>>
      %dma_start3A_58 = tpu.memref_squeeze %dma_start3A : memref<1x8192xi32, #tpu.memory_space<hbm>> -> memref<8192xi32, #tpu.memory_space<hbm>>
      %dma_start3A_59 = tpu.memref_slice %arg3[%select_n3A, %mul3A_34] : memref<8x32768xi32, #tpu.memory_space<hbm>> -> memref<1x8192xi32, #tpu.memory_space<hbm>>
      %dma_start3A_60 = tpu.memref_squeeze %dma_start3A_59 : memref<1x8192xi32, #tpu.memory_space<hbm>> -> memref<8192xi32, #tpu.memory_space<hbm>>
      tpu.enqueue_dma source(%dma_start3A_60 : memref<8192xi32, #tpu.memory_space<hbm>>) target(%arg12 : memref<8192xi32, #tpu.memory_space<vmem>>) target_semaphore(%run_scoped3A : memref<!tpu.dma_semaphore, #tpu.memory_space<semaphore_mem>>)
      %dma_wait3A = tpu.memref_slice %arg3[%select_n3A, %mul3A_34] : memref<8x32768xi32, #tpu.memory_space<hbm>> -> memref<1x8192xi32, #tpu.memory_space<hbm>>
      %dma_wait3A_61 = tpu.memref_squeeze %dma_wait3A : memref<1x8192xi32, #tpu.memory_space<hbm>> -> memref<8192xi32, #tpu.memory_space<hbm>>
      %dma_wait3A_62 = tpu.memref_slice %arg3[%select_n3A, %mul3A_34] : memref<8x32768xi32, #tpu.memory_space<hbm>> -> memref<1x8192xi32, #tpu.memory_space<hbm>>
      %dma_wait3A_63 = tpu.memref_squeeze %dma_wait3A_62 : memref<1x8192xi32, #tpu.memory_space<hbm>> -> memref<8192xi32, #tpu.memory_space<hbm>>
      tpu.wait_dma2 semaphore(%run_scoped3A : memref<!tpu.dma_semaphore, #tpu.memory_space<semaphore_mem>>) src(%dma_wait3A_63 : memref<8192xi32, #tpu.memory_space<hbm>>) dst(%arg12 : memref<8192xi32, #tpu.memory_space<vmem>>)
      tpu.yield
    }) : () -> ()
    %mul3A_35 = arith.constant 8192 : i32
    %mul3A_36 = arith.muli %select_n3A_30, %mul3A_35 : i32
    "tpu.region"() ({
      %run_scoped3A = tpu.sem_alloc : memref<!tpu.dma_semaphore, #tpu.memory_space<semaphore_mem>>
      %dma_start3A = tpu.memref_slice %arg4[%select_n3A, %mul3A_36] : memref<8x32768xf32, #tpu.memory_space<hbm>> -> memref<1x8192xf32, #tpu.memory_space<hbm>>
      %dma_start3A_58 = tpu.memref_squeeze %dma_start3A : memref<1x8192xf32, #tpu.memory_space<hbm>> -> memref<8192xf32, #tpu.memory_space<hbm>>
      %dma_start3A_59 = tpu.memref_slice %arg4[%select_n3A, %mul3A_36] : memref<8x32768xf32, #tpu.memory_space<hbm>> -> memref<1x8192xf32, #tpu.memory_space<hbm>>
      %dma_start3A_60 = tpu.memref_squeeze %dma_start3A_59 : memref<1x8192xf32, #tpu.memory_space<hbm>> -> memref<8192xf32, #tpu.memory_space<hbm>>
      tpu.enqueue_dma source(%dma_start3A_60 : memref<8192xf32, #tpu.memory_space<hbm>>) target(%arg13 : memref<8192xf32, #tpu.memory_space<vmem>>) target_semaphore(%run_scoped3A : memref<!tpu.dma_semaphore, #tpu.memory_space<semaphore_mem>>)
      %dma_wait3A = tpu.memref_slice %arg4[%select_n3A, %mul3A_36] : memref<8x32768xf32, #tpu.memory_space<hbm>> -> memref<1x8192xf32, #tpu.memory_space<hbm>>
      %dma_wait3A_61 = tpu.memref_squeeze %dma_wait3A : memref<1x8192xf32, #tpu.memory_space<hbm>> -> memref<8192xf32, #tpu.memory_space<hbm>>
      %dma_wait3A_62 = tpu.memref_slice %arg4[%select_n3A, %mul3A_36] : memref<8x32768xf32, #tpu.memory_space<hbm>> -> memref<1x8192xf32, #tpu.memory_space<hbm>>
      %dma_wait3A_63 = tpu.memref_squeeze %dma_wait3A_62 : memref<1x8192xf32, #tpu.memory_space<hbm>> -> memref<8192xf32, #tpu.memory_space<hbm>>
      tpu.wait_dma2 semaphore(%run_scoped3A : memref<!tpu.dma_semaphore, #tpu.memory_space<semaphore_mem>>) src(%dma_wait3A_63 : memref<8192xf32, #tpu.memory_space<hbm>>) dst(%arg13 : memref<8192xf32, #tpu.memory_space<vmem>>)
      tpu.yield
    }) : () -> ()
    %scan3A = arith.constant 0 : i32
    %scan3A_37 = arith.constant 0 : i32
    %scan3A_38 = arith.constant 128 : i32
    %scan3A_39 = arith.addi %scan3A_37, %scan3A_38 : i32
    %scan3A_40 = arith.constant 1 : i32
    %scan3A_41 = scf.for %scan3A_58 = %scan3A_37 to %scan3A_39 step %scan3A_40 iter_args(%scan3A_59 = %scan3A) -> (i32)  : i32 {
      %broadcast_in_dim3A_60 = arith.constant 0.000000e+00 : f32
      %broadcast_in_dim3A_61 = vector.broadcast %broadcast_in_dim3A_60 : f32 to vector<16xf32>
      %mul3A_62 = arith.constant 16 : i32
      %mul3A_63 = arith.muli %scan3A_58, %mul3A_62 : i32
      %swap3A = arith.index_cast %mul3A_63 : i32 to index
      %swap3A_64 = tpu.vector_load %arg9[%swap3A] {strides = array<i32>} : memref<2048xf32, #tpu.memory_space<vmem>>, vector<16xf32>,
      tpu.vector_store %arg9[%swap3A], %broadcast_in_dim3A_61 {strides = array<i32>} : memref<2048xf32, #tpu.memory_space<vmem>>, vector<16xf32>,
      %mul3A_65 = arith.constant 16 : i32
      %mul3A_66 = arith.muli %scan3A_58, %mul3A_65 : i32
      %swap3A_67 = arith.index_cast %mul3A_66 : i32 to index
      %swap3A_68 = tpu.vector_load %arg10[%swap3A_67] {strides = array<i32>} : memref<2048xf32, #tpu.memory_space<vmem>>, vector<16xf32>,
      tpu.vector_store %arg10[%swap3A_67], %broadcast_in_dim3A_61 {strides = array<i32>} : memref<2048xf32, #tpu.memory_space<vmem>>, vector<16xf32>,
      %scan3A_69 = arith.constant 0 : i32
      scf.yield %scan3A_69 : i32
    }
    %scan3A_42 = arith.constant 128 : i32
    %broadcast_in_dim3A = arith.constant 1.000000e+00 : f32
    %broadcast_in_dim3A_43 = vector.broadcast %broadcast_in_dim3A : f32 to vector<16xf32>
    %scan3A_44 = arith.constant 0 : i32
    %scan3A_45 = arith.constant 0 : i32
    %scan3A_46 = arith.constant 32 : i32
    %scan3A_47 = arith.addi %scan3A_45, %scan3A_46 : i32
    %scan3A_48 = arith.constant 1 : i32
    %scan3A_49 = scf.for %scan3A_58 = %scan3A_45 to %scan3A_47 step %scan3A_48 iter_args(%scan3A_59 = %scan3A_44) -> (i32)  : i32 {
      %mul3A_60 = arith.constant 512 : i32
      %mul3A_61 = arith.muli %select_n3A_30, %mul3A_60 : i32
      %mul3A_62 = arith.constant 16 : i32
      %mul3A_63 = arith.muli %scan3A_58, %mul3A_62 : i32
      %add3A_64 = arith.addi %mul3A_61, %mul3A_63 : i32
      %get3A = arith.index_cast %add3A_64 : i32 to index
      %get3A_65 = tpu.vector_load %arg8[%get3A] {strides = array<i32>} : memref<2048xf32, #tpu.memory_space<vmem>>, vector<16xf32>,
      %convert_element_type3A = arith.fptosi %get3A_65 : vector<16xf32> to vector<16xi32>
      tpu.vector_store_idx %arg10[%convert_element_type3A], %broadcast_in_dim3A_43 {add = true} : memref<2048xf32, #tpu.memory_space<vmem>>[vector<16xi32>], vector<16xf32>,
      %scan3A_66 = arith.constant 0 : i32
      scf.yield %scan3A_66 : i32
    }
    %scan3A_50 = arith.constant 32 : i32
    %scan3A_51 = arith.constant 0 : i32
    %scan3A_52 = arith.constant 0 : i32
    %scan3A_53 = arith.constant 64 : i32
    %scan3A_54 = arith.addi %scan3A_52, %scan3A_53 : i32
    %scan3A_55 = arith.constant 1 : i32
    %scan3A_56 = scf.for %scan3A_58 = %scan3A_52 to %scan3A_54 step %scan3A_55 iter_args(%scan3A_59 = %scan3A_51) -> (i32)  : i32 {
      %mul3A_60 = arith.constant 128 : i32
      %mul3A_61 = arith.muli %scan3A_58, %mul3A_60 : i32
      %add3A_62 = arith.constant 0 : i32
      %add3A_63 = arith.addi %mul3A_61, %add3A_62 : i32
      %get3A = arith.index_cast %add3A_63 : i32 to index
      %get3A_64 = tpu.vector_load %arg11[%get3A] {strides = array<i32>} : memref<8192xi32, #tpu.memory_space<vmem>>, vector<16xi32>,
      %get3A_65 = arith.index_cast %add3A_63 : i32 to index
      %get3A_66 = tpu.vector_load %arg12[%get3A_65] {strides = array<i32>} : memref<8192xi32, #tpu.memory_space<vmem>>, vector<16xi32>,
      %get3A_67 = arith.index_cast %add3A_63 : i32 to index
      %get3A_68 = tpu.vector_load %arg13[%get3A_67] {strides = array<i32>} : memref<8192xf32, #tpu.memory_space<vmem>>, vector<16xf32>,
      %gather3A = tpu.vector_load_idx %arg8[%get3A_66] : memref<2048xf32, #tpu.memory_space<vmem>>[vector<16xi32>], vector<16xf32>,
      %mul3A_69 = arith.mulf %gather3A, %get3A_68 : vector<16xf32>
      tpu.vector_store_idx %arg9[%get3A_64], %mul3A_69 {add = true} : memref<2048xf32, #tpu.memory_space<vmem>>[vector<16xi32>], vector<16xf32>,
      %mul3A_70 = arith.constant 128 : i32
      %mul3A_71 = arith.muli %scan3A_58, %mul3A_70 : i32
      %add3A_72 = arith.constant 16 : i32
      %add3A_73 = arith.addi %mul3A_71, %add3A_72 : i32
      %get3A_74 = arith.index_cast %add3A_73 : i32 to index
      %get3A_75 = tpu.vector_load %arg11[%get3A_74] {strides = array<i32>} : memref<8192xi32, #tpu.memory_space<vmem>>, vector<16xi32>,
      %get3A_76 = arith.index_cast %add3A_73 : i32 to index
      %get3A_77 = tpu.vector_load %arg12[%get3A_76] {strides = array<i32>} : memref<8192xi32, #tpu.memory_space<vmem>>, vector<16xi32>,
      %get3A_78 = arith.index_cast %add3A_73 : i32 to index
      %get3A_79 = tpu.vector_load %arg13[%get3A_78] {strides = array<i32>} : memref<8192xf32, #tpu.memory_space<vmem>>, vector<16xf32>,
      %gather3A_80 = tpu.vector_load_idx %arg8[%get3A_77] : memref<2048xf32, #tpu.memory_space<vmem>>[vector<16xi32>], vector<16xf32>,
      %mul3A_81 = arith.mulf %gather3A_80, %get3A_79 : vector<16xf32>
      tpu.vector_store_idx %arg9[%get3A_75], %mul3A_81 {add = true} : memref<2048xf32, #tpu.memory_space<vmem>>[vector<16xi32>], vector<16xf32>,
      %mul3A_82 = arith.constant 128 : i32
      %mul3A_83 = arith.muli %scan3A_58, %mul3A_82 : i32
      %add3A_84 = arith.constant 32 : i32
      %add3A_85 = arith.addi %mul3A_83, %add3A_84 : i32
      %get3A_86 = arith.index_cast %add3A_85 : i32 to index
      %get3A_87 = tpu.vector_load %arg11[%get3A_86] {strides = array<i32>} : memref<8192xi32, #tpu.memory_space<vmem>>, vector<16xi32>,
      %get3A_88 = arith.index_cast %add3A_85 : i32 to index
      %get3A_89 = tpu.vector_load %arg12[%get3A_88] {strides = array<i32>} : memref<8192xi32, #tpu.memory_space<vmem>>, vector<16xi32>,
      %get3A_90 = arith.index_cast %add3A_85 : i32 to index
      %get3A_91 = tpu.vector_load %arg13[%get3A_90] {strides = array<i32>} : memref<8192xf32, #tpu.memory_space<vmem>>, vector<16xf32>,
      %gather3A_92 = tpu.vector_load_idx %arg8[%get3A_89] : memref<2048xf32, #tpu.memory_space<vmem>>[vector<16xi32>], vector<16xf32>,
      %mul3A_93 = arith.mulf %gather3A_92, %get3A_91 : vector<16xf32>
      tpu.vector_store_idx %arg9[%get3A_87], %mul3A_93 {add = true} : memref<2048xf32, #tpu.memory_space<vmem>>[vector<16xi32>], vector<16xf32>,
      %mul3A_94 = arith.constant 128 : i32
      %mul3A_95 = arith.muli %scan3A_58, %mul3A_94 : i32
      %add3A_96 = arith.constant 48 : i32
      %add3A_97 = arith.addi %mul3A_95, %add3A_96 : i32
      %get3A_98 = arith.index_cast %add3A_97 : i32 to index
      %get3A_99 = tpu.vector_load %arg11[%get3A_98] {strides = array<i32>} : memref<8192xi32, #tpu.memory_space<vmem>>, vector<16xi32>,
      %get3A_100 = arith.index_cast %add3A_97 : i32 to index
      %get3A_101 = tpu.vector_load %arg12[%get3A_100] {strides = array<i32>} : memref<8192xi32, #tpu.memory_space<vmem>>, vector<16xi32>,
      %get3A_102 = arith.index_cast %add3A_97 : i32 to index
      %get3A_103 = tpu.vector_load %arg13[%get3A_102] {strides = array<i32>} : memref<8192xf32, #tpu.memory_space<vmem>>, vector<16xf32>,
      %gather3A_104 = tpu.vector_load_idx %arg8[%get3A_101] : memref<2048xf32, #tpu.memory_space<vmem>>[vector<16xi32>], vector<16xf32>,
      %mul3A_105 = arith.mulf %gather3A_104, %get3A_103 : vector<16xf32>
      tpu.vector_store_idx %arg9[%get3A_99], %mul3A_105 {add = true} : memref<2048xf32, #tpu.memory_space<vmem>>[vector<16xi32>], vector<16xf32>,
      %mul3A_106 = arith.constant 128 : i32
      %mul3A_107 = arith.muli %scan3A_58, %mul3A_106 : i32
      %add3A_108 = arith.constant 64 : i32
      %add3A_109 = arith.addi %mul3A_107, %add3A_108 : i32
      %get3A_110 = arith.index_cast %add3A_109 : i32 to index
      %get3A_111 = tpu.vector_load %arg11[%get3A_110] {strides = array<i32>} : memref<8192xi32, #tpu.memory_space<vmem>>, vector<16xi32>,
      %get3A_112 = arith.index_cast %add3A_109 : i32 to index
      %get3A_113 = tpu.vector_load %arg12[%get3A_112] {strides = array<i32>} : memref<8192xi32, #tpu.memory_space<vmem>>, vector<16xi32>,
      %get3A_114 = arith.index_cast %add3A_109 : i32 to index
      %get3A_115 = tpu.vector_load %arg13[%get3A_114] {strides = array<i32>} : memref<8192xf32, #tpu.memory_space<vmem>>, vector<16xf32>,
      %gather3A_116 = tpu.vector_load_idx %arg8[%get3A_113] : memref<2048xf32, #tpu.memory_space<vmem>>[vector<16xi32>], vector<16xf32>,
      %mul3A_117 = arith.mulf %gather3A_116, %get3A_115 : vector<16xf32>
      tpu.vector_store_idx %arg9[%get3A_111], %mul3A_117 {add = true} : memref<2048xf32, #tpu.memory_space<vmem>>[vector<16xi32>], vector<16xf32>,
      %mul3A_118 = arith.constant 128 : i32
      %mul3A_119 = arith.muli %scan3A_58, %mul3A_118 : i32
      %add3A_120 = arith.constant 80 : i32
      %add3A_121 = arith.addi %mul3A_119, %add3A_120 : i32
      %get3A_122 = arith.index_cast %add3A_121 : i32 to index
      %get3A_123 = tpu.vector_load %arg11[%get3A_122] {strides = array<i32>} : memref<8192xi32, #tpu.memory_space<vmem>>, vector<16xi32>,
      %get3A_124 = arith.index_cast %add3A_121 : i32 to index
      %get3A_125 = tpu.vector_load %arg12[%get3A_124] {strides = array<i32>} : memref<8192xi32, #tpu.memory_space<vmem>>, vector<16xi32>,
      %get3A_126 = arith.index_cast %add3A_121 : i32 to index
      %get3A_127 = tpu.vector_load %arg13[%get3A_126] {strides = array<i32>} : memref<8192xf32, #tpu.memory_space<vmem>>, vector<16xf32>,
      %gather3A_128 = tpu.vector_load_idx %arg8[%get3A_125] : memref<2048xf32, #tpu.memory_space<vmem>>[vector<16xi32>], vector<16xf32>,
      %mul3A_129 = arith.mulf %gather3A_128, %get3A_127 : vector<16xf32>
      tpu.vector_store_idx %arg9[%get3A_123], %mul3A_129 {add = true} : memref<2048xf32, #tpu.memory_space<vmem>>[vector<16xi32>], vector<16xf32>,
      %mul3A_130 = arith.constant 128 : i32
      %mul3A_131 = arith.muli %scan3A_58, %mul3A_130 : i32
      %add3A_132 = arith.constant 96 : i32
      %add3A_133 = arith.addi %mul3A_131, %add3A_132 : i32
      %get3A_134 = arith.index_cast %add3A_133 : i32 to index
      %get3A_135 = tpu.vector_load %arg11[%get3A_134] {strides = array<i32>} : memref<8192xi32, #tpu.memory_space<vmem>>, vector<16xi32>,
      %get3A_136 = arith.index_cast %add3A_133 : i32 to index
      %get3A_137 = tpu.vector_load %arg12[%get3A_136] {strides = array<i32>} : memref<8192xi32, #tpu.memory_space<vmem>>, vector<16xi32>,
      %get3A_138 = arith.index_cast %add3A_133 : i32 to index
      %get3A_139 = tpu.vector_load %arg13[%get3A_138] {strides = array<i32>} : memref<8192xf32, #tpu.memory_space<vmem>>, vector<16xf32>,
      %gather3A_140 = tpu.vector_load_idx %arg8[%get3A_137] : memref<2048xf32, #tpu.memory_space<vmem>>[vector<16xi32>], vector<16xf32>,
      %mul3A_141 = arith.mulf %gather3A_140, %get3A_139 : vector<16xf32>
      tpu.vector_store_idx %arg9[%get3A_135], %mul3A_141 {add = true} : memref<2048xf32, #tpu.memory_space<vmem>>[vector<16xi32>], vector<16xf32>,
      %mul3A_142 = arith.constant 128 : i32
      %mul3A_143 = arith.muli %scan3A_58, %mul3A_142 : i32
      %add3A_144 = arith.constant 112 : i32
      %add3A_145 = arith.addi %mul3A_143, %add3A_144 : i32
      %get3A_146 = arith.index_cast %add3A_145 : i32 to index
      %get3A_147 = tpu.vector_load %arg11[%get3A_146] {strides = array<i32>} : memref<8192xi32, #tpu.memory_space<vmem>>, vector<16xi32>,
      %get3A_148 = arith.index_cast %add3A_145 : i32 to index
      %get3A_149 = tpu.vector_load %arg12[%get3A_148] {strides = array<i32>} : memref<8192xi32, #tpu.memory_space<vmem>>, vector<16xi32>,
      %get3A_150 = arith.index_cast %add3A_145 : i32 to index
      %get3A_151 = tpu.vector_load %arg13[%get3A_150] {strides = array<i32>} : memref<8192xf32, #tpu.memory_space<vmem>>, vector<16xf32>,
      %gather3A_152 = tpu.vector_load_idx %arg8[%get3A_149] : memref<2048xf32, #tpu.memory_space<vmem>>[vector<16xi32>], vector<16xf32>,
      %mul3A_153 = arith.mulf %gather3A_152, %get3A_151 : vector<16xf32>
      tpu.vector_store_idx %arg9[%get3A_147], %mul3A_153 {add = true} : memref<2048xf32, #tpu.memory_space<vmem>>[vector<16xi32>], vector<16xf32>,
      %scan3A_154 = arith.constant 0 : i32
      scf.yield %scan3A_154 : i32
    }
    %scan3A_57 = arith.constant 64 : i32
    "tpu.region"() ({
      %run_scoped3A = tpu.sem_alloc : memref<!tpu.dma_semaphore, #tpu.memory_space<semaphore_mem>>
      %dma_start3A = arith.constant 0 : i32
      %dma_start3A_58 = tpu.memref_slice %arg6[%select_n3A, %select_n3A_30, %dma_start3A] : memref<8x4x2048xf32, #tpu.memory_space<hbm>> -> memref<1x1x2048xf32, #tpu.memory_space<hbm>>
      %dma_start3A_59 = tpu.memref_squeeze %dma_start3A_58 : memref<1x1x2048xf32, #tpu.memory_space<hbm>> -> memref<2048xf32, #tpu.memory_space<hbm>>
      %dma_start3A_60 = arith.constant 0 : i32
      %dma_start3A_61 = tpu.memref_slice %arg6[%select_n3A, %select_n3A_30, %dma_start3A_60] : memref<8x4x2048xf32, #tpu.memory_space<hbm>> -> memref<1x1x2048xf32, #tpu.memory_space<hbm>>
      %dma_start3A_62 = tpu.memref_squeeze %dma_start3A_61 : memref<1x1x2048xf32, #tpu.memory_space<hbm>> -> memref<2048xf32, #tpu.memory_space<hbm>>
      tpu.enqueue_dma source(%arg9 : memref<2048xf32, #tpu.memory_space<vmem>>) target(%dma_start3A_62 : memref<2048xf32, #tpu.memory_space<hbm>>) target_semaphore(%run_scoped3A : memref<!tpu.dma_semaphore, #tpu.memory_space<semaphore_mem>>)
      %dma_wait3A = arith.constant 0 : i32
      %dma_wait3A_63 = tpu.memref_slice %arg6[%select_n3A, %select_n3A_30, %dma_wait3A] : memref<8x4x2048xf32, #tpu.memory_space<hbm>> -> memref<1x1x2048xf32, #tpu.memory_space<hbm>>
      %dma_wait3A_64 = tpu.memref_squeeze %dma_wait3A_63 : memref<1x1x2048xf32, #tpu.memory_space<hbm>> -> memref<2048xf32, #tpu.memory_space<hbm>>
      %dma_wait3A_65 = arith.constant 0 : i32
      %dma_wait3A_66 = tpu.memref_slice %arg6[%select_n3A, %select_n3A_30, %dma_wait3A_65] : memref<8x4x2048xf32, #tpu.memory_space<hbm>> -> memref<1x1x2048xf32, #tpu.memory_space<hbm>>
      %dma_wait3A_67 = tpu.memref_squeeze %dma_wait3A_66 : memref<1x1x2048xf32, #tpu.memory_space<hbm>> -> memref<2048xf32, #tpu.memory_space<hbm>>
      tpu.wait_dma2 semaphore(%run_scoped3A : memref<!tpu.dma_semaphore, #tpu.memory_space<semaphore_mem>>) src(%arg9 : memref<2048xf32, #tpu.memory_space<vmem>>) dst(%dma_wait3A_67 : memref<2048xf32, #tpu.memory_space<hbm>>)
      tpu.yield
    }) : () -> ()
    "tpu.region"() ({
      %run_scoped3A = tpu.sem_alloc : memref<!tpu.dma_semaphore, #tpu.memory_space<semaphore_mem>>
      %dma_start3A = arith.constant 0 : i32
      %dma_start3A_58 = tpu.memref_slice %arg7[%select_n3A, %select_n3A_30, %dma_start3A] : memref<8x4x2048xf32, #tpu.memory_space<hbm>> -> memref<1x1x2048xf32, #tpu.memory_space<hbm>>
      %dma_start3A_59 = tpu.memref_squeeze %dma_start3A_58 : memref<1x1x2048xf32, #tpu.memory_space<hbm>> -> memref<2048xf32, #tpu.memory_space<hbm>>
      %dma_start3A_60 = arith.constant 0 : i32
      %dma_start3A_61 = tpu.memref_slice %arg7[%select_n3A, %select_n3A_30, %dma_start3A_60] : memref<8x4x2048xf32, #tpu.memory_space<hbm>> -> memref<1x1x2048xf32, #tpu.memory_space<hbm>>
      %dma_start3A_62 = tpu.memref_squeeze %dma_start3A_61 : memref<1x1x2048xf32, #tpu.memory_space<hbm>> -> memref<2048xf32, #tpu.memory_space<hbm>>
      tpu.enqueue_dma source(%arg10 : memref<2048xf32, #tpu.memory_space<vmem>>) target(%dma_start3A_62 : memref<2048xf32, #tpu.memory_space<hbm>>) target_semaphore(%run_scoped3A : memref<!tpu.dma_semaphore, #tpu.memory_space<semaphore_mem>>)
      %dma_wait3A = arith.constant 0 : i32
      %dma_wait3A_63 = tpu.memref_slice %arg7[%select_n3A, %select_n3A_30, %dma_wait3A] : memref<8x4x2048xf32, #tpu.memory_space<hbm>> -> memref<1x1x2048xf32, #tpu.memory_space<hbm>>
      %dma_wait3A_64 = tpu.memref_squeeze %dma_wait3A_63 : memref<1x1x2048xf32, #tpu.memory_space<hbm>> -> memref<2048xf32, #tpu.memory_space<hbm>>
      %dma_wait3A_65 = arith.constant 0 : i32
      %dma_wait3A_66 = tpu.memref_slice %arg7[%select_n3A, %select_n3A_30, %dma_wait3A_65] : memref<8x4x2048xf32, #tpu.memory_space<hbm>> -> memref<1x1x2048xf32, #tpu.memory_space<hbm>>
      %dma_wait3A_67 = tpu.memref_squeeze %dma_wait3A_66 : memref<1x1x2048xf32, #tpu.memory_space<hbm>> -> memref<2048xf32, #tpu.memory_space<hbm>>
      tpu.wait_dma2 semaphore(%run_scoped3A : memref<!tpu.dma_semaphore, #tpu.memory_space<semaphore_mem>>) src(%arg10 : memref<2048xf32, #tpu.memory_space<vmem>>) dst(%dma_wait3A_67 : memref<2048xf32, #tpu.memory_space<hbm>>)
      tpu.yield
    }) : () -> ()
    return
  }
}

#map = affine_map<(d0, d1) -> (0, 0)>
#map1 = affine_map<(d0, d1) -> (0, 0, 0)>
module attributes {stable_mosaic.version = 14 : i64} {
  func.func @_sc_segsum_body(%arg0: i32, %arg1: i32, %arg2: memref<8x32768xi32, #tpu.memory_space<hbm>>, %arg3: memref<8x32768xi32, #tpu.memory_space<hbm>>, %arg4: memref<8x32768xf32, #tpu.memory_space<hbm>>, %arg5: memref<8x2048xf32, #tpu.memory_space<hbm>>, %arg6: memref<8x4x2048xf32, #tpu.memory_space<hbm>>, %arg7: memref<8x4x2048xf32, #tpu.memory_space<hbm>>, %arg8: memref<2048xf32, #tpu.memory_space<vmem>>, %arg9: memref<2048xf32, #tpu.memory_space<vmem>>, %arg10: memref<2048xf32, #tpu.memory_space<vmem>>, %arg11: memref<8192xi32, #tpu.memory_space<vmem>>, %arg12: memref<8192xi32, #tpu.memory_space<vmem>>, %arg13: memref<8192xf32, #tpu.memory_space<vmem>>) attributes {dimension_semantics = [#tpu.dimension_semantics<core_parallel>, #tpu.dimension_semantics<subcore_parallel>], iteration_bounds = array<i64: 2, 16>, scalar_prefetch = 0 : i64, scratch_operands = 6 : i64, tpu.core_type = #tpu.core_type<sc_vector_subcore>, window_params = [{transform_indices = #map}, {transform_indices = #map}, {transform_indices = #map}, {transform_indices = #map}, {transform_indices = #map1}, {transform_indices = #map1}]} {
    %mul3A = arith.constant 16 : i32
    %mul3A_0 = arith.muli %arg0, %mul3A : i32
    %add3A = arith.addi %mul3A_0, %arg1 : i32
    %jit3A = arith.constant 4 : i32
    %div3A = arith.divsi %add3A, %jit3A : i32
    %sign3A = arith.constant 0 : i32
    %sign3A_1 = arith.cmpi sgt, %add3A, %sign3A : i32
    %sign3A_2 = arith.extui %sign3A_1 : i1 to i32
    %sign3A_3 = arith.constant 0 : i32
    %sign3A_4 = arith.cmpi slt, %add3A, %sign3A_3 : i32
    %sign3A_5 = arith.extui %sign3A_4 : i1 to i32
    %sign3A_6 = arith.subi %sign3A_2, %sign3A_5 : i32
    %sign3A_7 = arith.constant 0 : i32
    %sign3A_8 = arith.cmpi sgt, %jit3A, %sign3A_7 : i32
    %sign3A_9 = arith.extui %sign3A_8 : i1 to i32
    %sign3A_10 = arith.constant 0 : i32
    %sign3A_11 = arith.cmpi slt, %jit3A, %sign3A_10 : i32
    %sign3A_12 = arith.extui %sign3A_11 : i1 to i32
    %sign3A_13 = arith.subi %sign3A_9, %sign3A_12 : i32
    %ne3A = arith.cmpi ne, %sign3A_6, %sign3A_13 : i32
    %rem3A = arith.remsi %add3A, %jit3A : i32
    %ne3A_14 = arith.constant 0 : i32
    %ne3A_15 = arith.cmpi ne, %rem3A, %ne3A_14 : i32
    %and3A = arith.andi %ne3A, %ne3A_15 : i1
    %sub3A = arith.constant 1 : i32
    %sub3A_16 = arith.subi %div3A, %sub3A : i32
    %select_n3A = arith.select %and3A, %sub3A_16, %div3A : i32
    %jit3A_17 = arith.constant 4 : i32
    %eq3A = arith.constant 0 : i32
    %eq3A_18 = arith.cmpi eq, %jit3A_17, %eq3A : i32
    %jit3A_19 = arith.constant 1 : i32
    %select_n3A_20 = arith.select %eq3A_18, %jit3A_19, %jit3A_17 : i32
    %rem3A_21 = arith.remsi %add3A, %select_n3A_20 : i32
    %ne3A_22 = arith.constant 0 : i32
    %ne3A_23 = arith.cmpi ne, %rem3A_21, %ne3A_22 : i32
    %lt3A = arith.constant 0 : i32
    %lt3A_24 = arith.cmpi slt, %rem3A_21, %lt3A : i32
    %lt3A_25 = arith.constant 0 : i32
    %lt3A_26 = arith.cmpi slt, %select_n3A_20, %lt3A_25 : i32
    %ne3A_27 = arith.xori %lt3A_24, %lt3A_26 : i1
    %and3A_28 = arith.andi %ne3A_27, %ne3A_23 : i1
    %add3A_29 = arith.addi %rem3A_21, %select_n3A_20 : i32
    %select_n3A_30 = arith.select %and3A_28, %add3A_29, %rem3A_21 : i32
    "tpu.region"() ({
      %run_scoped3A = tpu.sem_alloc : memref<!tpu.dma_semaphore, #tpu.memory_space<semaphore_mem>>
      %dma_start3A = arith.constant 0 : i32
      %dma_start3A_58 = tpu.memref_slice %arg5[%select_n3A, %dma_start3A] : memref<8x2048xf32, #tpu.memory_space<hbm>> -> memref<1x2048xf32, #tpu.memory_space<hbm>>
      %dma_start3A_59 = tpu.memref_squeeze %dma_start3A_58 : memref<1x2048xf32, #tpu.memory_space<hbm>> -> memref<2048xf32, #tpu.memory_space<hbm>>
      %dma_start3A_60 = arith.constant 0 : i32
      %dma_start3A_61 = tpu.memref_slice %arg5[%select_n3A, %dma_start3A_60] : memref<8x2048xf32, #tpu.memory_space<hbm>> -> memref<1x2048xf32, #tpu.memory_space<hbm>>
      %dma_start3A_62 = tpu.memref_squeeze %dma_start3A_61 : memref<1x2048xf32, #tpu.memory_space<hbm>> -> memref<2048xf32, #tpu.memory_space<hbm>>
      tpu.enqueue_dma source(%dma_start3A_62 : memref<2048xf32, #tpu.memory_space<hbm>>) target(%arg8 : memref<2048xf32, #tpu.memory_space<vmem>>) target_semaphore(%run_scoped3A : memref<!tpu.dma_semaphore, #tpu.memory_space<semaphore_mem>>)
      %dma_wait3A = arith.constant 0 : i32
      %dma_wait3A_63 = tpu.memref_slice %arg5[%select_n3A, %dma_wait3A] : memref<8x2048xf32, #tpu.memory_space<hbm>> -> memref<1x2048xf32, #tpu.memory_space<hbm>>
      %dma_wait3A_64 = tpu.memref_squeeze %dma_wait3A_63 : memref<1x2048xf32, #tpu.memory_space<hbm>> -> memref<2048xf32, #tpu.memory_space<hbm>>
      %dma_wait3A_65 = arith.constant 0 : i32
      %dma_wait3A_66 = tpu.memref_slice %arg5[%select_n3A, %dma_wait3A_65] : memref<8x2048xf32, #tpu.memory_space<hbm>> -> memref<1x2048xf32, #tpu.memory_space<hbm>>
      %dma_wait3A_67 = tpu.memref_squeeze %dma_wait3A_66 : memref<1x2048xf32, #tpu.memory_space<hbm>> -> memref<2048xf32, #tpu.memory_space<hbm>>
      tpu.wait_dma2 semaphore(%run_scoped3A : memref<!tpu.dma_semaphore, #tpu.memory_space<semaphore_mem>>) src(%dma_wait3A_67 : memref<2048xf32, #tpu.memory_space<hbm>>) dst(%arg8 : memref<2048xf32, #tpu.memory_space<vmem>>)
      tpu.yield
    }) : () -> ()
    %mul3A_31 = arith.constant 8192 : i32
    %mul3A_32 = arith.muli %select_n3A_30, %mul3A_31 : i32
    "tpu.region"() ({
      %run_scoped3A = tpu.sem_alloc : memref<!tpu.dma_semaphore, #tpu.memory_space<semaphore_mem>>
      %dma_start3A = tpu.memref_slice %arg2[%select_n3A, %mul3A_32] : memref<8x32768xi32, #tpu.memory_space<hbm>> -> memref<1x8192xi32, #tpu.memory_space<hbm>>
      %dma_start3A_58 = tpu.memref_squeeze %dma_start3A : memref<1x8192xi32, #tpu.memory_space<hbm>> -> memref<8192xi32, #tpu.memory_space<hbm>>
      %dma_start3A_59 = tpu.memref_slice %arg2[%select_n3A, %mul3A_32] : memref<8x32768xi32, #tpu.memory_space<hbm>> -> memref<1x8192xi32, #tpu.memory_space<hbm>>
      %dma_start3A_60 = tpu.memref_squeeze %dma_start3A_59 : memref<1x8192xi32, #tpu.memory_space<hbm>> -> memref<8192xi32, #tpu.memory_space<hbm>>
      tpu.enqueue_dma source(%dma_start3A_60 : memref<8192xi32, #tpu.memory_space<hbm>>) target(%arg11 : memref<8192xi32, #tpu.memory_space<vmem>>) target_semaphore(%run_scoped3A : memref<!tpu.dma_semaphore, #tpu.memory_space<semaphore_mem>>)
      %dma_wait3A = tpu.memref_slice %arg2[%select_n3A, %mul3A_32] : memref<8x32768xi32, #tpu.memory_space<hbm>> -> memref<1x8192xi32, #tpu.memory_space<hbm>>
      %dma_wait3A_61 = tpu.memref_squeeze %dma_wait3A : memref<1x8192xi32, #tpu.memory_space<hbm>> -> memref<8192xi32, #tpu.memory_space<hbm>>
      %dma_wait3A_62 = tpu.memref_slice %arg2[%select_n3A, %mul3A_32] : memref<8x32768xi32, #tpu.memory_space<hbm>> -> memref<1x8192xi32, #tpu.memory_space<hbm>>
      %dma_wait3A_63 = tpu.memref_squeeze %dma_wait3A_62 : memref<1x8192xi32, #tpu.memory_space<hbm>> -> memref<8192xi32, #tpu.memory_space<hbm>>
      tpu.wait_dma2 semaphore(%run_scoped3A : memref<!tpu.dma_semaphore, #tpu.memory_space<semaphore_mem>>) src(%dma_wait3A_63 : memref<8192xi32, #tpu.memory_space<hbm>>) dst(%arg11 : memref<8192xi32, #tpu.memory_space<vmem>>)
      tpu.yield
    }) : () -> ()
    %mul3A_33 = arith.constant 8192 : i32
    %mul3A_34 = arith.muli %select_n3A_30, %mul3A_33 : i32
    "tpu.region"() ({
      %run_scoped3A = tpu.sem_alloc : memref<!tpu.dma_semaphore, #tpu.memory_space<semaphore_mem>>
      %dma_start3A = tpu.memref_slice %arg3[%select_n3A, %mul3A_34] : memref<8x32768xi32, #tpu.memory_space<hbm>> -> memref<1x8192xi32, #tpu.memory_space<hbm>>
      %dma_start3A_58 = tpu.memref_squeeze %dma_start3A : memref<1x8192xi32, #tpu.memory_space<hbm>> -> memref<8192xi32, #tpu.memory_space<hbm>>
      %dma_start3A_59 = tpu.memref_slice %arg3[%select_n3A, %mul3A_34] : memref<8x32768xi32, #tpu.memory_space<hbm>> -> memref<1x8192xi32, #tpu.memory_space<hbm>>
      %dma_start3A_60 = tpu.memref_squeeze %dma_start3A_59 : memref<1x8192xi32, #tpu.memory_space<hbm>> -> memref<8192xi32, #tpu.memory_space<hbm>>
      tpu.enqueue_dma source(%dma_start3A_60 : memref<8192xi32, #tpu.memory_space<hbm>>) target(%arg12 : memref<8192xi32, #tpu.memory_space<vmem>>) target_semaphore(%run_scoped3A : memref<!tpu.dma_semaphore, #tpu.memory_space<semaphore_mem>>)
      %dma_wait3A = tpu.memref_slice %arg3[%select_n3A, %mul3A_34] : memref<8x32768xi32, #tpu.memory_space<hbm>> -> memref<1x8192xi32, #tpu.memory_space<hbm>>
      %dma_wait3A_61 = tpu.memref_squeeze %dma_wait3A : memref<1x8192xi32, #tpu.memory_space<hbm>> -> memref<8192xi32, #tpu.memory_space<hbm>>
      %dma_wait3A_62 = tpu.memref_slice %arg3[%select_n3A, %mul3A_34] : memref<8x32768xi32, #tpu.memory_space<hbm>> -> memref<1x8192xi32, #tpu.memory_space<hbm>>
      %dma_wait3A_63 = tpu.memref_squeeze %dma_wait3A_62 : memref<1x8192xi32, #tpu.memory_space<hbm>> -> memref<8192xi32, #tpu.memory_space<hbm>>
      tpu.wait_dma2 semaphore(%run_scoped3A : memref<!tpu.dma_semaphore, #tpu.memory_space<semaphore_mem>>) src(%dma_wait3A_63 : memref<8192xi32, #tpu.memory_space<hbm>>) dst(%arg12 : memref<8192xi32, #tpu.memory_space<vmem>>)
      tpu.yield
    }) : () -> ()
    %mul3A_35 = arith.constant 8192 : i32
    %mul3A_36 = arith.muli %select_n3A_30, %mul3A_35 : i32
    "tpu.region"() ({
      %run_scoped3A = tpu.sem_alloc : memref<!tpu.dma_semaphore, #tpu.memory_space<semaphore_mem>>
      %dma_start3A = tpu.memref_slice %arg4[%select_n3A, %mul3A_36] : memref<8x32768xf32, #tpu.memory_space<hbm>> -> memref<1x8192xf32, #tpu.memory_space<hbm>>
      %dma_start3A_58 = tpu.memref_squeeze %dma_start3A : memref<1x8192xf32, #tpu.memory_space<hbm>> -> memref<8192xf32, #tpu.memory_space<hbm>>
      %dma_start3A_59 = tpu.memref_slice %arg4[%select_n3A, %mul3A_36] : memref<8x32768xf32, #tpu.memory_space<hbm>> -> memref<1x8192xf32, #tpu.memory_space<hbm>>
      %dma_start3A_60 = tpu.memref_squeeze %dma_start3A_59 : memref<1x8192xf32, #tpu.memory_space<hbm>> -> memref<8192xf32, #tpu.memory_space<hbm>>
      tpu.enqueue_dma source(%dma_start3A_60 : memref<8192xf32, #tpu.memory_space<hbm>>) target(%arg13 : memref<8192xf32, #tpu.memory_space<vmem>>) target_semaphore(%run_scoped3A : memref<!tpu.dma_semaphore, #tpu.memory_space<semaphore_mem>>)
      %dma_wait3A = tpu.memref_slice %arg4[%select_n3A, %mul3A_36] : memref<8x32768xf32, #tpu.memory_space<hbm>> -> memref<1x8192xf32, #tpu.memory_space<hbm>>
      %dma_wait3A_61 = tpu.memref_squeeze %dma_wait3A : memref<1x8192xf32, #tpu.memory_space<hbm>> -> memref<8192xf32, #tpu.memory_space<hbm>>
      %dma_wait3A_62 = tpu.memref_slice %arg4[%select_n3A, %mul3A_36] : memref<8x32768xf32, #tpu.memory_space<hbm>> -> memref<1x8192xf32, #tpu.memory_space<hbm>>
      %dma_wait3A_63 = tpu.memref_squeeze %dma_wait3A_62 : memref<1x8192xf32, #tpu.memory_space<hbm>> -> memref<8192xf32, #tpu.memory_space<hbm>>
      tpu.wait_dma2 semaphore(%run_scoped3A : memref<!tpu.dma_semaphore, #tpu.memory_space<semaphore_mem>>) src(%dma_wait3A_63 : memref<8192xf32, #tpu.memory_space<hbm>>) dst(%arg13 : memref<8192xf32, #tpu.memory_space<vmem>>)
      tpu.yield
    }) : () -> ()
    %scan3A = arith.constant 0 : i32
    %scan3A_37 = arith.constant 0 : i32
    %scan3A_38 = arith.constant 128 : i32
    %scan3A_39 = arith.addi %scan3A_37, %scan3A_38 : i32
    %scan3A_40 = arith.constant 1 : i32
    %scan3A_41 = scf.for %scan3A_58 = %scan3A_37 to %scan3A_39 step %scan3A_40 iter_args(%scan3A_59 = %scan3A) -> (i32)  : i32 {
      %broadcast_in_dim3A_60 = arith.constant 0.000000e+00 : f32
      %broadcast_in_dim3A_61 = vector.broadcast %broadcast_in_dim3A_60 : f32 to vector<16xf32>
      %mul3A_62 = arith.constant 16 : i32
      %mul3A_63 = arith.muli %scan3A_58, %mul3A_62 : i32
      %swap3A = arith.index_cast %mul3A_63 : i32 to index
      %swap3A_64 = tpu.vector_load %arg9[%swap3A] {strides = array<i32>} : memref<2048xf32, #tpu.memory_space<vmem>>, vector<16xf32>,
      tpu.vector_store %arg9[%swap3A], %broadcast_in_dim3A_61 {strides = array<i32>} : memref<2048xf32, #tpu.memory_space<vmem>>, vector<16xf32>,
      %mul3A_65 = arith.constant 16 : i32
      %mul3A_66 = arith.muli %scan3A_58, %mul3A_65 : i32
      %swap3A_67 = arith.index_cast %mul3A_66 : i32 to index
      %swap3A_68 = tpu.vector_load %arg10[%swap3A_67] {strides = array<i32>} : memref<2048xf32, #tpu.memory_space<vmem>>, vector<16xf32>,
      tpu.vector_store %arg10[%swap3A_67], %broadcast_in_dim3A_61 {strides = array<i32>} : memref<2048xf32, #tpu.memory_space<vmem>>, vector<16xf32>,
      %scan3A_69 = arith.constant 0 : i32
      scf.yield %scan3A_69 : i32
    }
    %scan3A_42 = arith.constant 128 : i32
    %broadcast_in_dim3A = arith.constant 1.000000e+00 : f32
    %broadcast_in_dim3A_43 = vector.broadcast %broadcast_in_dim3A : f32 to vector<16xf32>
    %scan3A_44 = arith.constant 0 : i32
    %scan3A_45 = arith.constant 0 : i32
    %scan3A_46 = arith.constant 32 : i32
    %scan3A_47 = arith.addi %scan3A_45, %scan3A_46 : i32
    %scan3A_48 = arith.constant 1 : i32
    %scan3A_49 = scf.for %scan3A_58 = %scan3A_45 to %scan3A_47 step %scan3A_48 iter_args(%scan3A_59 = %scan3A_44) -> (i32)  : i32 {
      %mul3A_60 = arith.constant 512 : i32
      %mul3A_61 = arith.muli %select_n3A_30, %mul3A_60 : i32
      %mul3A_62 = arith.constant 16 : i32
      %mul3A_63 = arith.muli %scan3A_58, %mul3A_62 : i32
      %add3A_64 = arith.addi %mul3A_61, %mul3A_63 : i32
      %get3A = arith.index_cast %add3A_64 : i32 to index
      %get3A_65 = tpu.vector_load %arg8[%get3A] {strides = array<i32>} : memref<2048xf32, #tpu.memory_space<vmem>>, vector<16xf32>,
      %convert_element_type3A = arith.fptosi %get3A_65 : vector<16xf32> to vector<16xi32>
      tpu.vector_store_idx %arg10[%convert_element_type3A], %broadcast_in_dim3A_43 {add = true} : memref<2048xf32, #tpu.memory_space<vmem>>[vector<16xi32>], vector<16xf32>,
      %scan3A_66 = arith.constant 0 : i32
      scf.yield %scan3A_66 : i32
    }
    %scan3A_50 = arith.constant 32 : i32
    %scan3A_51 = arith.constant 0 : i32
    %scan3A_52 = arith.constant 0 : i32
    %scan3A_53 = arith.constant 64 : i32
    %scan3A_54 = arith.addi %scan3A_52, %scan3A_53 : i32
    %scan3A_55 = arith.constant 1 : i32
    %scan3A_56 = scf.for %scan3A_58 = %scan3A_52 to %scan3A_54 step %scan3A_55 iter_args(%scan3A_59 = %scan3A_51) -> (i32)  : i32 {
      %mul3A_60 = arith.constant 128 : i32
      %mul3A_61 = arith.muli %scan3A_58, %mul3A_60 : i32
      %add3A_62 = arith.constant 0 : i32
      %add3A_63 = arith.addi %mul3A_61, %add3A_62 : i32
      %get3A = arith.index_cast %add3A_63 : i32 to index
      %get3A_64 = tpu.vector_load %arg11[%get3A] {strides = array<i32>} : memref<8192xi32, #tpu.memory_space<vmem>>, vector<16xi32>,
      %get3A_65 = arith.index_cast %add3A_63 : i32 to index
      %get3A_66 = tpu.vector_load %arg12[%get3A_65] {strides = array<i32>} : memref<8192xi32, #tpu.memory_space<vmem>>, vector<16xi32>,
      %get3A_67 = arith.index_cast %add3A_63 : i32 to index
      %get3A_68 = tpu.vector_load %arg13[%get3A_67] {strides = array<i32>} : memref<8192xf32, #tpu.memory_space<vmem>>, vector<16xf32>,
      %gather3A = tpu.vector_load_idx %arg8[%get3A_66] : memref<2048xf32, #tpu.memory_space<vmem>>[vector<16xi32>], vector<16xf32>,
      %mul3A_69 = arith.mulf %gather3A, %get3A_68 : vector<16xf32>
      tpu.vector_store_idx %arg9[%get3A_64], %mul3A_69 {add = true} : memref<2048xf32, #tpu.memory_space<vmem>>[vector<16xi32>], vector<16xf32>,
      %mul3A_70 = arith.constant 128 : i32
      %mul3A_71 = arith.muli %scan3A_58, %mul3A_70 : i32
      %add3A_72 = arith.constant 16 : i32
      %add3A_73 = arith.addi %mul3A_71, %add3A_72 : i32
      %get3A_74 = arith.index_cast %add3A_73 : i32 to index
      %get3A_75 = tpu.vector_load %arg11[%get3A_74] {strides = array<i32>} : memref<8192xi32, #tpu.memory_space<vmem>>, vector<16xi32>,
      %get3A_76 = arith.index_cast %add3A_73 : i32 to index
      %get3A_77 = tpu.vector_load %arg12[%get3A_76] {strides = array<i32>} : memref<8192xi32, #tpu.memory_space<vmem>>, vector<16xi32>,
      %get3A_78 = arith.index_cast %add3A_73 : i32 to index
      %get3A_79 = tpu.vector_load %arg13[%get3A_78] {strides = array<i32>} : memref<8192xf32, #tpu.memory_space<vmem>>, vector<16xf32>,
      %gather3A_80 = tpu.vector_load_idx %arg8[%get3A_77] : memref<2048xf32, #tpu.memory_space<vmem>>[vector<16xi32>], vector<16xf32>,
      %mul3A_81 = arith.mulf %gather3A_80, %get3A_79 : vector<16xf32>
      tpu.vector_store_idx %arg9[%get3A_75], %mul3A_81 {add = true} : memref<2048xf32, #tpu.memory_space<vmem>>[vector<16xi32>], vector<16xf32>,
      %mul3A_82 = arith.constant 128 : i32
      %mul3A_83 = arith.muli %scan3A_58, %mul3A_82 : i32
      %add3A_84 = arith.constant 32 : i32
      %add3A_85 = arith.addi %mul3A_83, %add3A_84 : i32
      %get3A_86 = arith.index_cast %add3A_85 : i32 to index
      %get3A_87 = tpu.vector_load %arg11[%get3A_86] {strides = array<i32>} : memref<8192xi32, #tpu.memory_space<vmem>>, vector<16xi32>,
      %get3A_88 = arith.index_cast %add3A_85 : i32 to index
      %get3A_89 = tpu.vector_load %arg12[%get3A_88] {strides = array<i32>} : memref<8192xi32, #tpu.memory_space<vmem>>, vector<16xi32>,
      %get3A_90 = arith.index_cast %add3A_85 : i32 to index
      %get3A_91 = tpu.vector_load %arg13[%get3A_90] {strides = array<i32>} : memref<8192xf32, #tpu.memory_space<vmem>>, vector<16xf32>,
      %gather3A_92 = tpu.vector_load_idx %arg8[%get3A_89] : memref<2048xf32, #tpu.memory_space<vmem>>[vector<16xi32>], vector<16xf32>,
      %mul3A_93 = arith.mulf %gather3A_92, %get3A_91 : vector<16xf32>
      tpu.vector_store_idx %arg9[%get3A_87], %mul3A_93 {add = true} : memref<2048xf32, #tpu.memory_space<vmem>>[vector<16xi32>], vector<16xf32>,
      %mul3A_94 = arith.constant 128 : i32
      %mul3A_95 = arith.muli %scan3A_58, %mul3A_94 : i32
      %add3A_96 = arith.constant 48 : i32
      %add3A_97 = arith.addi %mul3A_95, %add3A_96 : i32
      %get3A_98 = arith.index_cast %add3A_97 : i32 to index
      %get3A_99 = tpu.vector_load %arg11[%get3A_98] {strides = array<i32>} : memref<8192xi32, #tpu.memory_space<vmem>>, vector<16xi32>,
      %get3A_100 = arith.index_cast %add3A_97 : i32 to index
      %get3A_101 = tpu.vector_load %arg12[%get3A_100] {strides = array<i32>} : memref<8192xi32, #tpu.memory_space<vmem>>, vector<16xi32>,
      %get3A_102 = arith.index_cast %add3A_97 : i32 to index
      %get3A_103 = tpu.vector_load %arg13[%get3A_102] {strides = array<i32>} : memref<8192xf32, #tpu.memory_space<vmem>>, vector<16xf32>,
      %gather3A_104 = tpu.vector_load_idx %arg8[%get3A_101] : memref<2048xf32, #tpu.memory_space<vmem>>[vector<16xi32>], vector<16xf32>,
      %mul3A_105 = arith.mulf %gather3A_104, %get3A_103 : vector<16xf32>
      tpu.vector_store_idx %arg9[%get3A_99], %mul3A_105 {add = true} : memref<2048xf32, #tpu.memory_space<vmem>>[vector<16xi32>], vector<16xf32>,
      %mul3A_106 = arith.constant 128 : i32
      %mul3A_107 = arith.muli %scan3A_58, %mul3A_106 : i32
      %add3A_108 = arith.constant 64 : i32
      %add3A_109 = arith.addi %mul3A_107, %add3A_108 : i32
      %get3A_110 = arith.index_cast %add3A_109 : i32 to index
      %get3A_111 = tpu.vector_load %arg11[%get3A_110] {strides = array<i32>} : memref<8192xi32, #tpu.memory_space<vmem>>, vector<16xi32>,
      %get3A_112 = arith.index_cast %add3A_109 : i32 to index
      %get3A_113 = tpu.vector_load %arg12[%get3A_112] {strides = array<i32>} : memref<8192xi32, #tpu.memory_space<vmem>>, vector<16xi32>,
      %get3A_114 = arith.index_cast %add3A_109 : i32 to index
      %get3A_115 = tpu.vector_load %arg13[%get3A_114] {strides = array<i32>} : memref<8192xf32, #tpu.memory_space<vmem>>, vector<16xf32>,
      %gather3A_116 = tpu.vector_load_idx %arg8[%get3A_113] : memref<2048xf32, #tpu.memory_space<vmem>>[vector<16xi32>], vector<16xf32>,
      %mul3A_117 = arith.mulf %gather3A_116, %get3A_115 : vector<16xf32>
      tpu.vector_store_idx %arg9[%get3A_111], %mul3A_117 {add = true} : memref<2048xf32, #tpu.memory_space<vmem>>[vector<16xi32>], vector<16xf32>,
      %mul3A_118 = arith.constant 128 : i32
      %mul3A_119 = arith.muli %scan3A_58, %mul3A_118 : i32
      %add3A_120 = arith.constant 80 : i32
      %add3A_121 = arith.addi %mul3A_119, %add3A_120 : i32
      %get3A_122 = arith.index_cast %add3A_121 : i32 to index
      %get3A_123 = tpu.vector_load %arg11[%get3A_122] {strides = array<i32>} : memref<8192xi32, #tpu.memory_space<vmem>>, vector<16xi32>,
      %get3A_124 = arith.index_cast %add3A_121 : i32 to index
      %get3A_125 = tpu.vector_load %arg12[%get3A_124] {strides = array<i32>} : memref<8192xi32, #tpu.memory_space<vmem>>, vector<16xi32>,
      %get3A_126 = arith.index_cast %add3A_121 : i32 to index
      %get3A_127 = tpu.vector_load %arg13[%get3A_126] {strides = array<i32>} : memref<8192xf32, #tpu.memory_space<vmem>>, vector<16xf32>,
      %gather3A_128 = tpu.vector_load_idx %arg8[%get3A_125] : memref<2048xf32, #tpu.memory_space<vmem>>[vector<16xi32>], vector<16xf32>,
      %mul3A_129 = arith.mulf %gather3A_128, %get3A_127 : vector<16xf32>
      tpu.vector_store_idx %arg9[%get3A_123], %mul3A_129 {add = true} : memref<2048xf32, #tpu.memory_space<vmem>>[vector<16xi32>], vector<16xf32>,
      %mul3A_130 = arith.constant 128 : i32
      %mul3A_131 = arith.muli %scan3A_58, %mul3A_130 : i32
      %add3A_132 = arith.constant 96 : i32
      %add3A_133 = arith.addi %mul3A_131, %add3A_132 : i32
      %get3A_134 = arith.index_cast %add3A_133 : i32 to index
      %get3A_135 = tpu.vector_load %arg11[%get3A_134] {strides = array<i32>} : memref<8192xi32, #tpu.memory_space<vmem>>, vector<16xi32>,
      %get3A_136 = arith.index_cast %add3A_133 : i32 to index
      %get3A_137 = tpu.vector_load %arg12[%get3A_136] {strides = array<i32>} : memref<8192xi32, #tpu.memory_space<vmem>>, vector<16xi32>,
      %get3A_138 = arith.index_cast %add3A_133 : i32 to index
      %get3A_139 = tpu.vector_load %arg13[%get3A_138] {strides = array<i32>} : memref<8192xf32, #tpu.memory_space<vmem>>, vector<16xf32>,
      %gather3A_140 = tpu.vector_load_idx %arg8[%get3A_137] : memref<2048xf32, #tpu.memory_space<vmem>>[vector<16xi32>], vector<16xf32>,
      %mul3A_141 = arith.mulf %gather3A_140, %get3A_139 : vector<16xf32>
      tpu.vector_store_idx %arg9[%get3A_135], %mul3A_141 {add = true} : memref<2048xf32, #tpu.memory_space<vmem>>[vector<16xi32>], vector<16xf32>,
      %mul3A_142 = arith.constant 128 : i32
      %mul3A_143 = arith.muli %scan3A_58, %mul3A_142 : i32
      %add3A_144 = arith.constant 112 : i32
      %add3A_145 = arith.addi %mul3A_143, %add3A_144 : i32
      %get3A_146 = arith.index_cast %add3A_145 : i32 to index
      %get3A_147 = tpu.vector_load %arg11[%get3A_146] {strides = array<i32>} : memref<8192xi32, #tpu.memory_space<vmem>>, vector<16xi32>,
      %get3A_148 = arith.index_cast %add3A_145 : i32 to index
      %get3A_149 = tpu.vector_load %arg12[%get3A_148] {strides = array<i32>} : memref<8192xi32, #tpu.memory_space<vmem>>, vector<16xi32>,
      %get3A_150 = arith.index_cast %add3A_145 : i32 to index
      %get3A_151 = tpu.vector_load %arg13[%get3A_150] {strides = array<i32>} : memref<8192xf32, #tpu.memory_space<vmem>>, vector<16xf32>,
      %gather3A_152 = tpu.vector_load_idx %arg8[%get3A_149] : memref<2048xf32, #tpu.memory_space<vmem>>[vector<16xi32>], vector<16xf32>,
      %mul3A_153 = arith.mulf %gather3A_152, %get3A_151 : vector<16xf32>
      tpu.vector_store_idx %arg9[%get3A_147], %mul3A_153 {add = true} : memref<2048xf32, #tpu.memory_space<vmem>>[vector<16xi32>], vector<16xf32>,
      %scan3A_154 = arith.constant 0 : i32
      scf.yield %scan3A_154 : i32
    }
    %scan3A_57 = arith.constant 64 : i32
    "tpu.region"() ({
      %run_scoped3A = tpu.sem_alloc : memref<!tpu.dma_semaphore, #tpu.memory_space<semaphore_mem>>
      %dma_start3A = arith.constant 0 : i32
      %dma_start3A_58 = tpu.memref_slice %arg6[%select_n3A, %select_n3A_30, %dma_start3A] : memref<8x4x2048xf32, #tpu.memory_space<hbm>> -> memref<1x1x2048xf32, #tpu.memory_space<hbm>>
      %dma_start3A_59 = tpu.memref_squeeze %dma_start3A_58 : memref<1x1x2048xf32, #tpu.memory_space<hbm>> -> memref<2048xf32, #tpu.memory_space<hbm>>
      %dma_start3A_60 = arith.constant 0 : i32
      %dma_start3A_61 = tpu.memref_slice %arg6[%select_n3A, %select_n3A_30, %dma_start3A_60] : memref<8x4x2048xf32, #tpu.memory_space<hbm>> -> memref<1x1x2048xf32, #tpu.memory_space<hbm>>
      %dma_start3A_62 = tpu.memref_squeeze %dma_start3A_61 : memref<1x1x2048xf32, #tpu.memory_space<hbm>> -> memref<2048xf32, #tpu.memory_space<hbm>>
      tpu.enqueue_dma source(%arg9 : memref<2048xf32, #tpu.memory_space<vmem>>) target(%dma_start3A_62 : memref<2048xf32, #tpu.memory_space<hbm>>) target_semaphore(%run_scoped3A : memref<!tpu.dma_semaphore, #tpu.memory_space<semaphore_mem>>)
      %dma_wait3A = arith.constant 0 : i32
      %dma_wait3A_63 = tpu.memref_slice %arg6[%select_n3A, %select_n3A_30, %dma_wait3A] : memref<8x4x2048xf32, #tpu.memory_space<hbm>> -> memref<1x1x2048xf32, #tpu.memory_space<hbm>>
      %dma_wait3A_64 = tpu.memref_squeeze %dma_wait3A_63 : memref<1x1x2048xf32, #tpu.memory_space<hbm>> -> memref<2048xf32, #tpu.memory_space<hbm>>
      %dma_wait3A_65 = arith.constant 0 : i32
      %dma_wait3A_66 = tpu.memref_slice %arg6[%select_n3A, %select_n3A_30, %dma_wait3A_65] : memref<8x4x2048xf32, #tpu.memory_space<hbm>> -> memref<1x1x2048xf32, #tpu.memory_space<hbm>>
      %dma_wait3A_67 = tpu.memref_squeeze %dma_wait3A_66 : memref<1x1x2048xf32, #tpu.memory_space<hbm>> -> memref<2048xf32, #tpu.memory_space<hbm>>
      tpu.wait_dma2 semaphore(%run_scoped3A : memref<!tpu.dma_semaphore, #tpu.memory_space<semaphore_mem>>) src(%arg9 : memref<2048xf32, #tpu.memory_space<vmem>>) dst(%dma_wait3A_67 : memref<2048xf32, #tpu.memory_space<hbm>>)
      tpu.yield
    }) : () -> ()
    "tpu.region"() ({
      %run_scoped3A = tpu.sem_alloc : memref<!tpu.dma_semaphore, #tpu.memory_space<semaphore_mem>>
      %dma_start3A = arith.constant 0 : i32
      %dma_start3A_58 = tpu.memref_slice %arg7[%select_n3A, %select_n3A_30, %dma_start3A] : memref<8x4x2048xf32, #tpu.memory_space<hbm>> -> memref<1x1x2048xf32, #tpu.memory_space<hbm>>
      %dma_start3A_59 = tpu.memref_squeeze %dma_start3A_58 : memref<1x1x2048xf32, #tpu.memory_space<hbm>> -> memref<2048xf32, #tpu.memory_space<hbm>>
      %dma_start3A_60 = arith.constant 0 : i32
      %dma_start3A_61 = tpu.memref_slice %arg7[%select_n3A, %select_n3A_30, %dma_start3A_60] : memref<8x4x2048xf32, #tpu.memory_space<hbm>> -> memref<1x1x2048xf32, #tpu.memory_space<hbm>>
      %dma_start3A_62 = tpu.memref_squeeze %dma_start3A_61 : memref<1x1x2048xf32, #tpu.memory_space<hbm>> -> memref<2048xf32, #tpu.memory_space<hbm>>
      tpu.enqueue_dma source(%arg10 : memref<2048xf32, #tpu.memory_space<vmem>>) target(%dma_start3A_62 : memref<2048xf32, #tpu.memory_space<hbm>>) target_semaphore(%run_scoped3A : memref<!tpu.dma_semaphore, #tpu.memory_space<semaphore_mem>>)
      %dma_wait3A = arith.constant 0 : i32
      %dma_wait3A_63 = tpu.memref_slice %arg7[%select_n3A, %select_n3A_30, %dma_wait3A] : memref<8x4x2048xf32, #tpu.memory_space<hbm>> -> memref<1x1x2048xf32, #tpu.memory_space<hbm>>
      %dma_wait3A_64 = tpu.memref_squeeze %dma_wait3A_63 : memref<1x1x2048xf32, #tpu.memory_space<hbm>> -> memref<2048xf32, #tpu.memory_space<hbm>>
      %dma_wait3A_65 = arith.constant 0 : i32
      %dma_wait3A_66 = tpu.memref_slice %arg7[%select_n3A, %select_n3A_30, %dma_wait3A_65] : memref<8x4x2048xf32, #tpu.memory_space<hbm>> -> memref<1x1x2048xf32, #tpu.memory_space<hbm>>
      %dma_wait3A_67 = tpu.memref_squeeze %dma_wait3A_66 : memref<1x1x2048xf32, #tpu.memory_space<hbm>> -> memref<2048xf32, #tpu.memory_space<hbm>>
      tpu.wait_dma2 semaphore(%run_scoped3A : memref<!tpu.dma_semaphore, #tpu.memory_space<semaphore_mem>>) src(%arg10 : memref<2048xf32, #tpu.memory_space<vmem>>) dst(%dma_wait3A_67 : memref<2048xf32, #tpu.memory_space<hbm>>)
      tpu.yield
    }) : () -> ()
    return
  }
}

#map = affine_map<(d0, d1) -> (0, 0)>
#map1 = affine_map<(d0, d1) -> (0, 0, 0)>
module attributes {stable_mosaic.version = 14 : i64} {
  func.func @_sc_segsum_body(%arg0: i32, %arg1: i32, %arg2: memref<8x32768xi32, #tpu.memory_space<hbm>>, %arg3: memref<8x32768xi32, #tpu.memory_space<hbm>>, %arg4: memref<8x32768xf32, #tpu.memory_space<hbm>>, %arg5: memref<8x2048xf32, #tpu.memory_space<hbm>>, %arg6: memref<8x4x2048xf32, #tpu.memory_space<hbm>>, %arg7: memref<8x4x2048xf32, #tpu.memory_space<hbm>>, %arg8: memref<2048xf32, #tpu.memory_space<vmem>>, %arg9: memref<2048xf32, #tpu.memory_space<vmem>>, %arg10: memref<2048xf32, #tpu.memory_space<vmem>>, %arg11: memref<8192xi32, #tpu.memory_space<vmem>>, %arg12: memref<8192xi32, #tpu.memory_space<vmem>>, %arg13: memref<8192xf32, #tpu.memory_space<vmem>>) attributes {dimension_semantics = [#tpu.dimension_semantics<core_parallel>, #tpu.dimension_semantics<subcore_parallel>], iteration_bounds = array<i64: 2, 16>, scalar_prefetch = 0 : i64, scratch_operands = 6 : i64, tpu.core_type = #tpu.core_type<sc_vector_subcore>, window_params = [{transform_indices = #map}, {transform_indices = #map}, {transform_indices = #map}, {transform_indices = #map}, {transform_indices = #map1}, {transform_indices = #map1}]} {
    %mul3A = arith.constant 16 : i32
    %mul3A_0 = arith.muli %arg0, %mul3A : i32
    %add3A = arith.addi %mul3A_0, %arg1 : i32
    %jit3A = arith.constant 4 : i32
    %div3A = arith.divsi %add3A, %jit3A : i32
    %sign3A = arith.constant 0 : i32
    %sign3A_1 = arith.cmpi sgt, %add3A, %sign3A : i32
    %sign3A_2 = arith.extui %sign3A_1 : i1 to i32
    %sign3A_3 = arith.constant 0 : i32
    %sign3A_4 = arith.cmpi slt, %add3A, %sign3A_3 : i32
    %sign3A_5 = arith.extui %sign3A_4 : i1 to i32
    %sign3A_6 = arith.subi %sign3A_2, %sign3A_5 : i32
    %sign3A_7 = arith.constant 0 : i32
    %sign3A_8 = arith.cmpi sgt, %jit3A, %sign3A_7 : i32
    %sign3A_9 = arith.extui %sign3A_8 : i1 to i32
    %sign3A_10 = arith.constant 0 : i32
    %sign3A_11 = arith.cmpi slt, %jit3A, %sign3A_10 : i32
    %sign3A_12 = arith.extui %sign3A_11 : i1 to i32
    %sign3A_13 = arith.subi %sign3A_9, %sign3A_12 : i32
    %ne3A = arith.cmpi ne, %sign3A_6, %sign3A_13 : i32
    %rem3A = arith.remsi %add3A, %jit3A : i32
    %ne3A_14 = arith.constant 0 : i32
    %ne3A_15 = arith.cmpi ne, %rem3A, %ne3A_14 : i32
    %and3A = arith.andi %ne3A, %ne3A_15 : i1
    %sub3A = arith.constant 1 : i32
    %sub3A_16 = arith.subi %div3A, %sub3A : i32
    %select_n3A = arith.select %and3A, %sub3A_16, %div3A : i32
    %jit3A_17 = arith.constant 4 : i32
    %eq3A = arith.constant 0 : i32
    %eq3A_18 = arith.cmpi eq, %jit3A_17, %eq3A : i32
    %jit3A_19 = arith.constant 1 : i32
    %select_n3A_20 = arith.select %eq3A_18, %jit3A_19, %jit3A_17 : i32
    %rem3A_21 = arith.remsi %add3A, %select_n3A_20 : i32
    %ne3A_22 = arith.constant 0 : i32
    %ne3A_23 = arith.cmpi ne, %rem3A_21, %ne3A_22 : i32
    %lt3A = arith.constant 0 : i32
    %lt3A_24 = arith.cmpi slt, %rem3A_21, %lt3A : i32
    %lt3A_25 = arith.constant 0 : i32
    %lt3A_26 = arith.cmpi slt, %select_n3A_20, %lt3A_25 : i32
    %ne3A_27 = arith.xori %lt3A_24, %lt3A_26 : i1
    %and3A_28 = arith.andi %ne3A_27, %ne3A_23 : i1
    %add3A_29 = arith.addi %rem3A_21, %select_n3A_20 : i32
    %select_n3A_30 = arith.select %and3A_28, %add3A_29, %rem3A_21 : i32
    "tpu.region"() ({
      %run_scoped3A = tpu.sem_alloc : memref<!tpu.dma_semaphore, #tpu.memory_space<semaphore_mem>>
      %dma_start3A = arith.constant 0 : i32
      %dma_start3A_58 = tpu.memref_slice %arg5[%select_n3A, %dma_start3A] : memref<8x2048xf32, #tpu.memory_space<hbm>> -> memref<1x2048xf32, #tpu.memory_space<hbm>>
      %dma_start3A_59 = tpu.memref_squeeze %dma_start3A_58 : memref<1x2048xf32, #tpu.memory_space<hbm>> -> memref<2048xf32, #tpu.memory_space<hbm>>
      %dma_start3A_60 = arith.constant 0 : i32
      %dma_start3A_61 = tpu.memref_slice %arg5[%select_n3A, %dma_start3A_60] : memref<8x2048xf32, #tpu.memory_space<hbm>> -> memref<1x2048xf32, #tpu.memory_space<hbm>>
      %dma_start3A_62 = tpu.memref_squeeze %dma_start3A_61 : memref<1x2048xf32, #tpu.memory_space<hbm>> -> memref<2048xf32, #tpu.memory_space<hbm>>
      tpu.enqueue_dma source(%dma_start3A_62 : memref<2048xf32, #tpu.memory_space<hbm>>) target(%arg8 : memref<2048xf32, #tpu.memory_space<vmem>>) target_semaphore(%run_scoped3A : memref<!tpu.dma_semaphore, #tpu.memory_space<semaphore_mem>>)
      %dma_wait3A = arith.constant 0 : i32
      %dma_wait3A_63 = tpu.memref_slice %arg5[%select_n3A, %dma_wait3A] : memref<8x2048xf32, #tpu.memory_space<hbm>> -> memref<1x2048xf32, #tpu.memory_space<hbm>>
      %dma_wait3A_64 = tpu.memref_squeeze %dma_wait3A_63 : memref<1x2048xf32, #tpu.memory_space<hbm>> -> memref<2048xf32, #tpu.memory_space<hbm>>
      %dma_wait3A_65 = arith.constant 0 : i32
      %dma_wait3A_66 = tpu.memref_slice %arg5[%select_n3A, %dma_wait3A_65] : memref<8x2048xf32, #tpu.memory_space<hbm>> -> memref<1x2048xf32, #tpu.memory_space<hbm>>
      %dma_wait3A_67 = tpu.memref_squeeze %dma_wait3A_66 : memref<1x2048xf32, #tpu.memory_space<hbm>> -> memref<2048xf32, #tpu.memory_space<hbm>>
      tpu.wait_dma2 semaphore(%run_scoped3A : memref<!tpu.dma_semaphore, #tpu.memory_space<semaphore_mem>>) src(%dma_wait3A_67 : memref<2048xf32, #tpu.memory_space<hbm>>) dst(%arg8 : memref<2048xf32, #tpu.memory_space<vmem>>)
      tpu.yield
    }) : () -> ()
    %mul3A_31 = arith.constant 8192 : i32
    %mul3A_32 = arith.muli %select_n3A_30, %mul3A_31 : i32
    "tpu.region"() ({
      %run_scoped3A = tpu.sem_alloc : memref<!tpu.dma_semaphore, #tpu.memory_space<semaphore_mem>>
      %dma_start3A = tpu.memref_slice %arg2[%select_n3A, %mul3A_32] : memref<8x32768xi32, #tpu.memory_space<hbm>> -> memref<1x8192xi32, #tpu.memory_space<hbm>>
      %dma_start3A_58 = tpu.memref_squeeze %dma_start3A : memref<1x8192xi32, #tpu.memory_space<hbm>> -> memref<8192xi32, #tpu.memory_space<hbm>>
      %dma_start3A_59 = tpu.memref_slice %arg2[%select_n3A, %mul3A_32] : memref<8x32768xi32, #tpu.memory_space<hbm>> -> memref<1x8192xi32, #tpu.memory_space<hbm>>
      %dma_start3A_60 = tpu.memref_squeeze %dma_start3A_59 : memref<1x8192xi32, #tpu.memory_space<hbm>> -> memref<8192xi32, #tpu.memory_space<hbm>>
      tpu.enqueue_dma source(%dma_start3A_60 : memref<8192xi32, #tpu.memory_space<hbm>>) target(%arg11 : memref<8192xi32, #tpu.memory_space<vmem>>) target_semaphore(%run_scoped3A : memref<!tpu.dma_semaphore, #tpu.memory_space<semaphore_mem>>)
      %dma_wait3A = tpu.memref_slice %arg2[%select_n3A, %mul3A_32] : memref<8x32768xi32, #tpu.memory_space<hbm>> -> memref<1x8192xi32, #tpu.memory_space<hbm>>
      %dma_wait3A_61 = tpu.memref_squeeze %dma_wait3A : memref<1x8192xi32, #tpu.memory_space<hbm>> -> memref<8192xi32, #tpu.memory_space<hbm>>
      %dma_wait3A_62 = tpu.memref_slice %arg2[%select_n3A, %mul3A_32] : memref<8x32768xi32, #tpu.memory_space<hbm>> -> memref<1x8192xi32, #tpu.memory_space<hbm>>
      %dma_wait3A_63 = tpu.memref_squeeze %dma_wait3A_62 : memref<1x8192xi32, #tpu.memory_space<hbm>> -> memref<8192xi32, #tpu.memory_space<hbm>>
      tpu.wait_dma2 semaphore(%run_scoped3A : memref<!tpu.dma_semaphore, #tpu.memory_space<semaphore_mem>>) src(%dma_wait3A_63 : memref<8192xi32, #tpu.memory_space<hbm>>) dst(%arg11 : memref<8192xi32, #tpu.memory_space<vmem>>)
      tpu.yield
    }) : () -> ()
    %mul3A_33 = arith.constant 8192 : i32
    %mul3A_34 = arith.muli %select_n3A_30, %mul3A_33 : i32
    "tpu.region"() ({
      %run_scoped3A = tpu.sem_alloc : memref<!tpu.dma_semaphore, #tpu.memory_space<semaphore_mem>>
      %dma_start3A = tpu.memref_slice %arg3[%select_n3A, %mul3A_34] : memref<8x32768xi32, #tpu.memory_space<hbm>> -> memref<1x8192xi32, #tpu.memory_space<hbm>>
      %dma_start3A_58 = tpu.memref_squeeze %dma_start3A : memref<1x8192xi32, #tpu.memory_space<hbm>> -> memref<8192xi32, #tpu.memory_space<hbm>>
      %dma_start3A_59 = tpu.memref_slice %arg3[%select_n3A, %mul3A_34] : memref<8x32768xi32, #tpu.memory_space<hbm>> -> memref<1x8192xi32, #tpu.memory_space<hbm>>
      %dma_start3A_60 = tpu.memref_squeeze %dma_start3A_59 : memref<1x8192xi32, #tpu.memory_space<hbm>> -> memref<8192xi32, #tpu.memory_space<hbm>>
      tpu.enqueue_dma source(%dma_start3A_60 : memref<8192xi32, #tpu.memory_space<hbm>>) target(%arg12 : memref<8192xi32, #tpu.memory_space<vmem>>) target_semaphore(%run_scoped3A : memref<!tpu.dma_semaphore, #tpu.memory_space<semaphore_mem>>)
      %dma_wait3A = tpu.memref_slice %arg3[%select_n3A, %mul3A_34] : memref<8x32768xi32, #tpu.memory_space<hbm>> -> memref<1x8192xi32, #tpu.memory_space<hbm>>
      %dma_wait3A_61 = tpu.memref_squeeze %dma_wait3A : memref<1x8192xi32, #tpu.memory_space<hbm>> -> memref<8192xi32, #tpu.memory_space<hbm>>
      %dma_wait3A_62 = tpu.memref_slice %arg3[%select_n3A, %mul3A_34] : memref<8x32768xi32, #tpu.memory_space<hbm>> -> memref<1x8192xi32, #tpu.memory_space<hbm>>
      %dma_wait3A_63 = tpu.memref_squeeze %dma_wait3A_62 : memref<1x8192xi32, #tpu.memory_space<hbm>> -> memref<8192xi32, #tpu.memory_space<hbm>>
      tpu.wait_dma2 semaphore(%run_scoped3A : memref<!tpu.dma_semaphore, #tpu.memory_space<semaphore_mem>>) src(%dma_wait3A_63 : memref<8192xi32, #tpu.memory_space<hbm>>) dst(%arg12 : memref<8192xi32, #tpu.memory_space<vmem>>)
      tpu.yield
    }) : () -> ()
    %mul3A_35 = arith.constant 8192 : i32
    %mul3A_36 = arith.muli %select_n3A_30, %mul3A_35 : i32
    "tpu.region"() ({
      %run_scoped3A = tpu.sem_alloc : memref<!tpu.dma_semaphore, #tpu.memory_space<semaphore_mem>>
      %dma_start3A = tpu.memref_slice %arg4[%select_n3A, %mul3A_36] : memref<8x32768xf32, #tpu.memory_space<hbm>> -> memref<1x8192xf32, #tpu.memory_space<hbm>>
      %dma_start3A_58 = tpu.memref_squeeze %dma_start3A : memref<1x8192xf32, #tpu.memory_space<hbm>> -> memref<8192xf32, #tpu.memory_space<hbm>>
      %dma_start3A_59 = tpu.memref_slice %arg4[%select_n3A, %mul3A_36] : memref<8x32768xf32, #tpu.memory_space<hbm>> -> memref<1x8192xf32, #tpu.memory_space<hbm>>
      %dma_start3A_60 = tpu.memref_squeeze %dma_start3A_59 : memref<1x8192xf32, #tpu.memory_space<hbm>> -> memref<8192xf32, #tpu.memory_space<hbm>>
      tpu.enqueue_dma source(%dma_start3A_60 : memref<8192xf32, #tpu.memory_space<hbm>>) target(%arg13 : memref<8192xf32, #tpu.memory_space<vmem>>) target_semaphore(%run_scoped3A : memref<!tpu.dma_semaphore, #tpu.memory_space<semaphore_mem>>)
      %dma_wait3A = tpu.memref_slice %arg4[%select_n3A, %mul3A_36] : memref<8x32768xf32, #tpu.memory_space<hbm>> -> memref<1x8192xf32, #tpu.memory_space<hbm>>
      %dma_wait3A_61 = tpu.memref_squeeze %dma_wait3A : memref<1x8192xf32, #tpu.memory_space<hbm>> -> memref<8192xf32, #tpu.memory_space<hbm>>
      %dma_wait3A_62 = tpu.memref_slice %arg4[%select_n3A, %mul3A_36] : memref<8x32768xf32, #tpu.memory_space<hbm>> -> memref<1x8192xf32, #tpu.memory_space<hbm>>
      %dma_wait3A_63 = tpu.memref_squeeze %dma_wait3A_62 : memref<1x8192xf32, #tpu.memory_space<hbm>> -> memref<8192xf32, #tpu.memory_space<hbm>>
      tpu.wait_dma2 semaphore(%run_scoped3A : memref<!tpu.dma_semaphore, #tpu.memory_space<semaphore_mem>>) src(%dma_wait3A_63 : memref<8192xf32, #tpu.memory_space<hbm>>) dst(%arg13 : memref<8192xf32, #tpu.memory_space<vmem>>)
      tpu.yield
    }) : () -> ()
    %scan3A = arith.constant 0 : i32
    %scan3A_37 = arith.constant 0 : i32
    %scan3A_38 = arith.constant 128 : i32
    %scan3A_39 = arith.addi %scan3A_37, %scan3A_38 : i32
    %scan3A_40 = arith.constant 1 : i32
    %scan3A_41 = scf.for %scan3A_58 = %scan3A_37 to %scan3A_39 step %scan3A_40 iter_args(%scan3A_59 = %scan3A) -> (i32)  : i32 {
      %broadcast_in_dim3A_60 = arith.constant 0.000000e+00 : f32
      %broadcast_in_dim3A_61 = vector.broadcast %broadcast_in_dim3A_60 : f32 to vector<16xf32>
      %mul3A_62 = arith.constant 16 : i32
      %mul3A_63 = arith.muli %scan3A_58, %mul3A_62 : i32
      %swap3A = arith.index_cast %mul3A_63 : i32 to index
      %swap3A_64 = tpu.vector_load %arg9[%swap3A] {strides = array<i32>} : memref<2048xf32, #tpu.memory_space<vmem>>, vector<16xf32>,
      tpu.vector_store %arg9[%swap3A], %broadcast_in_dim3A_61 {strides = array<i32>} : memref<2048xf32, #tpu.memory_space<vmem>>, vector<16xf32>,
      %mul3A_65 = arith.constant 16 : i32
      %mul3A_66 = arith.muli %scan3A_58, %mul3A_65 : i32
      %swap3A_67 = arith.index_cast %mul3A_66 : i32 to index
      %swap3A_68 = tpu.vector_load %arg10[%swap3A_67] {strides = array<i32>} : memref<2048xf32, #tpu.memory_space<vmem>>, vector<16xf32>,
      tpu.vector_store %arg10[%swap3A_67], %broadcast_in_dim3A_61 {strides = array<i32>} : memref<2048xf32, #tpu.memory_space<vmem>>, vector<16xf32>,
      %scan3A_69 = arith.constant 0 : i32
      scf.yield %scan3A_69 : i32
    }
    %scan3A_42 = arith.constant 128 : i32
    %broadcast_in_dim3A = arith.constant 1.000000e+00 : f32
    %broadcast_in_dim3A_43 = vector.broadcast %broadcast_in_dim3A : f32 to vector<16xf32>
    %scan3A_44 = arith.constant 0 : i32
    %scan3A_45 = arith.constant 0 : i32
    %scan3A_46 = arith.constant 32 : i32
    %scan3A_47 = arith.addi %scan3A_45, %scan3A_46 : i32
    %scan3A_48 = arith.constant 1 : i32
    %scan3A_49 = scf.for %scan3A_58 = %scan3A_45 to %scan3A_47 step %scan3A_48 iter_args(%scan3A_59 = %scan3A_44) -> (i32)  : i32 {
      %mul3A_60 = arith.constant 512 : i32
      %mul3A_61 = arith.muli %select_n3A_30, %mul3A_60 : i32
      %mul3A_62 = arith.constant 16 : i32
      %mul3A_63 = arith.muli %scan3A_58, %mul3A_62 : i32
      %add3A_64 = arith.addi %mul3A_61, %mul3A_63 : i32
      %get3A = arith.index_cast %add3A_64 : i32 to index
      %get3A_65 = tpu.vector_load %arg8[%get3A] {strides = array<i32>} : memref<2048xf32, #tpu.memory_space<vmem>>, vector<16xf32>,
      %convert_element_type3A = arith.fptosi %get3A_65 : vector<16xf32> to vector<16xi32>
      tpu.vector_store_idx %arg10[%convert_element_type3A], %broadcast_in_dim3A_43 {add = true} : memref<2048xf32, #tpu.memory_space<vmem>>[vector<16xi32>], vector<16xf32>,
      %scan3A_66 = arith.constant 0 : i32
      scf.yield %scan3A_66 : i32
    }
    %scan3A_50 = arith.constant 32 : i32
    %scan3A_51 = arith.constant 0 : i32
    %scan3A_52 = arith.constant 0 : i32
    %scan3A_53 = arith.constant 64 : i32
    %scan3A_54 = arith.addi %scan3A_52, %scan3A_53 : i32
    %scan3A_55 = arith.constant 1 : i32
    %scan3A_56 = scf.for %scan3A_58 = %scan3A_52 to %scan3A_54 step %scan3A_55 iter_args(%scan3A_59 = %scan3A_51) -> (i32)  : i32 {
      %mul3A_60 = arith.constant 128 : i32
      %mul3A_61 = arith.muli %scan3A_58, %mul3A_60 : i32
      %add3A_62 = arith.constant 0 : i32
      %add3A_63 = arith.addi %mul3A_61, %add3A_62 : i32
      %get3A = arith.index_cast %add3A_63 : i32 to index
      %get3A_64 = tpu.vector_load %arg11[%get3A] {strides = array<i32>} : memref<8192xi32, #tpu.memory_space<vmem>>, vector<16xi32>,
      %get3A_65 = arith.index_cast %add3A_63 : i32 to index
      %get3A_66 = tpu.vector_load %arg12[%get3A_65] {strides = array<i32>} : memref<8192xi32, #tpu.memory_space<vmem>>, vector<16xi32>,
      %get3A_67 = arith.index_cast %add3A_63 : i32 to index
      %get3A_68 = tpu.vector_load %arg13[%get3A_67] {strides = array<i32>} : memref<8192xf32, #tpu.memory_space<vmem>>, vector<16xf32>,
      %gather3A = tpu.vector_load_idx %arg8[%get3A_66] : memref<2048xf32, #tpu.memory_space<vmem>>[vector<16xi32>], vector<16xf32>,
      %mul3A_69 = arith.mulf %gather3A, %get3A_68 : vector<16xf32>
      tpu.vector_store_idx %arg9[%get3A_64], %mul3A_69 {add = true} : memref<2048xf32, #tpu.memory_space<vmem>>[vector<16xi32>], vector<16xf32>,
      %mul3A_70 = arith.constant 128 : i32
      %mul3A_71 = arith.muli %scan3A_58, %mul3A_70 : i32
      %add3A_72 = arith.constant 16 : i32
      %add3A_73 = arith.addi %mul3A_71, %add3A_72 : i32
      %get3A_74 = arith.index_cast %add3A_73 : i32 to index
      %get3A_75 = tpu.vector_load %arg11[%get3A_74] {strides = array<i32>} : memref<8192xi32, #tpu.memory_space<vmem>>, vector<16xi32>,
      %get3A_76 = arith.index_cast %add3A_73 : i32 to index
      %get3A_77 = tpu.vector_load %arg12[%get3A_76] {strides = array<i32>} : memref<8192xi32, #tpu.memory_space<vmem>>, vector<16xi32>,
      %get3A_78 = arith.index_cast %add3A_73 : i32 to index
      %get3A_79 = tpu.vector_load %arg13[%get3A_78] {strides = array<i32>} : memref<8192xf32, #tpu.memory_space<vmem>>, vector<16xf32>,
      %gather3A_80 = tpu.vector_load_idx %arg8[%get3A_77] : memref<2048xf32, #tpu.memory_space<vmem>>[vector<16xi32>], vector<16xf32>,
      %mul3A_81 = arith.mulf %gather3A_80, %get3A_79 : vector<16xf32>
      tpu.vector_store_idx %arg9[%get3A_75], %mul3A_81 {add = true} : memref<2048xf32, #tpu.memory_space<vmem>>[vector<16xi32>], vector<16xf32>,
      %mul3A_82 = arith.constant 128 : i32
      %mul3A_83 = arith.muli %scan3A_58, %mul3A_82 : i32
      %add3A_84 = arith.constant 32 : i32
      %add3A_85 = arith.addi %mul3A_83, %add3A_84 : i32
      %get3A_86 = arith.index_cast %add3A_85 : i32 to index
      %get3A_87 = tpu.vector_load %arg11[%get3A_86] {strides = array<i32>} : memref<8192xi32, #tpu.memory_space<vmem>>, vector<16xi32>,
      %get3A_88 = arith.index_cast %add3A_85 : i32 to index
      %get3A_89 = tpu.vector_load %arg12[%get3A_88] {strides = array<i32>} : memref<8192xi32, #tpu.memory_space<vmem>>, vector<16xi32>,
      %get3A_90 = arith.index_cast %add3A_85 : i32 to index
      %get3A_91 = tpu.vector_load %arg13[%get3A_90] {strides = array<i32>} : memref<8192xf32, #tpu.memory_space<vmem>>, vector<16xf32>,
      %gather3A_92 = tpu.vector_load_idx %arg8[%get3A_89] : memref<2048xf32, #tpu.memory_space<vmem>>[vector<16xi32>], vector<16xf32>,
      %mul3A_93 = arith.mulf %gather3A_92, %get3A_91 : vector<16xf32>
      tpu.vector_store_idx %arg9[%get3A_87], %mul3A_93 {add = true} : memref<2048xf32, #tpu.memory_space<vmem>>[vector<16xi32>], vector<16xf32>,
      %mul3A_94 = arith.constant 128 : i32
      %mul3A_95 = arith.muli %scan3A_58, %mul3A_94 : i32
      %add3A_96 = arith.constant 48 : i32
      %add3A_97 = arith.addi %mul3A_95, %add3A_96 : i32
      %get3A_98 = arith.index_cast %add3A_97 : i32 to index
      %get3A_99 = tpu.vector_load %arg11[%get3A_98] {strides = array<i32>} : memref<8192xi32, #tpu.memory_space<vmem>>, vector<16xi32>,
      %get3A_100 = arith.index_cast %add3A_97 : i32 to index
      %get3A_101 = tpu.vector_load %arg12[%get3A_100] {strides = array<i32>} : memref<8192xi32, #tpu.memory_space<vmem>>, vector<16xi32>,
      %get3A_102 = arith.index_cast %add3A_97 : i32 to index
      %get3A_103 = tpu.vector_load %arg13[%get3A_102] {strides = array<i32>} : memref<8192xf32, #tpu.memory_space<vmem>>, vector<16xf32>,
      %gather3A_104 = tpu.vector_load_idx %arg8[%get3A_101] : memref<2048xf32, #tpu.memory_space<vmem>>[vector<16xi32>], vector<16xf32>,
      %mul3A_105 = arith.mulf %gather3A_104, %get3A_103 : vector<16xf32>
      tpu.vector_store_idx %arg9[%get3A_99], %mul3A_105 {add = true} : memref<2048xf32, #tpu.memory_space<vmem>>[vector<16xi32>], vector<16xf32>,
      %mul3A_106 = arith.constant 128 : i32
      %mul3A_107 = arith.muli %scan3A_58, %mul3A_106 : i32
      %add3A_108 = arith.constant 64 : i32
      %add3A_109 = arith.addi %mul3A_107, %add3A_108 : i32
      %get3A_110 = arith.index_cast %add3A_109 : i32 to index
      %get3A_111 = tpu.vector_load %arg11[%get3A_110] {strides = array<i32>} : memref<8192xi32, #tpu.memory_space<vmem>>, vector<16xi32>,
      %get3A_112 = arith.index_cast %add3A_109 : i32 to index
      %get3A_113 = tpu.vector_load %arg12[%get3A_112] {strides = array<i32>} : memref<8192xi32, #tpu.memory_space<vmem>>, vector<16xi32>,
      %get3A_114 = arith.index_cast %add3A_109 : i32 to index
      %get3A_115 = tpu.vector_load %arg13[%get3A_114] {strides = array<i32>} : memref<8192xf32, #tpu.memory_space<vmem>>, vector<16xf32>,
      %gather3A_116 = tpu.vector_load_idx %arg8[%get3A_113] : memref<2048xf32, #tpu.memory_space<vmem>>[vector<16xi32>], vector<16xf32>,
      %mul3A_117 = arith.mulf %gather3A_116, %get3A_115 : vector<16xf32>
      tpu.vector_store_idx %arg9[%get3A_111], %mul3A_117 {add = true} : memref<2048xf32, #tpu.memory_space<vmem>>[vector<16xi32>], vector<16xf32>,
      %mul3A_118 = arith.constant 128 : i32
      %mul3A_119 = arith.muli %scan3A_58, %mul3A_118 : i32
      %add3A_120 = arith.constant 80 : i32
      %add3A_121 = arith.addi %mul3A_119, %add3A_120 : i32
      %get3A_122 = arith.index_cast %add3A_121 : i32 to index
      %get3A_123 = tpu.vector_load %arg11[%get3A_122] {strides = array<i32>} : memref<8192xi32, #tpu.memory_space<vmem>>, vector<16xi32>,
      %get3A_124 = arith.index_cast %add3A_121 : i32 to index
      %get3A_125 = tpu.vector_load %arg12[%get3A_124] {strides = array<i32>} : memref<8192xi32, #tpu.memory_space<vmem>>, vector<16xi32>,
      %get3A_126 = arith.index_cast %add3A_121 : i32 to index
      %get3A_127 = tpu.vector_load %arg13[%get3A_126] {strides = array<i32>} : memref<8192xf32, #tpu.memory_space<vmem>>, vector<16xf32>,
      %gather3A_128 = tpu.vector_load_idx %arg8[%get3A_125] : memref<2048xf32, #tpu.memory_space<vmem>>[vector<16xi32>], vector<16xf32>,
      %mul3A_129 = arith.mulf %gather3A_128, %get3A_127 : vector<16xf32>
      tpu.vector_store_idx %arg9[%get3A_123], %mul3A_129 {add = true} : memref<2048xf32, #tpu.memory_space<vmem>>[vector<16xi32>], vector<16xf32>,
      %mul3A_130 = arith.constant 128 : i32
      %mul3A_131 = arith.muli %scan3A_58, %mul3A_130 : i32
      %add3A_132 = arith.constant 96 : i32
      %add3A_133 = arith.addi %mul3A_131, %add3A_132 : i32
      %get3A_134 = arith.index_cast %add3A_133 : i32 to index
      %get3A_135 = tpu.vector_load %arg11[%get3A_134] {strides = array<i32>} : memref<8192xi32, #tpu.memory_space<vmem>>, vector<16xi32>,
      %get3A_136 = arith.index_cast %add3A_133 : i32 to index
      %get3A_137 = tpu.vector_load %arg12[%get3A_136] {strides = array<i32>} : memref<8192xi32, #tpu.memory_space<vmem>>, vector<16xi32>,
      %get3A_138 = arith.index_cast %add3A_133 : i32 to index
      %get3A_139 = tpu.vector_load %arg13[%get3A_138] {strides = array<i32>} : memref<8192xf32, #tpu.memory_space<vmem>>, vector<16xf32>,
      %gather3A_140 = tpu.vector_load_idx %arg8[%get3A_137] : memref<2048xf32, #tpu.memory_space<vmem>>[vector<16xi32>], vector<16xf32>,
      %mul3A_141 = arith.mulf %gather3A_140, %get3A_139 : vector<16xf32>
      tpu.vector_store_idx %arg9[%get3A_135], %mul3A_141 {add = true} : memref<2048xf32, #tpu.memory_space<vmem>>[vector<16xi32>], vector<16xf32>,
      %mul3A_142 = arith.constant 128 : i32
      %mul3A_143 = arith.muli %scan3A_58, %mul3A_142 : i32
      %add3A_144 = arith.constant 112 : i32
      %add3A_145 = arith.addi %mul3A_143, %add3A_144 : i32
      %get3A_146 = arith.index_cast %add3A_145 : i32 to index
      %get3A_147 = tpu.vector_load %arg11[%get3A_146] {strides = array<i32>} : memref<8192xi32, #tpu.memory_space<vmem>>, vector<16xi32>,
      %get3A_148 = arith.index_cast %add3A_145 : i32 to index
      %get3A_149 = tpu.vector_load %arg12[%get3A_148] {strides = array<i32>} : memref<8192xi32, #tpu.memory_space<vmem>>, vector<16xi32>,
      %get3A_150 = arith.index_cast %add3A_145 : i32 to index
      %get3A_151 = tpu.vector_load %arg13[%get3A_150] {strides = array<i32>} : memref<8192xf32, #tpu.memory_space<vmem>>, vector<16xf32>,
      %gather3A_152 = tpu.vector_load_idx %arg8[%get3A_149] : memref<2048xf32, #tpu.memory_space<vmem>>[vector<16xi32>], vector<16xf32>,
      %mul3A_153 = arith.mulf %gather3A_152, %get3A_151 : vector<16xf32>
      tpu.vector_store_idx %arg9[%get3A_147], %mul3A_153 {add = true} : memref<2048xf32, #tpu.memory_space<vmem>>[vector<16xi32>], vector<16xf32>,
      %scan3A_154 = arith.constant 0 : i32
      scf.yield %scan3A_154 : i32
    }
    %scan3A_57 = arith.constant 64 : i32
    "tpu.region"() ({
      %run_scoped3A = tpu.sem_alloc : memref<!tpu.dma_semaphore, #tpu.memory_space<semaphore_mem>>
      %dma_start3A = arith.constant 0 : i32
      %dma_start3A_58 = tpu.memref_slice %arg6[%select_n3A, %select_n3A_30, %dma_start3A] : memref<8x4x2048xf32, #tpu.memory_space<hbm>> -> memref<1x1x2048xf32, #tpu.memory_space<hbm>>
      %dma_start3A_59 = tpu.memref_squeeze %dma_start3A_58 : memref<1x1x2048xf32, #tpu.memory_space<hbm>> -> memref<2048xf32, #tpu.memory_space<hbm>>
      %dma_start3A_60 = arith.constant 0 : i32
      %dma_start3A_61 = tpu.memref_slice %arg6[%select_n3A, %select_n3A_30, %dma_start3A_60] : memref<8x4x2048xf32, #tpu.memory_space<hbm>> -> memref<1x1x2048xf32, #tpu.memory_space<hbm>>
      %dma_start3A_62 = tpu.memref_squeeze %dma_start3A_61 : memref<1x1x2048xf32, #tpu.memory_space<hbm>> -> memref<2048xf32, #tpu.memory_space<hbm>>
      tpu.enqueue_dma source(%arg9 : memref<2048xf32, #tpu.memory_space<vmem>>) target(%dma_start3A_62 : memref<2048xf32, #tpu.memory_space<hbm>>) target_semaphore(%run_scoped3A : memref<!tpu.dma_semaphore, #tpu.memory_space<semaphore_mem>>)
      %dma_wait3A = arith.constant 0 : i32
      %dma_wait3A_63 = tpu.memref_slice %arg6[%select_n3A, %select_n3A_30, %dma_wait3A] : memref<8x4x2048xf32, #tpu.memory_space<hbm>> -> memref<1x1x2048xf32, #tpu.memory_space<hbm>>
      %dma_wait3A_64 = tpu.memref_squeeze %dma_wait3A_63 : memref<1x1x2048xf32, #tpu.memory_space<hbm>> -> memref<2048xf32, #tpu.memory_space<hbm>>
      %dma_wait3A_65 = arith.constant 0 : i32
      %dma_wait3A_66 = tpu.memref_slice %arg6[%select_n3A, %select_n3A_30, %dma_wait3A_65] : memref<8x4x2048xf32, #tpu.memory_space<hbm>> -> memref<1x1x2048xf32, #tpu.memory_space<hbm>>
      %dma_wait3A_67 = tpu.memref_squeeze %dma_wait3A_66 : memref<1x1x2048xf32, #tpu.memory_space<hbm>> -> memref<2048xf32, #tpu.memory_space<hbm>>
      tpu.wait_dma2 semaphore(%run_scoped3A : memref<!tpu.dma_semaphore, #tpu.memory_space<semaphore_mem>>) src(%arg9 : memref<2048xf32, #tpu.memory_space<vmem>>) dst(%dma_wait3A_67 : memref<2048xf32, #tpu.memory_space<hbm>>)
      tpu.yield
    }) : () -> ()
    "tpu.region"() ({
      %run_scoped3A = tpu.sem_alloc : memref<!tpu.dma_semaphore, #tpu.memory_space<semaphore_mem>>
      %dma_start3A = arith.constant 0 : i32
      %dma_start3A_58 = tpu.memref_slice %arg7[%select_n3A, %select_n3A_30, %dma_start3A] : memref<8x4x2048xf32, #tpu.memory_space<hbm>> -> memref<1x1x2048xf32, #tpu.memory_space<hbm>>
      %dma_start3A_59 = tpu.memref_squeeze %dma_start3A_58 : memref<1x1x2048xf32, #tpu.memory_space<hbm>> -> memref<2048xf32, #tpu.memory_space<hbm>>
      %dma_start3A_60 = arith.constant 0 : i32
      %dma_start3A_61 = tpu.memref_slice %arg7[%select_n3A, %select_n3A_30, %dma_start3A_60] : memref<8x4x2048xf32, #tpu.memory_space<hbm>> -> memref<1x1x2048xf32, #tpu.memory_space<hbm>>
      %dma_start3A_62 = tpu.memref_squeeze %dma_start3A_61 : memref<1x1x2048xf32, #tpu.memory_space<hbm>> -> memref<2048xf32, #tpu.memory_space<hbm>>
      tpu.enqueue_dma source(%arg10 : memref<2048xf32, #tpu.memory_space<vmem>>) target(%dma_start3A_62 : memref<2048xf32, #tpu.memory_space<hbm>>) target_semaphore(%run_scoped3A : memref<!tpu.dma_semaphore, #tpu.memory_space<semaphore_mem>>)
      %dma_wait3A = arith.constant 0 : i32
      %dma_wait3A_63 = tpu.memref_slice %arg7[%select_n3A, %select_n3A_30, %dma_wait3A] : memref<8x4x2048xf32, #tpu.memory_space<hbm>> -> memref<1x1x2048xf32, #tpu.memory_space<hbm>>
      %dma_wait3A_64 = tpu.memref_squeeze %dma_wait3A_63 : memref<1x1x2048xf32, #tpu.memory_space<hbm>> -> memref<2048xf32, #tpu.memory_space<hbm>>
      %dma_wait3A_65 = arith.constant 0 : i32
      %dma_wait3A_66 = tpu.memref_slice %arg7[%select_n3A, %select_n3A_30, %dma_wait3A_65] : memref<8x4x2048xf32, #tpu.memory_space<hbm>> -> memref<1x1x2048xf32, #tpu.memory_space<hbm>>
      %dma_wait3A_67 = tpu.memref_squeeze %dma_wait3A_66 : memref<1x1x2048xf32, #tpu.memory_space<hbm>> -> memref<2048xf32, #tpu.memory_space<hbm>>
      tpu.wait_dma2 semaphore(%run_scoped3A : memref<!tpu.dma_semaphore, #tpu.memory_space<semaphore_mem>>) src(%arg10 : memref<2048xf32, #tpu.memory_space<vmem>>) dst(%dma_wait3A_67 : memref<2048xf32, #tpu.memory_space<hbm>>)
      tpu.yield
    }) : () -> ()
    return
  }
}

#map = affine_map<(d0, d1) -> (0, 0)>
#map1 = affine_map<(d0, d1) -> (0, 0, 0)>
module attributes {stable_mosaic.version = 14 : i64} {
  func.func @_sc_segsum_body(%arg0: i32, %arg1: i32, %arg2: memref<8x32768xi32, #tpu.memory_space<hbm>>, %arg3: memref<8x32768xi32, #tpu.memory_space<hbm>>, %arg4: memref<8x32768xf32, #tpu.memory_space<hbm>>, %arg5: memref<8x2048xf32, #tpu.memory_space<hbm>>, %arg6: memref<8x4x2048xf32, #tpu.memory_space<hbm>>, %arg7: memref<8x4x2048xf32, #tpu.memory_space<hbm>>, %arg8: memref<2048xf32, #tpu.memory_space<vmem>>, %arg9: memref<2048xf32, #tpu.memory_space<vmem>>, %arg10: memref<2048xf32, #tpu.memory_space<vmem>>, %arg11: memref<8192xi32, #tpu.memory_space<vmem>>, %arg12: memref<8192xi32, #tpu.memory_space<vmem>>, %arg13: memref<8192xf32, #tpu.memory_space<vmem>>) attributes {dimension_semantics = [#tpu.dimension_semantics<core_parallel>, #tpu.dimension_semantics<subcore_parallel>], iteration_bounds = array<i64: 2, 16>, scalar_prefetch = 0 : i64, scratch_operands = 6 : i64, tpu.core_type = #tpu.core_type<sc_vector_subcore>, window_params = [{transform_indices = #map}, {transform_indices = #map}, {transform_indices = #map}, {transform_indices = #map}, {transform_indices = #map1}, {transform_indices = #map1}]} {
    %mul3A = arith.constant 16 : i32
    %mul3A_0 = arith.muli %arg0, %mul3A : i32
    %add3A = arith.addi %mul3A_0, %arg1 : i32
    %jit3A = arith.constant 4 : i32
    %div3A = arith.divsi %add3A, %jit3A : i32
    %sign3A = arith.constant 0 : i32
    %sign3A_1 = arith.cmpi sgt, %add3A, %sign3A : i32
    %sign3A_2 = arith.extui %sign3A_1 : i1 to i32
    %sign3A_3 = arith.constant 0 : i32
    %sign3A_4 = arith.cmpi slt, %add3A, %sign3A_3 : i32
    %sign3A_5 = arith.extui %sign3A_4 : i1 to i32
    %sign3A_6 = arith.subi %sign3A_2, %sign3A_5 : i32
    %sign3A_7 = arith.constant 0 : i32
    %sign3A_8 = arith.cmpi sgt, %jit3A, %sign3A_7 : i32
    %sign3A_9 = arith.extui %sign3A_8 : i1 to i32
    %sign3A_10 = arith.constant 0 : i32
    %sign3A_11 = arith.cmpi slt, %jit3A, %sign3A_10 : i32
    %sign3A_12 = arith.extui %sign3A_11 : i1 to i32
    %sign3A_13 = arith.subi %sign3A_9, %sign3A_12 : i32
    %ne3A = arith.cmpi ne, %sign3A_6, %sign3A_13 : i32
    %rem3A = arith.remsi %add3A, %jit3A : i32
    %ne3A_14 = arith.constant 0 : i32
    %ne3A_15 = arith.cmpi ne, %rem3A, %ne3A_14 : i32
    %and3A = arith.andi %ne3A, %ne3A_15 : i1
    %sub3A = arith.constant 1 : i32
    %sub3A_16 = arith.subi %div3A, %sub3A : i32
    %select_n3A = arith.select %and3A, %sub3A_16, %div3A : i32
    %jit3A_17 = arith.constant 4 : i32
    %eq3A = arith.constant 0 : i32
    %eq3A_18 = arith.cmpi eq, %jit3A_17, %eq3A : i32
    %jit3A_19 = arith.constant 1 : i32
    %select_n3A_20 = arith.select %eq3A_18, %jit3A_19, %jit3A_17 : i32
    %rem3A_21 = arith.remsi %add3A, %select_n3A_20 : i32
    %ne3A_22 = arith.constant 0 : i32
    %ne3A_23 = arith.cmpi ne, %rem3A_21, %ne3A_22 : i32
    %lt3A = arith.constant 0 : i32
    %lt3A_24 = arith.cmpi slt, %rem3A_21, %lt3A : i32
    %lt3A_25 = arith.constant 0 : i32
    %lt3A_26 = arith.cmpi slt, %select_n3A_20, %lt3A_25 : i32
    %ne3A_27 = arith.xori %lt3A_24, %lt3A_26 : i1
    %and3A_28 = arith.andi %ne3A_27, %ne3A_23 : i1
    %add3A_29 = arith.addi %rem3A_21, %select_n3A_20 : i32
    %select_n3A_30 = arith.select %and3A_28, %add3A_29, %rem3A_21 : i32
    "tpu.region"() ({
      %run_scoped3A = tpu.sem_alloc : memref<!tpu.dma_semaphore, #tpu.memory_space<semaphore_mem>>
      %dma_start3A = arith.constant 0 : i32
      %dma_start3A_58 = tpu.memref_slice %arg5[%select_n3A, %dma_start3A] : memref<8x2048xf32, #tpu.memory_space<hbm>> -> memref<1x2048xf32, #tpu.memory_space<hbm>>
      %dma_start3A_59 = tpu.memref_squeeze %dma_start3A_58 : memref<1x2048xf32, #tpu.memory_space<hbm>> -> memref<2048xf32, #tpu.memory_space<hbm>>
      %dma_start3A_60 = arith.constant 0 : i32
      %dma_start3A_61 = tpu.memref_slice %arg5[%select_n3A, %dma_start3A_60] : memref<8x2048xf32, #tpu.memory_space<hbm>> -> memref<1x2048xf32, #tpu.memory_space<hbm>>
      %dma_start3A_62 = tpu.memref_squeeze %dma_start3A_61 : memref<1x2048xf32, #tpu.memory_space<hbm>> -> memref<2048xf32, #tpu.memory_space<hbm>>
      tpu.enqueue_dma source(%dma_start3A_62 : memref<2048xf32, #tpu.memory_space<hbm>>) target(%arg8 : memref<2048xf32, #tpu.memory_space<vmem>>) target_semaphore(%run_scoped3A : memref<!tpu.dma_semaphore, #tpu.memory_space<semaphore_mem>>)
      %dma_wait3A = arith.constant 0 : i32
      %dma_wait3A_63 = tpu.memref_slice %arg5[%select_n3A, %dma_wait3A] : memref<8x2048xf32, #tpu.memory_space<hbm>> -> memref<1x2048xf32, #tpu.memory_space<hbm>>
      %dma_wait3A_64 = tpu.memref_squeeze %dma_wait3A_63 : memref<1x2048xf32, #tpu.memory_space<hbm>> -> memref<2048xf32, #tpu.memory_space<hbm>>
      %dma_wait3A_65 = arith.constant 0 : i32
      %dma_wait3A_66 = tpu.memref_slice %arg5[%select_n3A, %dma_wait3A_65] : memref<8x2048xf32, #tpu.memory_space<hbm>> -> memref<1x2048xf32, #tpu.memory_space<hbm>>
      %dma_wait3A_67 = tpu.memref_squeeze %dma_wait3A_66 : memref<1x2048xf32, #tpu.memory_space<hbm>> -> memref<2048xf32, #tpu.memory_space<hbm>>
      tpu.wait_dma2 semaphore(%run_scoped3A : memref<!tpu.dma_semaphore, #tpu.memory_space<semaphore_mem>>) src(%dma_wait3A_67 : memref<2048xf32, #tpu.memory_space<hbm>>) dst(%arg8 : memref<2048xf32, #tpu.memory_space<vmem>>)
      tpu.yield
    }) : () -> ()
    %mul3A_31 = arith.constant 8192 : i32
    %mul3A_32 = arith.muli %select_n3A_30, %mul3A_31 : i32
    "tpu.region"() ({
      %run_scoped3A = tpu.sem_alloc : memref<!tpu.dma_semaphore, #tpu.memory_space<semaphore_mem>>
      %dma_start3A = tpu.memref_slice %arg2[%select_n3A, %mul3A_32] : memref<8x32768xi32, #tpu.memory_space<hbm>> -> memref<1x8192xi32, #tpu.memory_space<hbm>>
      %dma_start3A_58 = tpu.memref_squeeze %dma_start3A : memref<1x8192xi32, #tpu.memory_space<hbm>> -> memref<8192xi32, #tpu.memory_space<hbm>>
      %dma_start3A_59 = tpu.memref_slice %arg2[%select_n3A, %mul3A_32] : memref<8x32768xi32, #tpu.memory_space<hbm>> -> memref<1x8192xi32, #tpu.memory_space<hbm>>
      %dma_start3A_60 = tpu.memref_squeeze %dma_start3A_59 : memref<1x8192xi32, #tpu.memory_space<hbm>> -> memref<8192xi32, #tpu.memory_space<hbm>>
      tpu.enqueue_dma source(%dma_start3A_60 : memref<8192xi32, #tpu.memory_space<hbm>>) target(%arg11 : memref<8192xi32, #tpu.memory_space<vmem>>) target_semaphore(%run_scoped3A : memref<!tpu.dma_semaphore, #tpu.memory_space<semaphore_mem>>)
      %dma_wait3A = tpu.memref_slice %arg2[%select_n3A, %mul3A_32] : memref<8x32768xi32, #tpu.memory_space<hbm>> -> memref<1x8192xi32, #tpu.memory_space<hbm>>
      %dma_wait3A_61 = tpu.memref_squeeze %dma_wait3A : memref<1x8192xi32, #tpu.memory_space<hbm>> -> memref<8192xi32, #tpu.memory_space<hbm>>
      %dma_wait3A_62 = tpu.memref_slice %arg2[%select_n3A, %mul3A_32] : memref<8x32768xi32, #tpu.memory_space<hbm>> -> memref<1x8192xi32, #tpu.memory_space<hbm>>
      %dma_wait3A_63 = tpu.memref_squeeze %dma_wait3A_62 : memref<1x8192xi32, #tpu.memory_space<hbm>> -> memref<8192xi32, #tpu.memory_space<hbm>>
      tpu.wait_dma2 semaphore(%run_scoped3A : memref<!tpu.dma_semaphore, #tpu.memory_space<semaphore_mem>>) src(%dma_wait3A_63 : memref<8192xi32, #tpu.memory_space<hbm>>) dst(%arg11 : memref<8192xi32, #tpu.memory_space<vmem>>)
      tpu.yield
    }) : () -> ()
    %mul3A_33 = arith.constant 8192 : i32
    %mul3A_34 = arith.muli %select_n3A_30, %mul3A_33 : i32
    "tpu.region"() ({
      %run_scoped3A = tpu.sem_alloc : memref<!tpu.dma_semaphore, #tpu.memory_space<semaphore_mem>>
      %dma_start3A = tpu.memref_slice %arg3[%select_n3A, %mul3A_34] : memref<8x32768xi32, #tpu.memory_space<hbm>> -> memref<1x8192xi32, #tpu.memory_space<hbm>>
      %dma_start3A_58 = tpu.memref_squeeze %dma_start3A : memref<1x8192xi32, #tpu.memory_space<hbm>> -> memref<8192xi32, #tpu.memory_space<hbm>>
      %dma_start3A_59 = tpu.memref_slice %arg3[%select_n3A, %mul3A_34] : memref<8x32768xi32, #tpu.memory_space<hbm>> -> memref<1x8192xi32, #tpu.memory_space<hbm>>
      %dma_start3A_60 = tpu.memref_squeeze %dma_start3A_59 : memref<1x8192xi32, #tpu.memory_space<hbm>> -> memref<8192xi32, #tpu.memory_space<hbm>>
      tpu.enqueue_dma source(%dma_start3A_60 : memref<8192xi32, #tpu.memory_space<hbm>>) target(%arg12 : memref<8192xi32, #tpu.memory_space<vmem>>) target_semaphore(%run_scoped3A : memref<!tpu.dma_semaphore, #tpu.memory_space<semaphore_mem>>)
      %dma_wait3A = tpu.memref_slice %arg3[%select_n3A, %mul3A_34] : memref<8x32768xi32, #tpu.memory_space<hbm>> -> memref<1x8192xi32, #tpu.memory_space<hbm>>
      %dma_wait3A_61 = tpu.memref_squeeze %dma_wait3A : memref<1x8192xi32, #tpu.memory_space<hbm>> -> memref<8192xi32, #tpu.memory_space<hbm>>
      %dma_wait3A_62 = tpu.memref_slice %arg3[%select_n3A, %mul3A_34] : memref<8x32768xi32, #tpu.memory_space<hbm>> -> memref<1x8192xi32, #tpu.memory_space<hbm>>
      %dma_wait3A_63 = tpu.memref_squeeze %dma_wait3A_62 : memref<1x8192xi32, #tpu.memory_space<hbm>> -> memref<8192xi32, #tpu.memory_space<hbm>>
      tpu.wait_dma2 semaphore(%run_scoped3A : memref<!tpu.dma_semaphore, #tpu.memory_space<semaphore_mem>>) src(%dma_wait3A_63 : memref<8192xi32, #tpu.memory_space<hbm>>) dst(%arg12 : memref<8192xi32, #tpu.memory_space<vmem>>)
      tpu.yield
    }) : () -> ()
    %mul3A_35 = arith.constant 8192 : i32
    %mul3A_36 = arith.muli %select_n3A_30, %mul3A_35 : i32
    "tpu.region"() ({
      %run_scoped3A = tpu.sem_alloc : memref<!tpu.dma_semaphore, #tpu.memory_space<semaphore_mem>>
      %dma_start3A = tpu.memref_slice %arg4[%select_n3A, %mul3A_36] : memref<8x32768xf32, #tpu.memory_space<hbm>> -> memref<1x8192xf32, #tpu.memory_space<hbm>>
      %dma_start3A_58 = tpu.memref_squeeze %dma_start3A : memref<1x8192xf32, #tpu.memory_space<hbm>> -> memref<8192xf32, #tpu.memory_space<hbm>>
      %dma_start3A_59 = tpu.memref_slice %arg4[%select_n3A, %mul3A_36] : memref<8x32768xf32, #tpu.memory_space<hbm>> -> memref<1x8192xf32, #tpu.memory_space<hbm>>
      %dma_start3A_60 = tpu.memref_squeeze %dma_start3A_59 : memref<1x8192xf32, #tpu.memory_space<hbm>> -> memref<8192xf32, #tpu.memory_space<hbm>>
      tpu.enqueue_dma source(%dma_start3A_60 : memref<8192xf32, #tpu.memory_space<hbm>>) target(%arg13 : memref<8192xf32, #tpu.memory_space<vmem>>) target_semaphore(%run_scoped3A : memref<!tpu.dma_semaphore, #tpu.memory_space<semaphore_mem>>)
      %dma_wait3A = tpu.memref_slice %arg4[%select_n3A, %mul3A_36] : memref<8x32768xf32, #tpu.memory_space<hbm>> -> memref<1x8192xf32, #tpu.memory_space<hbm>>
      %dma_wait3A_61 = tpu.memref_squeeze %dma_wait3A : memref<1x8192xf32, #tpu.memory_space<hbm>> -> memref<8192xf32, #tpu.memory_space<hbm>>
      %dma_wait3A_62 = tpu.memref_slice %arg4[%select_n3A, %mul3A_36] : memref<8x32768xf32, #tpu.memory_space<hbm>> -> memref<1x8192xf32, #tpu.memory_space<hbm>>
      %dma_wait3A_63 = tpu.memref_squeeze %dma_wait3A_62 : memref<1x8192xf32, #tpu.memory_space<hbm>> -> memref<8192xf32, #tpu.memory_space<hbm>>
      tpu.wait_dma2 semaphore(%run_scoped3A : memref<!tpu.dma_semaphore, #tpu.memory_space<semaphore_mem>>) src(%dma_wait3A_63 : memref<8192xf32, #tpu.memory_space<hbm>>) dst(%arg13 : memref<8192xf32, #tpu.memory_space<vmem>>)
      tpu.yield
    }) : () -> ()
    %scan3A = arith.constant 0 : i32
    %scan3A_37 = arith.constant 0 : i32
    %scan3A_38 = arith.constant 128 : i32
    %scan3A_39 = arith.addi %scan3A_37, %scan3A_38 : i32
    %scan3A_40 = arith.constant 1 : i32
    %scan3A_41 = scf.for %scan3A_58 = %scan3A_37 to %scan3A_39 step %scan3A_40 iter_args(%scan3A_59 = %scan3A) -> (i32)  : i32 {
      %broadcast_in_dim3A_60 = arith.constant 0.000000e+00 : f32
      %broadcast_in_dim3A_61 = vector.broadcast %broadcast_in_dim3A_60 : f32 to vector<16xf32>
      %mul3A_62 = arith.constant 16 : i32
      %mul3A_63 = arith.muli %scan3A_58, %mul3A_62 : i32
      %swap3A = arith.index_cast %mul3A_63 : i32 to index
      %swap3A_64 = tpu.vector_load %arg9[%swap3A] {strides = array<i32>} : memref<2048xf32, #tpu.memory_space<vmem>>, vector<16xf32>,
      tpu.vector_store %arg9[%swap3A], %broadcast_in_dim3A_61 {strides = array<i32>} : memref<2048xf32, #tpu.memory_space<vmem>>, vector<16xf32>,
      %mul3A_65 = arith.constant 16 : i32
      %mul3A_66 = arith.muli %scan3A_58, %mul3A_65 : i32
      %swap3A_67 = arith.index_cast %mul3A_66 : i32 to index
      %swap3A_68 = tpu.vector_load %arg10[%swap3A_67] {strides = array<i32>} : memref<2048xf32, #tpu.memory_space<vmem>>, vector<16xf32>,
      tpu.vector_store %arg10[%swap3A_67], %broadcast_in_dim3A_61 {strides = array<i32>} : memref<2048xf32, #tpu.memory_space<vmem>>, vector<16xf32>,
      %scan3A_69 = arith.constant 0 : i32
      scf.yield %scan3A_69 : i32
    }
    %scan3A_42 = arith.constant 128 : i32
    %broadcast_in_dim3A = arith.constant 1.000000e+00 : f32
    %broadcast_in_dim3A_43 = vector.broadcast %broadcast_in_dim3A : f32 to vector<16xf32>
    %scan3A_44 = arith.constant 0 : i32
    %scan3A_45 = arith.constant 0 : i32
    %scan3A_46 = arith.constant 32 : i32
    %scan3A_47 = arith.addi %scan3A_45, %scan3A_46 : i32
    %scan3A_48 = arith.constant 1 : i32
    %scan3A_49 = scf.for %scan3A_58 = %scan3A_45 to %scan3A_47 step %scan3A_48 iter_args(%scan3A_59 = %scan3A_44) -> (i32)  : i32 {
      %mul3A_60 = arith.constant 512 : i32
      %mul3A_61 = arith.muli %select_n3A_30, %mul3A_60 : i32
      %mul3A_62 = arith.constant 16 : i32
      %mul3A_63 = arith.muli %scan3A_58, %mul3A_62 : i32
      %add3A_64 = arith.addi %mul3A_61, %mul3A_63 : i32
      %get3A = arith.index_cast %add3A_64 : i32 to index
      %get3A_65 = tpu.vector_load %arg8[%get3A] {strides = array<i32>} : memref<2048xf32, #tpu.memory_space<vmem>>, vector<16xf32>,
      %convert_element_type3A = arith.fptosi %get3A_65 : vector<16xf32> to vector<16xi32>
      tpu.vector_store_idx %arg10[%convert_element_type3A], %broadcast_in_dim3A_43 {add = true} : memref<2048xf32, #tpu.memory_space<vmem>>[vector<16xi32>], vector<16xf32>,
      %scan3A_66 = arith.constant 0 : i32
      scf.yield %scan3A_66 : i32
    }
    %scan3A_50 = arith.constant 32 : i32
    %scan3A_51 = arith.constant 0 : i32
    %scan3A_52 = arith.constant 0 : i32
    %scan3A_53 = arith.constant 64 : i32
    %scan3A_54 = arith.addi %scan3A_52, %scan3A_53 : i32
    %scan3A_55 = arith.constant 1 : i32
    %scan3A_56 = scf.for %scan3A_58 = %scan3A_52 to %scan3A_54 step %scan3A_55 iter_args(%scan3A_59 = %scan3A_51) -> (i32)  : i32 {
      %mul3A_60 = arith.constant 128 : i32
      %mul3A_61 = arith.muli %scan3A_58, %mul3A_60 : i32
      %add3A_62 = arith.constant 0 : i32
      %add3A_63 = arith.addi %mul3A_61, %add3A_62 : i32
      %get3A = arith.index_cast %add3A_63 : i32 to index
      %get3A_64 = tpu.vector_load %arg11[%get3A] {strides = array<i32>} : memref<8192xi32, #tpu.memory_space<vmem>>, vector<16xi32>,
      %get3A_65 = arith.index_cast %add3A_63 : i32 to index
      %get3A_66 = tpu.vector_load %arg12[%get3A_65] {strides = array<i32>} : memref<8192xi32, #tpu.memory_space<vmem>>, vector<16xi32>,
      %get3A_67 = arith.index_cast %add3A_63 : i32 to index
      %get3A_68 = tpu.vector_load %arg13[%get3A_67] {strides = array<i32>} : memref<8192xf32, #tpu.memory_space<vmem>>, vector<16xf32>,
      %gather3A = tpu.vector_load_idx %arg8[%get3A_66] : memref<2048xf32, #tpu.memory_space<vmem>>[vector<16xi32>], vector<16xf32>,
      %mul3A_69 = arith.mulf %gather3A, %get3A_68 : vector<16xf32>
      tpu.vector_store_idx %arg9[%get3A_64], %mul3A_69 {add = true} : memref<2048xf32, #tpu.memory_space<vmem>>[vector<16xi32>], vector<16xf32>,
      %mul3A_70 = arith.constant 128 : i32
      %mul3A_71 = arith.muli %scan3A_58, %mul3A_70 : i32
      %add3A_72 = arith.constant 16 : i32
      %add3A_73 = arith.addi %mul3A_71, %add3A_72 : i32
      %get3A_74 = arith.index_cast %add3A_73 : i32 to index
      %get3A_75 = tpu.vector_load %arg11[%get3A_74] {strides = array<i32>} : memref<8192xi32, #tpu.memory_space<vmem>>, vector<16xi32>,
      %get3A_76 = arith.index_cast %add3A_73 : i32 to index
      %get3A_77 = tpu.vector_load %arg12[%get3A_76] {strides = array<i32>} : memref<8192xi32, #tpu.memory_space<vmem>>, vector<16xi32>,
      %get3A_78 = arith.index_cast %add3A_73 : i32 to index
      %get3A_79 = tpu.vector_load %arg13[%get3A_78] {strides = array<i32>} : memref<8192xf32, #tpu.memory_space<vmem>>, vector<16xf32>,
      %gather3A_80 = tpu.vector_load_idx %arg8[%get3A_77] : memref<2048xf32, #tpu.memory_space<vmem>>[vector<16xi32>], vector<16xf32>,
      %mul3A_81 = arith.mulf %gather3A_80, %get3A_79 : vector<16xf32>
      tpu.vector_store_idx %arg9[%get3A_75], %mul3A_81 {add = true} : memref<2048xf32, #tpu.memory_space<vmem>>[vector<16xi32>], vector<16xf32>,
      %mul3A_82 = arith.constant 128 : i32
      %mul3A_83 = arith.muli %scan3A_58, %mul3A_82 : i32
      %add3A_84 = arith.constant 32 : i32
      %add3A_85 = arith.addi %mul3A_83, %add3A_84 : i32
      %get3A_86 = arith.index_cast %add3A_85 : i32 to index
      %get3A_87 = tpu.vector_load %arg11[%get3A_86] {strides = array<i32>} : memref<8192xi32, #tpu.memory_space<vmem>>, vector<16xi32>,
      %get3A_88 = arith.index_cast %add3A_85 : i32 to index
      %get3A_89 = tpu.vector_load %arg12[%get3A_88] {strides = array<i32>} : memref<8192xi32, #tpu.memory_space<vmem>>, vector<16xi32>,
      %get3A_90 = arith.index_cast %add3A_85 : i32 to index
      %get3A_91 = tpu.vector_load %arg13[%get3A_90] {strides = array<i32>} : memref<8192xf32, #tpu.memory_space<vmem>>, vector<16xf32>,
      %gather3A_92 = tpu.vector_load_idx %arg8[%get3A_89] : memref<2048xf32, #tpu.memory_space<vmem>>[vector<16xi32>], vector<16xf32>,
      %mul3A_93 = arith.mulf %gather3A_92, %get3A_91 : vector<16xf32>
      tpu.vector_store_idx %arg9[%get3A_87], %mul3A_93 {add = true} : memref<2048xf32, #tpu.memory_space<vmem>>[vector<16xi32>], vector<16xf32>,
      %mul3A_94 = arith.constant 128 : i32
      %mul3A_95 = arith.muli %scan3A_58, %mul3A_94 : i32
      %add3A_96 = arith.constant 48 : i32
      %add3A_97 = arith.addi %mul3A_95, %add3A_96 : i32
      %get3A_98 = arith.index_cast %add3A_97 : i32 to index
      %get3A_99 = tpu.vector_load %arg11[%get3A_98] {strides = array<i32>} : memref<8192xi32, #tpu.memory_space<vmem>>, vector<16xi32>,
      %get3A_100 = arith.index_cast %add3A_97 : i32 to index
      %get3A_101 = tpu.vector_load %arg12[%get3A_100] {strides = array<i32>} : memref<8192xi32, #tpu.memory_space<vmem>>, vector<16xi32>,
      %get3A_102 = arith.index_cast %add3A_97 : i32 to index
      %get3A_103 = tpu.vector_load %arg13[%get3A_102] {strides = array<i32>} : memref<8192xf32, #tpu.memory_space<vmem>>, vector<16xf32>,
      %gather3A_104 = tpu.vector_load_idx %arg8[%get3A_101] : memref<2048xf32, #tpu.memory_space<vmem>>[vector<16xi32>], vector<16xf32>,
      %mul3A_105 = arith.mulf %gather3A_104, %get3A_103 : vector<16xf32>
      tpu.vector_store_idx %arg9[%get3A_99], %mul3A_105 {add = true} : memref<2048xf32, #tpu.memory_space<vmem>>[vector<16xi32>], vector<16xf32>,
      %mul3A_106 = arith.constant 128 : i32
      %mul3A_107 = arith.muli %scan3A_58, %mul3A_106 : i32
      %add3A_108 = arith.constant 64 : i32
      %add3A_109 = arith.addi %mul3A_107, %add3A_108 : i32
      %get3A_110 = arith.index_cast %add3A_109 : i32 to index
      %get3A_111 = tpu.vector_load %arg11[%get3A_110] {strides = array<i32>} : memref<8192xi32, #tpu.memory_space<vmem>>, vector<16xi32>,
      %get3A_112 = arith.index_cast %add3A_109 : i32 to index
      %get3A_113 = tpu.vector_load %arg12[%get3A_112] {strides = array<i32>} : memref<8192xi32, #tpu.memory_space<vmem>>, vector<16xi32>,
      %get3A_114 = arith.index_cast %add3A_109 : i32 to index
      %get3A_115 = tpu.vector_load %arg13[%get3A_114] {strides = array<i32>} : memref<8192xf32, #tpu.memory_space<vmem>>, vector<16xf32>,
      %gather3A_116 = tpu.vector_load_idx %arg8[%get3A_113] : memref<2048xf32, #tpu.memory_space<vmem>>[vector<16xi32>], vector<16xf32>,
      %mul3A_117 = arith.mulf %gather3A_116, %get3A_115 : vector<16xf32>
      tpu.vector_store_idx %arg9[%get3A_111], %mul3A_117 {add = true} : memref<2048xf32, #tpu.memory_space<vmem>>[vector<16xi32>], vector<16xf32>,
      %mul3A_118 = arith.constant 128 : i32
      %mul3A_119 = arith.muli %scan3A_58, %mul3A_118 : i32
      %add3A_120 = arith.constant 80 : i32
      %add3A_121 = arith.addi %mul3A_119, %add3A_120 : i32
      %get3A_122 = arith.index_cast %add3A_121 : i32 to index
      %get3A_123 = tpu.vector_load %arg11[%get3A_122] {strides = array<i32>} : memref<8192xi32, #tpu.memory_space<vmem>>, vector<16xi32>,
      %get3A_124 = arith.index_cast %add3A_121 : i32 to index
      %get3A_125 = tpu.vector_load %arg12[%get3A_124] {strides = array<i32>} : memref<8192xi32, #tpu.memory_space<vmem>>, vector<16xi32>,
      %get3A_126 = arith.index_cast %add3A_121 : i32 to index
      %get3A_127 = tpu.vector_load %arg13[%get3A_126] {strides = array<i32>} : memref<8192xf32, #tpu.memory_space<vmem>>, vector<16xf32>,
      %gather3A_128 = tpu.vector_load_idx %arg8[%get3A_125] : memref<2048xf32, #tpu.memory_space<vmem>>[vector<16xi32>], vector<16xf32>,
      %mul3A_129 = arith.mulf %gather3A_128, %get3A_127 : vector<16xf32>
      tpu.vector_store_idx %arg9[%get3A_123], %mul3A_129 {add = true} : memref<2048xf32, #tpu.memory_space<vmem>>[vector<16xi32>], vector<16xf32>,
      %mul3A_130 = arith.constant 128 : i32
      %mul3A_131 = arith.muli %scan3A_58, %mul3A_130 : i32
      %add3A_132 = arith.constant 96 : i32
      %add3A_133 = arith.addi %mul3A_131, %add3A_132 : i32
      %get3A_134 = arith.index_cast %add3A_133 : i32 to index
      %get3A_135 = tpu.vector_load %arg11[%get3A_134] {strides = array<i32>} : memref<8192xi32, #tpu.memory_space<vmem>>, vector<16xi32>,
      %get3A_136 = arith.index_cast %add3A_133 : i32 to index
      %get3A_137 = tpu.vector_load %arg12[%get3A_136] {strides = array<i32>} : memref<8192xi32, #tpu.memory_space<vmem>>, vector<16xi32>,
      %get3A_138 = arith.index_cast %add3A_133 : i32 to index
      %get3A_139 = tpu.vector_load %arg13[%get3A_138] {strides = array<i32>} : memref<8192xf32, #tpu.memory_space<vmem>>, vector<16xf32>,
      %gather3A_140 = tpu.vector_load_idx %arg8[%get3A_137] : memref<2048xf32, #tpu.memory_space<vmem>>[vector<16xi32>], vector<16xf32>,
      %mul3A_141 = arith.mulf %gather3A_140, %get3A_139 : vector<16xf32>
      tpu.vector_store_idx %arg9[%get3A_135], %mul3A_141 {add = true} : memref<2048xf32, #tpu.memory_space<vmem>>[vector<16xi32>], vector<16xf32>,
      %mul3A_142 = arith.constant 128 : i32
      %mul3A_143 = arith.muli %scan3A_58, %mul3A_142 : i32
      %add3A_144 = arith.constant 112 : i32
      %add3A_145 = arith.addi %mul3A_143, %add3A_144 : i32
      %get3A_146 = arith.index_cast %add3A_145 : i32 to index
      %get3A_147 = tpu.vector_load %arg11[%get3A_146] {strides = array<i32>} : memref<8192xi32, #tpu.memory_space<vmem>>, vector<16xi32>,
      %get3A_148 = arith.index_cast %add3A_145 : i32 to index
      %get3A_149 = tpu.vector_load %arg12[%get3A_148] {strides = array<i32>} : memref<8192xi32, #tpu.memory_space<vmem>>, vector<16xi32>,
      %get3A_150 = arith.index_cast %add3A_145 : i32 to index
      %get3A_151 = tpu.vector_load %arg13[%get3A_150] {strides = array<i32>} : memref<8192xf32, #tpu.memory_space<vmem>>, vector<16xf32>,
      %gather3A_152 = tpu.vector_load_idx %arg8[%get3A_149] : memref<2048xf32, #tpu.memory_space<vmem>>[vector<16xi32>], vector<16xf32>,
      %mul3A_153 = arith.mulf %gather3A_152, %get3A_151 : vector<16xf32>
      tpu.vector_store_idx %arg9[%get3A_147], %mul3A_153 {add = true} : memref<2048xf32, #tpu.memory_space<vmem>>[vector<16xi32>], vector<16xf32>,
      %scan3A_154 = arith.constant 0 : i32
      scf.yield %scan3A_154 : i32
    }
    %scan3A_57 = arith.constant 64 : i32
    "tpu.region"() ({
      %run_scoped3A = tpu.sem_alloc : memref<!tpu.dma_semaphore, #tpu.memory_space<semaphore_mem>>
      %dma_start3A = arith.constant 0 : i32
      %dma_start3A_58 = tpu.memref_slice %arg6[%select_n3A, %select_n3A_30, %dma_start3A] : memref<8x4x2048xf32, #tpu.memory_space<hbm>> -> memref<1x1x2048xf32, #tpu.memory_space<hbm>>
      %dma_start3A_59 = tpu.memref_squeeze %dma_start3A_58 : memref<1x1x2048xf32, #tpu.memory_space<hbm>> -> memref<2048xf32, #tpu.memory_space<hbm>>
      %dma_start3A_60 = arith.constant 0 : i32
      %dma_start3A_61 = tpu.memref_slice %arg6[%select_n3A, %select_n3A_30, %dma_start3A_60] : memref<8x4x2048xf32, #tpu.memory_space<hbm>> -> memref<1x1x2048xf32, #tpu.memory_space<hbm>>
      %dma_start3A_62 = tpu.memref_squeeze %dma_start3A_61 : memref<1x1x2048xf32, #tpu.memory_space<hbm>> -> memref<2048xf32, #tpu.memory_space<hbm>>
      tpu.enqueue_dma source(%arg9 : memref<2048xf32, #tpu.memory_space<vmem>>) target(%dma_start3A_62 : memref<2048xf32, #tpu.memory_space<hbm>>) target_semaphore(%run_scoped3A : memref<!tpu.dma_semaphore, #tpu.memory_space<semaphore_mem>>)
      %dma_wait3A = arith.constant 0 : i32
      %dma_wait3A_63 = tpu.memref_slice %arg6[%select_n3A, %select_n3A_30, %dma_wait3A] : memref<8x4x2048xf32, #tpu.memory_space<hbm>> -> memref<1x1x2048xf32, #tpu.memory_space<hbm>>
      %dma_wait3A_64 = tpu.memref_squeeze %dma_wait3A_63 : memref<1x1x2048xf32, #tpu.memory_space<hbm>> -> memref<2048xf32, #tpu.memory_space<hbm>>
      %dma_wait3A_65 = arith.constant 0 : i32
      %dma_wait3A_66 = tpu.memref_slice %arg6[%select_n3A, %select_n3A_30, %dma_wait3A_65] : memref<8x4x2048xf32, #tpu.memory_space<hbm>> -> memref<1x1x2048xf32, #tpu.memory_space<hbm>>
      %dma_wait3A_67 = tpu.memref_squeeze %dma_wait3A_66 : memref<1x1x2048xf32, #tpu.memory_space<hbm>> -> memref<2048xf32, #tpu.memory_space<hbm>>
      tpu.wait_dma2 semaphore(%run_scoped3A : memref<!tpu.dma_semaphore, #tpu.memory_space<semaphore_mem>>) src(%arg9 : memref<2048xf32, #tpu.memory_space<vmem>>) dst(%dma_wait3A_67 : memref<2048xf32, #tpu.memory_space<hbm>>)
      tpu.yield
    }) : () -> ()
    "tpu.region"() ({
      %run_scoped3A = tpu.sem_alloc : memref<!tpu.dma_semaphore, #tpu.memory_space<semaphore_mem>>
      %dma_start3A = arith.constant 0 : i32
      %dma_start3A_58 = tpu.memref_slice %arg7[%select_n3A, %select_n3A_30, %dma_start3A] : memref<8x4x2048xf32, #tpu.memory_space<hbm>> -> memref<1x1x2048xf32, #tpu.memory_space<hbm>>
      %dma_start3A_59 = tpu.memref_squeeze %dma_start3A_58 : memref<1x1x2048xf32, #tpu.memory_space<hbm>> -> memref<2048xf32, #tpu.memory_space<hbm>>
      %dma_start3A_60 = arith.constant 0 : i32
      %dma_start3A_61 = tpu.memref_slice %arg7[%select_n3A, %select_n3A_30, %dma_start3A_60] : memref<8x4x2048xf32, #tpu.memory_space<hbm>> -> memref<1x1x2048xf32, #tpu.memory_space<hbm>>
      %dma_start3A_62 = tpu.memref_squeeze %dma_start3A_61 : memref<1x1x2048xf32, #tpu.memory_space<hbm>> -> memref<2048xf32, #tpu.memory_space<hbm>>
      tpu.enqueue_dma source(%arg10 : memref<2048xf32, #tpu.memory_space<vmem>>) target(%dma_start3A_62 : memref<2048xf32, #tpu.memory_space<hbm>>) target_semaphore(%run_scoped3A : memref<!tpu.dma_semaphore, #tpu.memory_space<semaphore_mem>>)
      %dma_wait3A = arith.constant 0 : i32
      %dma_wait3A_63 = tpu.memref_slice %arg7[%select_n3A, %select_n3A_30, %dma_wait3A] : memref<8x4x2048xf32, #tpu.memory_space<hbm>> -> memref<1x1x2048xf32, #tpu.memory_space<hbm>>
      %dma_wait3A_64 = tpu.memref_squeeze %dma_wait3A_63 : memref<1x1x2048xf32, #tpu.memory_space<hbm>> -> memref<2048xf32, #tpu.memory_space<hbm>>
      %dma_wait3A_65 = arith.constant 0 : i32
      %dma_wait3A_66 = tpu.memref_slice %arg7[%select_n3A, %select_n3A_30, %dma_wait3A_65] : memref<8x4x2048xf32, #tpu.memory_space<hbm>> -> memref<1x1x2048xf32, #tpu.memory_space<hbm>>
      %dma_wait3A_67 = tpu.memref_squeeze %dma_wait3A_66 : memref<1x1x2048xf32, #tpu.memory_space<hbm>> -> memref<2048xf32, #tpu.memory_space<hbm>>
      tpu.wait_dma2 semaphore(%run_scoped3A : memref<!tpu.dma_semaphore, #tpu.memory_space<semaphore_mem>>) src(%arg10 : memref<2048xf32, #tpu.memory_space<vmem>>) dst(%dma_wait3A_67 : memref<2048xf32, #tpu.memory_space<hbm>>)
      tpu.yield
    }) : () -> ()
    return
  }
}

module attributes {stable_mosaic.version = 14 : i64} {
  func.func @_tc_step_body(%arg0: i32, %arg1: memref<1x1x2048xf32, #tpu.memory_space<vmem>>, %arg2: memref<1x4x2048xf32, #tpu.memory_space<vmem>>, %arg3: memref<1x4x2048xf32, #tpu.memory_space<vmem>>, %arg4: memref<1x2xf32, #tpu.memory_space<vmem>>, %arg5: memref<1x1x2048xf32, #tpu.memory_space<vmem>>) attributes {dimension_semantics = [#tpu.dimension_semantics<arbitrary>], iteration_bounds = array<i64: 8>, scalar_prefetch = 0 : i64, scratch_operands = 0 : i64, tpu.core_type = #tpu.core_type<tc>, window_params = [{transform_indices = @transform_0, window_bounds = array<i64: 1, 1, 2048>}, {transform_indices = @transform_1, window_bounds = array<i64: 1, 4, 2048>}, {transform_indices = @transform_2, window_bounds = array<i64: 1, 4, 2048>}, {pipeline_mode = #tpu.pipeline_mode<synchronous>, transform_indices = @transform_3, window_bounds = array<i64: 1, 2>}, {transform_indices = @transform_4, window_bounds = array<i64: 1, 1, 2048>}]} {
    %get3A = arith.constant 0 : index
    %get3A_0 = arith.constant 0 : index
    %get3A_1 = vector.load %arg4[%get3A, %get3A_0] : memref<1x2xf32, #tpu.memory_space<vmem>>, vector<1x1xf32>
    %get3A_2 = vector.extract %get3A_1[0, 0] : f32 from vector<1x1xf32>
    %get3A_3 = arith.constant 0 : index
    %get3A_4 = arith.constant 1 : index
    %get3A_5 = vector.load %arg4[%get3A_3, %get3A_4] : memref<1x2xf32, #tpu.memory_space<vmem>>, vector<1x1xf32>
    %get3A_6 = vector.extract %get3A_5[0, 0] : f32 from vector<1x1xf32>
    %get3A_7 = arith.constant 0 : index
    %get3A_8 = arith.constant 0 : index
    %get3A_9 = arith.constant 0 : index
    %get3A_10 = vector.load %arg1[%get3A_7, %get3A_8, %get3A_9] : memref<1x1x2048xf32, #tpu.memory_space<vmem>>, vector<1x1x2048xf32>
    %get3A_11 = vector.shape_cast %get3A_10 : vector<1x1x2048xf32> to vector<1x2048xf32>
    %get3A_12 = arith.constant 0 : index
    %get3A_13 = arith.constant 0 : index
    %get3A_14 = arith.constant 0 : index
    %get3A_15 = vector.load %arg3[%get3A_12, %get3A_13, %get3A_14] : memref<1x4x2048xf32, #tpu.memory_space<vmem>>, vector<1x4x2048xf32>
    %get3A_16 = vector.shape_cast %get3A_15 : vector<1x4x2048xf32> to vector<4x2048xf32>
    %reduce_sum3A = arith.constant dense<0.000000e+00> : vector<2048xf32>
    %reduce_sum3A_17 = vector.multi_reduction <add>, %get3A_16, %reduce_sum3A [0] : vector<4x2048xf32> to vector<2048xf32>
    %broadcast_in_dim3A = vector.shape_cast %reduce_sum3A_17 : vector<2048xf32> to vector<1x2048xf32>
    %get3A_18 = arith.constant 0 : index
    %get3A_19 = arith.constant 0 : index
    %get3A_20 = arith.constant 0 : index
    %get3A_21 = vector.load %arg2[%get3A_18, %get3A_19, %get3A_20] : memref<1x4x2048xf32, #tpu.memory_space<vmem>>, vector<1x4x2048xf32>
    %get3A_22 = vector.shape_cast %get3A_21 : vector<1x4x2048xf32> to vector<4x2048xf32>
    %reduce_sum3A_23 = arith.constant dense<0.000000e+00> : vector<2048xf32>
    %reduce_sum3A_24 = vector.multi_reduction <add>, %get3A_22, %reduce_sum3A_23 [0] : vector<4x2048xf32> to vector<2048xf32>
    %broadcast_in_dim3A_25 = vector.shape_cast %reduce_sum3A_24 : vector<2048xf32> to vector<1x2048xf32>
    %reduce_max3A = vector.shape_cast %broadcast_in_dim3A : vector<1x2048xf32> to vector<1x1x2048xf32>
    %reduce_max3A_26 = arith.constant dense<0xFF800000> : vector<1xf32>
    %reduce_max3A_27 = vector.multi_reduction <maximumf>, %reduce_max3A, %reduce_max3A_26 [1, 2] : vector<1x1x2048xf32> to vector<1xf32>
    %reduce_max3A_28 = vector.shape_cast %reduce_max3A_27 : vector<1xf32> to vector<1x1x1xf32>
    %reduce_max3A_29 = vector.extract %reduce_max3A_28[0, 0, 0] : f32 from vector<1x1x1xf32>
    %mul3A = arith.mulf %reduce_max3A_29, %get3A_2 : f32
    %mul3A_30 = vector.broadcast %mul3A : f32 to vector<1x2048xf32>
    %mul3A_31 = arith.mulf %mul3A_30, %get3A_11 : vector<1x2048xf32>
    %mul3A_32 = vector.broadcast %get3A_6 : f32 to vector<1x2048xf32>
    %mul3A_33 = arith.mulf %mul3A_32, %broadcast_in_dim3A_25 : vector<1x2048xf32>
    %add3A = arith.addf %mul3A_31, %mul3A_33 : vector<1x2048xf32>
    %sub3A = vector.broadcast %reduce_max3A_29 : f32 to vector<1x2048xf32>
    %sub3A_34 = arith.subf %sub3A, %broadcast_in_dim3A : vector<1x2048xf32>
    %mul3A_35 = vector.broadcast %get3A_6 : f32 to vector<1x2048xf32>
    %mul3A_36 = arith.mulf %mul3A_35, %sub3A_34 : vector<1x2048xf32>
    %sub3A_37 = arith.subf %add3A, %mul3A_36 : vector<1x2048xf32>
    %reshape3A = vector.shape_cast %sub3A_37 : vector<1x2048xf32> to vector<2048x1xf32>
    %eq3A = vector.broadcast %reshape3A : vector<2048x1xf32> to vector<2048x2048xf32>
    %eq3A_38 = vector.broadcast %sub3A_37 : vector<1x2048xf32> to vector<2048x2048xf32>
    %eq3A_39 = arith.cmpf oeq, %eq3A, %eq3A_38 : vector<2048x2048xf32>
    %jit3A = arith.constant 1.000000e+00 : f32
    %jit3A_40 = arith.constant 0.000000e+00 : f32
    %broadcast_in_dim3A_41 = vector.broadcast %jit3A : f32 to vector<2048x2048xf32>
    %broadcast_in_dim3A_42 = vector.broadcast %jit3A_40 : f32 to vector<2048x2048xf32>
    %select_n3A = arith.select %eq3A_39, %broadcast_in_dim3A_41, %broadcast_in_dim3A_42 : vector<2048x2048xi1>, vector<2048x2048xf32>
    %reduce_sum3A_43 = arith.constant dense<0.000000e+00> : vector<2048xf32>
    %reduce_sum3A_44 = vector.multi_reduction <add>, %select_n3A, %reduce_sum3A_43 [0] : vector<2048x2048xf32> to vector<2048xf32>
    %broadcast_in_dim3A_45 = vector.shape_cast %reduce_sum3A_44 : vector<2048xf32> to vector<1x2048xf32>
    %div3A = arith.constant 1.000000e+00 : f32
    %div3A_46 = vector.broadcast %div3A : f32 to vector<1x2048xf32>
    %div3A_47 = arith.divf %div3A_46, %broadcast_in_dim3A_45 : vector<1x2048xf32>
    %lt3A = vector.broadcast %sub3A_37 : vector<1x2048xf32> to vector<2048x2048xf32>
    %lt3A_48 = vector.broadcast %reshape3A : vector<2048x1xf32> to vector<2048x2048xf32>
    %lt3A_49 = arith.cmpf olt, %lt3A, %lt3A_48 : vector<2048x2048xf32>
    %jit3A_50 = arith.constant 0.000000e+00 : f32
    %broadcast_in_dim3A_51 = vector.shape_cast %div3A_47 : vector<1x2048xf32> to vector<1x2048xf32>
    %broadcast_in_dim3A_52 = vector.broadcast %broadcast_in_dim3A_51 : vector<1x2048xf32> to vector<2048x2048xf32>
    %broadcast_in_dim3A_53 = vector.broadcast %jit3A_50 : f32 to vector<2048x2048xf32>
    %select_n3A_54 = arith.select %lt3A_49, %broadcast_in_dim3A_52, %broadcast_in_dim3A_53 : vector<2048x2048xi1>, vector<2048x2048xf32>
    %reduce_sum3A_55 = arith.constant dense<0.000000e+00> : vector<2048xf32>
    %reduce_sum3A_56 = vector.multi_reduction <add>, %select_n3A_54, %reduce_sum3A_55 [1] : vector<2048x2048xf32> to vector<2048xf32>
    %broadcast_in_dim3A_57 = vector.shape_cast %reduce_sum3A_56 : vector<2048xf32> to vector<2048x1xf32>
    %add3A_58 = arith.constant 5.000000e-01 : f32
    %add3A_59 = vector.broadcast %add3A_58 : f32 to vector<2048x1xf32>
    %add3A_60 = arith.addf %broadcast_in_dim3A_57, %add3A_59 : vector<2048x1xf32>
    %floor3A = math.floor %add3A_60 : vector<2048x1xf32>
    %reshape3A_61 = vector.shape_cast %floor3A : vector<2048x1xf32> to vector<1x1x2048xf32>
    %swap3A = arith.constant 0 : index
    %swap3A_62 = arith.constant 0 : index
    %swap3A_63 = arith.constant 0 : index
    %swap3A_64 = vector.load %arg5[%swap3A, %swap3A_62, %swap3A_63] : memref<1x1x2048xf32, #tpu.memory_space<vmem>>, vector<1x1x2048xf32>
    tpu.vector_store %arg5[%swap3A, %swap3A_62, %swap3A_63], %reshape3A_61 {strides = array<i32>} : memref<1x1x2048xf32, #tpu.memory_space<vmem>>, vector<1x1x2048xf32>,
    return
  }
  func.func @transform_0(%arg0: i32) -> (i32, i32, i32) {
    %c0_i32 = arith.constant 0 : i32
    %c0_i32_0 = arith.constant 0 : i32
    %c0_i32_1 = arith.constant 0 : i32
    return %arg0, %c0_i32, %c0_i32_0 : i32, i32, i32
  }
  func.func @transform_1(%arg0: i32) -> (i32, i32, i32) {
    %c0_i32 = arith.constant 0 : i32
    %c0_i32_0 = arith.constant 0 : i32
    %c0_i32_1 = arith.constant 0 : i32
    return %arg0, %c0_i32, %c0_i32_0 : i32, i32, i32
  }
  func.func @transform_2(%arg0: i32) -> (i32, i32, i32) {
    %c0_i32 = arith.constant 0 : i32
    %c0_i32_0 = arith.constant 0 : i32
    %c0_i32_1 = arith.constant 0 : i32
    return %arg0, %c0_i32, %c0_i32_0 : i32, i32, i32
  }
  func.func @transform_3(%arg0: i32) -> (i32, i32) {
    %c0_i32 = arith.constant 0 : i32
    %c0_i32_0 = arith.constant 0 : i32
    %c0_i32_1 = arith.constant 0 : i32
    return %c0_i32, %c0_i32_0 : i32, i32
  }
  func.func @transform_4(%arg0: i32) -> (i32, i32, i32) {
    %c0_i32 = arith.constant 0 : i32
    %c0_i32_0 = arith.constant 0 : i32
    %c0_i32_1 = arith.constant 0 : i32
    return %arg0, %c0_i32, %c0_i32_0 : i32, i32, i32
  }
}

module attributes {stable_mosaic.version = 14 : i64} {
  func.func @_tc_step_body(%arg0: i32, %arg1: memref<1x1x2048xf32, #tpu.memory_space<vmem>>, %arg2: memref<1x4x2048xf32, #tpu.memory_space<vmem>>, %arg3: memref<1x4x2048xf32, #tpu.memory_space<vmem>>, %arg4: memref<1x2xf32, #tpu.memory_space<vmem>>, %arg5: memref<1x1x2048xf32, #tpu.memory_space<vmem>>, %arg6: memref<1x1x2048xf32, #tpu.memory_space<vmem>>) attributes {dimension_semantics = [#tpu.dimension_semantics<arbitrary>], iteration_bounds = array<i64: 8>, scalar_prefetch = 0 : i64, scratch_operands = 0 : i64, tpu.core_type = #tpu.core_type<tc>, window_params = [{transform_indices = @transform_0, window_bounds = array<i64: 1, 1, 2048>}, {transform_indices = @transform_1, window_bounds = array<i64: 1, 4, 2048>}, {transform_indices = @transform_2, window_bounds = array<i64: 1, 4, 2048>}, {pipeline_mode = #tpu.pipeline_mode<synchronous>, transform_indices = @transform_3, window_bounds = array<i64: 1, 2>}, {transform_indices = @transform_4, window_bounds = array<i64: 1, 1, 2048>}, {transform_indices = @transform_5, window_bounds = array<i64: 1, 1, 2048>}]} {
    %get3A = arith.constant 0 : index
    %get3A_0 = arith.constant 0 : index
    %get3A_1 = vector.load %arg4[%get3A, %get3A_0] : memref<1x2xf32, #tpu.memory_space<vmem>>, vector<1x1xf32>
    %get3A_2 = vector.extract %get3A_1[0, 0] : f32 from vector<1x1xf32>
    %get3A_3 = arith.constant 0 : index
    %get3A_4 = arith.constant 1 : index
    %get3A_5 = vector.load %arg4[%get3A_3, %get3A_4] : memref<1x2xf32, #tpu.memory_space<vmem>>, vector<1x1xf32>
    %get3A_6 = vector.extract %get3A_5[0, 0] : f32 from vector<1x1xf32>
    %get3A_7 = arith.constant 0 : index
    %get3A_8 = arith.constant 0 : index
    %get3A_9 = arith.constant 0 : index
    %get3A_10 = vector.load %arg1[%get3A_7, %get3A_8, %get3A_9] : memref<1x1x2048xf32, #tpu.memory_space<vmem>>, vector<1x1x2048xf32>
    %get3A_11 = vector.shape_cast %get3A_10 : vector<1x1x2048xf32> to vector<1x2048xf32>
    %get3A_12 = arith.constant 0 : index
    %get3A_13 = arith.constant 0 : index
    %get3A_14 = arith.constant 0 : index
    %get3A_15 = vector.load %arg3[%get3A_12, %get3A_13, %get3A_14] : memref<1x4x2048xf32, #tpu.memory_space<vmem>>, vector<1x4x2048xf32>
    %get3A_16 = vector.shape_cast %get3A_15 : vector<1x4x2048xf32> to vector<4x2048xf32>
    %reduce_sum3A = arith.constant dense<0.000000e+00> : vector<2048xf32>
    %reduce_sum3A_17 = vector.multi_reduction <add>, %get3A_16, %reduce_sum3A [0] : vector<4x2048xf32> to vector<2048xf32>
    %broadcast_in_dim3A = vector.shape_cast %reduce_sum3A_17 : vector<2048xf32> to vector<1x2048xf32>
    %get3A_18 = arith.constant 0 : index
    %get3A_19 = arith.constant 0 : index
    %get3A_20 = arith.constant 0 : index
    %get3A_21 = vector.load %arg2[%get3A_18, %get3A_19, %get3A_20] : memref<1x4x2048xf32, #tpu.memory_space<vmem>>, vector<1x4x2048xf32>
    %get3A_22 = vector.shape_cast %get3A_21 : vector<1x4x2048xf32> to vector<4x2048xf32>
    %reduce_sum3A_23 = arith.constant dense<0.000000e+00> : vector<2048xf32>
    %reduce_sum3A_24 = vector.multi_reduction <add>, %get3A_22, %reduce_sum3A_23 [0] : vector<4x2048xf32> to vector<2048xf32>
    %broadcast_in_dim3A_25 = vector.shape_cast %reduce_sum3A_24 : vector<2048xf32> to vector<1x2048xf32>
    %reduce_max3A = vector.shape_cast %broadcast_in_dim3A : vector<1x2048xf32> to vector<1x1x2048xf32>
    %reduce_max3A_26 = arith.constant dense<0xFF800000> : vector<1xf32>
    %reduce_max3A_27 = vector.multi_reduction <maximumf>, %reduce_max3A, %reduce_max3A_26 [1, 2] : vector<1x1x2048xf32> to vector<1xf32>
    %reduce_max3A_28 = vector.shape_cast %reduce_max3A_27 : vector<1xf32> to vector<1x1x1xf32>
    %reduce_max3A_29 = vector.extract %reduce_max3A_28[0, 0, 0] : f32 from vector<1x1x1xf32>
    %mul3A = arith.mulf %reduce_max3A_29, %get3A_2 : f32
    %mul3A_30 = vector.broadcast %mul3A : f32 to vector<1x2048xf32>
    %mul3A_31 = arith.mulf %mul3A_30, %get3A_11 : vector<1x2048xf32>
    %mul3A_32 = vector.broadcast %get3A_6 : f32 to vector<1x2048xf32>
    %mul3A_33 = arith.mulf %mul3A_32, %broadcast_in_dim3A_25 : vector<1x2048xf32>
    %add3A = arith.addf %mul3A_31, %mul3A_33 : vector<1x2048xf32>
    %sub3A = vector.broadcast %reduce_max3A_29 : f32 to vector<1x2048xf32>
    %sub3A_34 = arith.subf %sub3A, %broadcast_in_dim3A : vector<1x2048xf32>
    %mul3A_35 = vector.broadcast %get3A_6 : f32 to vector<1x2048xf32>
    %mul3A_36 = arith.mulf %mul3A_35, %sub3A_34 : vector<1x2048xf32>
    %sub3A_37 = arith.subf %add3A, %mul3A_36 : vector<1x2048xf32>
    %reshape3A = vector.shape_cast %sub3A_37 : vector<1x2048xf32> to vector<2048x1xf32>
    %eq3A = vector.broadcast %reshape3A : vector<2048x1xf32> to vector<2048x2048xf32>
    %eq3A_38 = vector.broadcast %sub3A_37 : vector<1x2048xf32> to vector<2048x2048xf32>
    %eq3A_39 = arith.cmpf oeq, %eq3A, %eq3A_38 : vector<2048x2048xf32>
    %jit3A = arith.constant 1.000000e+00 : f32
    %jit3A_40 = arith.constant 0.000000e+00 : f32
    %broadcast_in_dim3A_41 = vector.broadcast %jit3A : f32 to vector<2048x2048xf32>
    %broadcast_in_dim3A_42 = vector.broadcast %jit3A_40 : f32 to vector<2048x2048xf32>
    %select_n3A = arith.select %eq3A_39, %broadcast_in_dim3A_41, %broadcast_in_dim3A_42 : vector<2048x2048xi1>, vector<2048x2048xf32>
    %reduce_sum3A_43 = arith.constant dense<0.000000e+00> : vector<2048xf32>
    %reduce_sum3A_44 = vector.multi_reduction <add>, %select_n3A, %reduce_sum3A_43 [0] : vector<2048x2048xf32> to vector<2048xf32>
    %broadcast_in_dim3A_45 = vector.shape_cast %reduce_sum3A_44 : vector<2048xf32> to vector<1x2048xf32>
    %div3A = arith.constant 1.000000e+00 : f32
    %div3A_46 = vector.broadcast %div3A : f32 to vector<1x2048xf32>
    %div3A_47 = arith.divf %div3A_46, %broadcast_in_dim3A_45 : vector<1x2048xf32>
    %lt3A = vector.broadcast %sub3A_37 : vector<1x2048xf32> to vector<2048x2048xf32>
    %lt3A_48 = vector.broadcast %reshape3A : vector<2048x1xf32> to vector<2048x2048xf32>
    %lt3A_49 = arith.cmpf olt, %lt3A, %lt3A_48 : vector<2048x2048xf32>
    %jit3A_50 = arith.constant 0.000000e+00 : f32
    %broadcast_in_dim3A_51 = vector.shape_cast %div3A_47 : vector<1x2048xf32> to vector<1x2048xf32>
    %broadcast_in_dim3A_52 = vector.broadcast %broadcast_in_dim3A_51 : vector<1x2048xf32> to vector<2048x2048xf32>
    %broadcast_in_dim3A_53 = vector.broadcast %jit3A_50 : f32 to vector<2048x2048xf32>
    %select_n3A_54 = arith.select %lt3A_49, %broadcast_in_dim3A_52, %broadcast_in_dim3A_53 : vector<2048x2048xi1>, vector<2048x2048xf32>
    %reduce_sum3A_55 = arith.constant dense<0.000000e+00> : vector<2048xf32>
    %reduce_sum3A_56 = vector.multi_reduction <add>, %select_n3A_54, %reduce_sum3A_55 [1] : vector<2048x2048xf32> to vector<2048xf32>
    %broadcast_in_dim3A_57 = vector.shape_cast %reduce_sum3A_56 : vector<2048xf32> to vector<2048x1xf32>
    %add3A_58 = arith.constant 5.000000e-01 : f32
    %add3A_59 = vector.broadcast %add3A_58 : f32 to vector<2048x1xf32>
    %add3A_60 = arith.addf %broadcast_in_dim3A_57, %add3A_59 : vector<2048x1xf32>
    %floor3A = math.floor %add3A_60 : vector<2048x1xf32>
    %iota3A = tpu.iota {dimensions = array<i32: 1>} : vector<1x2048xi32>
    %convert_element_type3A = arith.sitofp %iota3A : vector<1x2048xi32> to vector<1x2048xf32>
    %eq3A_61 = vector.broadcast %floor3A : vector<2048x1xf32> to vector<2048x2048xf32>
    %eq3A_62 = vector.broadcast %convert_element_type3A : vector<1x2048xf32> to vector<2048x2048xf32>
    %eq3A_63 = arith.cmpf oeq, %eq3A_61, %eq3A_62 : vector<2048x2048xf32>
    %jit3A_64 = arith.constant 1.000000e+00 : f32
    %jit3A_65 = arith.constant 0.000000e+00 : f32
    %broadcast_in_dim3A_66 = vector.broadcast %jit3A_64 : f32 to vector<2048x2048xf32>
    %broadcast_in_dim3A_67 = vector.broadcast %jit3A_65 : f32 to vector<2048x2048xf32>
    %select_n3A_68 = arith.select %eq3A_63, %broadcast_in_dim3A_66, %broadcast_in_dim3A_67 : vector<2048x2048xi1>, vector<2048x2048xf32>
    %reduce_sum3A_69 = arith.constant dense<0.000000e+00> : vector<2048xf32>
    %reduce_sum3A_70 = vector.multi_reduction <add>, %select_n3A_68, %reduce_sum3A_69 [0] : vector<2048x2048xf32> to vector<2048xf32>
    %broadcast_in_dim3A_71 = vector.shape_cast %reduce_sum3A_70 : vector<2048xf32> to vector<1x2048xf32>
    %reshape3A_72 = vector.shape_cast %broadcast_in_dim3A_71 : vector<1x2048xf32> to vector<1x1x2048xf32>
    %swap3A = arith.constant 0 : index
    %swap3A_73 = arith.constant 0 : index
    %swap3A_74 = arith.constant 0 : index
    %swap3A_75 = vector.load %arg6[%swap3A, %swap3A_73, %swap3A_74] : memref<1x1x2048xf32, #tpu.memory_space<vmem>>, vector<1x1x2048xf32>
    tpu.vector_store %arg6[%swap3A, %swap3A_73, %swap3A_74], %reshape3A_72 {strides = array<i32>} : memref<1x1x2048xf32, #tpu.memory_space<vmem>>, vector<1x1x2048xf32>,
    %reshape3A_76 = vector.shape_cast %floor3A : vector<2048x1xf32> to vector<1x1x2048xf32>
    %swap3A_77 = arith.constant 0 : index
    %swap3A_78 = arith.constant 0 : index
    %swap3A_79 = arith.constant 0 : index
    %swap3A_80 = vector.load %arg5[%swap3A_77, %swap3A_78, %swap3A_79] : memref<1x1x2048xf32, #tpu.memory_space<vmem>>, vector<1x1x2048xf32>
    tpu.vector_store %arg5[%swap3A_77, %swap3A_78, %swap3A_79], %reshape3A_76 {strides = array<i32>} : memref<1x1x2048xf32, #tpu.memory_space<vmem>>, vector<1x1x2048xf32>,
    return
  }
  func.func @transform_0(%arg0: i32) -> (i32, i32, i32) {
    %c0_i32 = arith.constant 0 : i32
    %c0_i32_0 = arith.constant 0 : i32
    %c0_i32_1 = arith.constant 0 : i32
    return %arg0, %c0_i32, %c0_i32_0 : i32, i32, i32
  }
  func.func @transform_1(%arg0: i32) -> (i32, i32, i32) {
    %c0_i32 = arith.constant 0 : i32
    %c0_i32_0 = arith.constant 0 : i32
    %c0_i32_1 = arith.constant 0 : i32
    return %arg0, %c0_i32, %c0_i32_0 : i32, i32, i32
  }
  func.func @transform_2(%arg0: i32) -> (i32, i32, i32) {
    %c0_i32 = arith.constant 0 : i32
    %c0_i32_0 = arith.constant 0 : i32
    %c0_i32_1 = arith.constant 0 : i32
    return %arg0, %c0_i32, %c0_i32_0 : i32, i32, i32
  }
  func.func @transform_3(%arg0: i32) -> (i32, i32) {
    %c0_i32 = arith.constant 0 : i32
    %c0_i32_0 = arith.constant 0 : i32
    %c0_i32_1 = arith.constant 0 : i32
    return %c0_i32, %c0_i32_0 : i32, i32
  }
  func.func @transform_4(%arg0: i32) -> (i32, i32, i32) {
    %c0_i32 = arith.constant 0 : i32
    %c0_i32_0 = arith.constant 0 : i32
    %c0_i32_1 = arith.constant 0 : i32
    return %arg0, %c0_i32, %c0_i32_0 : i32, i32, i32
  }
  func.func @transform_5(%arg0: i32) -> (i32, i32, i32) {
    %c0_i32 = arith.constant 0 : i32
    %c0_i32_0 = arith.constant 0 : i32
    %c0_i32_1 = arith.constant 0 : i32
    return %arg0, %c0_i32, %c0_i32_0 : i32, i32, i32
  }
}

module attributes {stable_mosaic.version = 14 : i64} {
  func.func @_tc_gram_body(%arg0: memref<8x21x2048xf32, #tpu.memory_space<vmem>>, %arg1: memref<8x8xf32, #tpu.memory_space<vmem>>) attributes {dimension_semantics = [], scalar_prefetch = 0 : i64, scratch_operands = 0 : i64, tpu.core_type = #tpu.core_type<tc>} {
    %get3A = arith.constant 0 : index
    %get3A_0 = arith.constant 0 : index
    %get3A_1 = arith.constant 0 : index
    %get3A_2 = vector.load %arg0[%get3A, %get3A_0, %get3A_1] : memref<8x21x2048xf32, #tpu.memory_space<vmem>>, vector<8x21x2048xf32>
    %reduce_sum3A = arith.constant dense<0.000000e+00> : vector<8x2048xf32>
    %reduce_sum3A_3 = vector.multi_reduction <add>, %get3A_2, %reduce_sum3A [1] : vector<8x21x2048xf32> to vector<8x2048xf32>
    %dot_general3A = arith.constant dense<0.000000e+00> : vector<8x8xf32>
    %dot_general3A_4 = tpu.matmul %reduce_sum3A_3, %reduce_sum3A_3, %dot_general3A {dimension_numbers = #tpu.dot_dimension_numbers<[1], [1], [0], [0], [0, 0, 1, 0], [], []>, transpose_lhs_hint = false} : vector<8x2048xf32>, vector<8x2048xf32>, vector<8x8xf32> -> vector<8x8xf32>
    %iota3A = tpu.iota {dimensions = array<i32: 0>} : vector<8x8xi32>
    %iota3A_5 = tpu.iota {dimensions = array<i32: 1>} : vector<8x8xi32>
    %eq3A = arith.cmpi eq, %iota3A, %iota3A_5 : vector<8x8xi32>
    %jit3A = arith.constant 1.000000e+00 : f32
    %jit3A_6 = arith.constant 0.000000e+00 : f32
    %broadcast_in_dim3A = vector.broadcast %jit3A : f32 to vector<8x8xf32>
    %broadcast_in_dim3A_7 = vector.broadcast %jit3A_6 : f32 to vector<8x8xf32>
    %select_n3A = arith.select %eq3A, %broadcast_in_dim3A, %broadcast_in_dim3A_7 : vector<8x8xi1>, vector<8x8xf32>
    %mul3A = arith.mulf %dot_general3A_4, %select_n3A : vector<8x8xf32>
    %reduce_sum3A_8 = arith.constant dense<0.000000e+00> : vector<8xf32>
    %reduce_sum3A_9 = vector.multi_reduction <add>, %mul3A, %reduce_sum3A_8 [0] : vector<8x8xf32> to vector<8xf32>
    %broadcast_in_dim3A_10 = vector.shape_cast %reduce_sum3A_9 : vector<8xf32> to vector<1x8xf32>
    %sqrt3A = math.sqrt %broadcast_in_dim3A_10 : vector<1x8xf32>
    %mul3A_11 = arith.mulf %dot_general3A_4, %select_n3A : vector<8x8xf32>
    %reduce_sum3A_12 = arith.constant dense<0.000000e+00> : vector<8xf32>
    %reduce_sum3A_13 = vector.multi_reduction <add>, %mul3A_11, %reduce_sum3A_12 [1] : vector<8x8xf32> to vector<8xf32>
    %broadcast_in_dim3A_14 = vector.shape_cast %reduce_sum3A_13 : vector<8xf32> to vector<8x1xf32>
    %sqrt3A_15 = math.sqrt %broadcast_in_dim3A_14 : vector<8x1xf32>
    %mul3A_16 = vector.broadcast %sqrt3A : vector<1x8xf32> to vector<8x8xf32>
    %mul3A_17 = vector.broadcast %sqrt3A_15 : vector<8x1xf32> to vector<8x8xf32>
    %mul3A_18 = arith.mulf %mul3A_16, %mul3A_17 : vector<8x8xf32>
    %div3A = arith.divf %dot_general3A_4, %mul3A_18 : vector<8x8xf32>
    %swap3A = arith.constant 0 : index
    %swap3A_19 = arith.constant 0 : index
    %swap3A_20 = vector.load %arg1[%swap3A, %swap3A_19] : memref<8x8xf32, #tpu.memory_space<vmem>>, vector<8x8xf32>
    tpu.vector_store %arg1[%swap3A, %swap3A_19], %div3A {strides = array<i32>} : memref<8x8xf32, #tpu.memory_space<vmem>>, vector<8x8xf32>,
    return
  }
}

</mosaic_0001>

<sc_bundles>
// kernel: kernel.13.cloned.1.call-start
scs
__scs_entry_jumppad:
0x0: {  	(pc) =	sbr.rel $0x88, $3  }
0x1: {  	(tag) =	ssettag $0x0;
	lr =	simm.s32 $0x1  }
0x2: {  	[smem:$0x3F9E] =	sst lr;
	_ =	strace $0xD0000000  }
0x3: {  	_ = 	snop  }
0x4: {  	_ = 	snop  }
0x5: {  	_ = 	snop  }
0x6: {  	_ = 	snop  }
0x7: {  	_ = 	snop  }
__scs_overlays_trampoline_lowered:
0x8: {  	[smem:$0x3FAD] =	sst s0  }
0x9: {  	[smem:$0x3FAE] =	sst s1  }
0xa: {  	[smem:$0x3FAF] =	sst s2  }
0xb: {  	[smem:$0x3FB0] =	sst s3  }
0xc: {  	[smem:$0x3FB1] =	sst s4  }
0xd: {  	[smem:$0x3FB2] =	sst s5  }
0xe: {  	[smem:$0x3FB3] =	sst s6  }
0xf: {  	[smem:$0x3FB4] =	sst s7  }
0x10: {  	[smem:$0x3FB5] =	sst s8  }
0x11: {  	[smem:$0x3FB6] =	sst s9;
	s0 =	simm.s32 @!p0 $0x0  }
0x12: {  	s1 =	sld [smem:$0x3F9C];
	s0 =	simm.s32 @p0 $0x1  }
0x13: {  	[smem:$0x3FB7] =	sst s0;
	s0 =	simm.s32 @!p1 $0x0  }
0x14: {  	s2 =	sld [smem:$0x3F9B];
	s0 =	simm.s32 @p1 $0x1  }
0x15: {  	[smem:$0x3FB8] =	sst s0;
	s0 =	simm.s32 @!p2 $0x0  }
0x16: {  	s3 =	sld [smem:$0x3FDB];
	s0 =	simm.s32 @p2 $0x1  }
0x17: {  	s4 =	simm.s32 $0x1BF5;
	[smem:$0x3FBA] =	sst s0  }
0x18: {  	s0 =	sld [smem:$0x3F9D];
	_ =	swait.ge [sflag:s4], $0x0  }
0x19: {  	s7 =	sld [smem:$0x3F9E]  }
0x1a: {  	s8 =	sadd.s32 $0xFFFFE003, lr  }
0x1b: {  	s9 =	sadd.s32 $0xFFFFFEF7, lr;
	s5 =	simm.s32 $0xFFFFFFFF;
	p2 =	slt.u32 s8, $0xFFFFF086  }
0x1c: {  	p1 =	slt.u32 s9, $0xF7A;
	s5 =	simm.s32 @!p2 $0x0  }
0x1d: {  	s5 =	simm.s32 @p1 $0x1;
	p0 =	seq.s32 s7, s2  }
0x1e: {  	s7 =	smul.u32 @!p0 $0xF7A, s2;
	p2 =	seq.s32 @!p0 s5, $0x0  }
0x1f: {  	s9 =	smul.u32 $0xF7A, s1;
	s8 =	simm.s32 @!p0 $0x1BF5;
	p2 =	por !p2, p0  }
0x20: {  	[sflag:s8] =	ssyncset.s32 @!p0 $0xFFFFF086;
	s6 =	sadd.s32 @!p0 s3, s7;
	s7 =	simm.s32 @!p0 $0x108  }
0x21: {  	s3 =	sadd.s32 s3, s9;
	s6 =	sadd.s32 @!p0 $0x88, s6;
	s7 =	simm.s32 @p2 $0x1082  }
0x22: {  	[simem:s7], [sflag:s8] =	dma.local @!p0 [hbm:s6], $0xF7A  }
0x23: {  	s9 =	sor.u32 $0xD0000000, s2;
	s6 =	simm.s32 $0x108;
	_ =	swait.ge @!p0 [sflag:s8], $0x0  }
0x24: {  	s3 =	sadd.s32 $0x88, s3;
	s6 =	simm.s32 @!p1 $0x1082;
	[sflag:s4] =	ssyncset.s32 $0xFFFFF086  }
0x25: {  	[simem:s6], [sflag:s4] =	dma.local [hbm:s3], $0xF7A  }
0x26: {  	[smem:$0x3F9E] =	sst s1;
	(tag) =	ssettag s2;
	_ =	strace s9  }
0x27: {  	s1 =	sld [smem:$0x3FAE]  }
0x28: {  	s2 =	sld [smem:$0x3FAF]  }
0x29: {  	s4 =	sld [smem:$0x3FB1]  }
0x2a: {  	p0 =	seq.s32 s5, $0x0;
	s5 =	sld [smem:$0x3FB2]  }
0x2b: {  	s6 =	sld [smem:$0x3FB3]  }
0x2c: {  	s7 =	sld [smem:$0x3FB4]  }
0x2d: {  	s3 =	simm.s32 $0x108;
	s8 =	sld [smem:$0x3FB5]  }
0x2e: {  	s3 =	simm.s32 @!p0 $0x1082;
	s9 =	sld [smem:$0x3FB6]  }
0x2f: {  	lr =	sadd.s32 s0, s3;
	s0 =	sld [smem:$0x3FAD]  }
0x30: {  	s3 =	sld [smem:$0x3FB0]  }
0x31: {  	[smem:$0x3FB9] =	sst s10  }
0x32: {  	s10 =	sld [smem:$0x3FB7];
	_ =	sdelay $0x3  }
0x33: {  	p0 =	seq.s32 s10, $0x1;
	s10 =	sld [smem:$0x3FB9];
	_ =	sdelay $0x3  }
0x34: {  	[smem:$0x3FB9] =	sst s10  }
0x35: {  	s10 =	sld [smem:$0x3FB8];
	_ =	sdelay $0x3  }
0x36: {  	p1 =	seq.s32 s10, $0x1;
	s10 =	sld [smem:$0x3FB9];
	_ =	sdelay $0x3  }
0x37: {  	[smem:$0x3FB9] =	sst s10  }
0x38: {  	s10 =	sld [smem:$0x3FBA]  }
0x39: {  	_ = 	snop;
	(pc) =	sbr.ind lr, $3  }
0x3a: {  	_ = 	snop  }
0x3b: {  	_ = 	snop  }
0x3c: {  	p2 =	seq.s32 s10, $0x1;
	s10 =	sld [smem:$0x3FB9]  }
0x3d: {  	_ =	shalt  }
0x3e: {  	_ =	shalt  }
0x3f: {  	_ =	shalt  }
0x40: {  	_ =	shalt  }
0x41: {  	_ =	shalt  }
0x42: {  	_ =	shalt  }
0x43: {  	_ =	shalt  }
0x44: {  	_ =	shalt  }
0x45: {  	_ =	shalt  }
0x46: {  	_ =	shalt  }
0x47: {  	_ =	shalt  }
0x48: {  	_ =	shalt  }
0x49: {  	_ =	shalt  }
0x4a: {  	_ =	shalt  }
0x4b: {  	_ =	shalt  }
0x4c: {  	_ =	shalt  }
0x4d: {  	_ =	shalt  }
0x4e: {  	_ =	shalt  }
0x4f: {  	_ =	shalt  }
0x50: {  	_ =	shalt  }
0x51: {  	_ =	shalt  }
0x52: {  	_ =	shalt  }
0x53: {  	_ =	shalt  }
0x54: {  	_ =	shalt  }
0x55: {  	_ =	shalt  }
0x56: {  	_ =	shalt  }
0x57: {  	_ =	shalt  }
0x58: {  	_ =	shalt  }
0x59: {  	_ =	shalt  }
0x5a: {  	_ =	shalt  }
0x5b: {  	_ =	shalt  }
0x5c: {  	_ =	shalt  }
0x5d: {  	_ =	shalt  }
0x5e: {  	_ =	shalt  }
0x5f: {  	_ =	shalt  }
0x60: {  	_ =	shalt  }
0x61: {  	_ =	shalt  }
0x62: {  	_ =	shalt  }
0x63: {  	_ =	shalt  }
0x64: {  	_ =	shalt  }
0x65: {  	_ =	shalt  }
0x66: {  	_ =	shalt  }
0x67: {  	_ =	shalt  }
0x68: {  	_ =	shalt  }
0x69: {  	_ =	shalt  }
0x6a: {  	_ =	shalt  }
0x6b: {  	_ =	shalt  }
0x6c: {  	_ =	shalt  }
0x6d: {  	_ =	shalt  }
0x6e: {  	_ =	shalt  }
0x6f: {  	_ =	shalt  }
0x70: {  	_ =	shalt  }
0x71: {  	_ =	shalt  }
0x72: {  	_ =	shalt  }
0x73: {  	_ =	shalt  }
0x74: {  	_ =	shalt  }
0x75: {  	_ =	shalt  }
0x76: {  	_ =	shalt  }
0x77: {  	_ =	shalt  }
0x78: {  	_ =	shalt  }
0x79: {  	_ =	shalt  }
0x7a: {  	_ =	shalt  }
0x7b: {  	_ =	shalt  }
0x7c: {  	_ =	shalt  }
0x7d: {  	_ =	shalt  }
0x7e: {  	_ =	shalt  }
0x7f: {  	_ =	shalt  }
0x80: {  	_ =	shalt  }
0x81: {  	_ =	shalt  }
0x82: {  	_ =	shalt  }
0x83: {  	_ =	shalt  }
0x84: {  	_ =	shalt  }
0x85: {  	_ =	shalt  }
0x86: {  	_ =	shalt  }
0x87: {  	_ =	shalt  }
.Lfunc_end0:
.L_simem_size_0:
called_computation_lowered:
.L_overlay_start_0:
0x88: {  	s2 =	sld [smem:$0x3FD9]  }
0x89: {  	s3 =	sld [smem:$0x3FFE];
	_ =	sdelay $0x1  }
0x8a: {  	s1 =	srdreg.scid  }
0x8b: {  	s0 =	sand.u32 $0x1, s1  }
0x8c: {  	s16 =	sshll.u32 s0, $0xA;
	s2 =	sadd.s32 s3, s2  }
0x8d: {  	s2 =	sadd.s32 s2, s16  }
0x8e: {  	[smem:$0x3FC5] =	sst s2  }
0x8f: {  	_ = 	snop  }
0x90: {  	(tm) =	ssettm $0x1  }
0x91: {  	s17 =	sld [smem:$0x3FFB];
	_ =	sdelay $0x3  }
0x92: {  	_ =	strace s17  }
0x93: {  	s2 =	sld [smem:$0x3FFC];
	_ =	sdelay $0x3  }
0x94: {  	_ =	strace s2  }
0x95: {  	s2 =	sld [smem:$0x3FFD];
	_ =	sdelay $0x3  }
0x96: {  	_ =	strace s2  }
0x97: {  	_ =	strace $0x8FFFFFFF  }
0x98: {  	s18 =	sld [smem:$0x3FDB];
	_ =	sdelay $0x1  }
0x99: {  	s19 =	simm.s32 $_scs_section_size  }
0x9a: {  	s4 =	simm.s32 $_size__tile_overlayer_lowered;
	s5 =	simm.s32 $_tile_overlayer_lowered  }
0x9b: {  	s22 =	simm.s32 $0x1BFF;
	s21 =	sshll.u32 s5, $0x1;
	s2 =	sadd.s32 s19, s18  }
0x9c: {  	s6 =	simm.s32 $0x0;
	s20 =	sshll.u32 s4, $0x1;
	s4 =	sadd.s32 s21, s2  }
0x9d: {  	[timem:s6], [sflag:s22] =	dma.local [hbm:s4], s20  }
0x9e: {  	_ =	swait.ge [sflag:s22], s20  }
0x9f: {  	s3 =	ssub.s32 $0x0, s20;
	[sflag:s22] =	ssyncset.done $0x0  }
0xa0: {  	[sflag:s22] =	ssyncadd.s32 s3;
	_ =	sdelay $0x1  }
0xa1: {  	s23 =	simm.s32 $0x1B8B  }
0xa2: {  	_ =	swait.ge [sflag:s23], $0x1  }
0xa3: {  	[sflag:s23] =	ssyncset.done $0x0  }
0xa4: {  	s25 =	simm.s32 $0x1B8E;
	s24 =	sld [smem:$0x3FFE];
	[sflag:s23] =	ssyncadd.s32 $0xFFFFFFFF  }
0xa5: {  	s26 =	simm.s32 $execute0_lowered;
	[smem:$0x3FD2] =	sst s25  }
0xa6: {  	s4 =	sshll.u32 s26, $0x1;
	_ =	strace $0x80000046;
	[dreg:$0x1] =	wrdreg $0xFFFFFFFF  }
0xa7: {  	s28 =	simm.s32 $_size_execute0_lowered;
	s2 =	sadd.s32 s2, s4;
	[dreg:$0x0] =	wrdreg $0x0  }
0xa8: {  	s4 =	sshll.u32 s28, $0x1;
	[dreg:$0x2] =	wrdreg s2  }
0xa9: {  	[dreg:$0x3] =	wrdreg s4  }
0xaa: {  	[dreg:$0x4] =	wrdreg $0xC0  }
0xab: {  	_ =	task [dreg:s6], $0x5FFFF  }
0xac: {  	[dreg:$0x1] =	wrdreg $0xFFFFFFFF  }
0xad: {  	[dreg:$0x0] =	wrdreg $0x60  }
0xae: {  	[dreg:$0x2] =	wrdreg s24  }
0xaf: {  	[dreg:$0x3] =	wrdreg $0x9  }
0xb0: {  	_ =	task.clear_ibuf [dreg:s6], $0x4FFFF;
	_ =	strace $0x90000046  }
0xb1: {  	s29 =	simm.s32 $0x9;
	_ =	strace $0x80000048  }
0xb2: {  	_ =	swait.ge [sflag:s29], $0x1  }
0xb3: {  	[sflag:s29] =	ssyncadd.s32 $0xFFFFFFFF  }
0xb4: {  	_ =	strace $0x90000048  }
0xb5: {  	_ =	sfence  }
0xb6: {  	s30 =	sld [smem:$0x0];
	_ =	sdelay $0x2  }
0xb7: {  	s31 =	sshll.u32 s1, $0xD;
	s1 =	sshrl.u32 s1, $0x2  }
0xb8: {  	s3 =	sand.u32 $0x4000, s31;
	s1 =	sadd.s32 s1, s30  }
0xb9: {  	s0 =	sor.u32 s3, s0;
	s1 =	sshll.u32 s1, $0x11  }
0xba: {  	s0 =	sor.u32 s1, s0  }
0xbb: {  	s0 =	sadd.s32 $0x8F2B, s0  }
0xbc: {  	[sflag:s0] =	ssyncadd.remote.s32 $0x1  }
0xbd: {  	_ =	sfence.sel $0xFFFF  }
0xbe: {  	[dreg:$0x0] =	wrdreg $0xFFFFFFFF;
	(pc) =	sbr.abs _section_cstart, $3  }
0xbf: {  	[dreg:$0x1] =	wrdreg $0xFFFFFFFF  }
0xc0: {  	_ =	task.clear_ibuf [dreg:s6], $0x2FFFF;
	_ =	strace $0x9FFFFFFF  }
0xc1: {  	(tm) =	ssettm $0x7FFFFFFF  }
tec
execute0_lowered:
.L_overlay_start_1:
0x0: {  	(tag) =	ssettag $0x1  }
0x1: {  	s0 =	srdreg.scid  }
0x2: {  	s12 =	stileid.u32;
	s5 =	rddreg [dreg:$0x0];
	s3 =	simm.s32 $0x1  }
0x3: {  	s2 =	simm.s32 $0x0;
	s16 =	simm.s32 $0x80;
	s17 =	simm.s32 $0x400  }
0x4: {  	s18 =	simm.s32 $0x2;
	s19 =	simm.s32 $0x2000;
	s20 =	simm.s32 $0xC000  }
0x5: {  	s22 =	simm.s32 $0x6000;
	s23 =	simm.s32 $0x8000;
	s24 =	simm.s32 $0xD800  }
0x6: {  	s25 =	simm.s32 $0xC800;
	s28 =	simm.s32 $0xA000;
	s0 =	sand.u32 $0x1, s0  }
0x7: {  	s29 =	simm.s32 $0x200;
	s30 =	simm.s32 $0x0;
	s1 =	sshll.u32 s0, $0x4  }
0x8: {  	s4 =	sand.u32 $0x3, s12;
	[smem:$0x7FF] =	sst s2;
	s1 =	sor.u32 s12, s1  }
0x9: {  	p1 =	sne.s32 s4, $0x0;
	_ =	strace $0x80000047;
	p0 =	seq.s32 s1, $0x0  }
0xa: {  	s7 =	sshll.u32 s4, $0xA;
	s10 =	sshll.u32 s4, $0x10;
	p0 =	por !p1, !p0  }
0xb: {  	s4 =	sshll.u32 s4, $0x7;
	s0 =	ssub.s32 $0x2, s0;
	p0 =	por !p0, !p0  }
0xc: {  	s31 =	sshrl.u32 s0, $0x1;
	s1 =	sshrl.u32 s1, $0x2;
	s3 =	simm.s32 @!p0 $0x0  }
0xd: {  	s7 =	sadd.s32 s7, s5;
	s0 =	ssub.s32 s0, s31;
	s1 =	ssub.s32 s1, s3  }
0xe: {  	s15 =	smax.u32 s0, $0x1;
	s6 =	sshrl.u32 s1, $0x3;
	s3 =	sshll.u32 s1, $0x7  }
0xf: {  	s1 =	sshll.u32 s1, $0xD;
	s8 =	sand.u32 $0x380, s3;
	s9 =	sshll.u32 s6, $0xE  }
0x10: {  	s3 =	simm.s32 $0x1;
	s6 =	sshll.u32 s6, $0x12;
	s1 =	sor.u32 s4, s1  }
0x11: {  	s4 =	sadd.s32 $0x1E000, s5;
	s9 =	sor.u32 s8, s9;
	s6 =	sor.u32 s10, s6  }
0x12: {  	s1 =	sshrl.u32 s1, $0x3;
	s10 =	sshll.u32 s12, $0x9;
	s9 =	sshrl.u32 s9, $0x3  }
0x13: {  	s6 =	sor.u32 s8, s6;
	s1 =	sadd.s32 s1, s5;
	s9 =	sadd.s32 s9, s5  }
0x14: {  	s26 =	sshrl.u32 s6, $0x3;
	s6 =	sadd.s32 $0x1D000, s7;
	s12 =	sadd.s32 $0x41E000, s1  }
0x15: {  	s13 =	sadd.s32 $0x420000, s1;
	s14 =	sadd.s32 $0x42A000, s1;
	s11 =	sadd.s32 s26, s5  }
0x16: {  	s7 =	sadd.s32 $0x1C800, s9;
	s26 =	simm.s32 $0xD000;
	s5 =	sadd.s32 $0x14800, s11  }
0x17: {  	v0 =	vimm.f32 $0.0e+00;
	v1 =	vimm.f32 $1.000000000e+00;
	s8 =	sadd.s32 $0xC800, s11;
	s9 =	sadd.s32 $0x4800, s11;
	s11 =	sadd.s32 $0x422000, s11  }
.LBB2_1:
0x18: {  	[tilespmem:s2], [sflag:$0x2] =	stream.strided.gather [hbm4b:s5+s16], $0x2000, s17, s16, $0x38;
	[tilespmem:$0xE000] =	vst v63  }
0x19: {  	_ =	swait.ge [sflag:s18], $0x2000  }
0x1a: {  	[sflag:s18] =	ssyncset.done $0x0  }
0x1b: {  	[sflag:s18] =	ssyncadd.s32 $0xFFFFE000  }
0x1c: {  	[tilespmem:s19], [sflag:$0x2] =	stream.linear.gather [hbm4b:s6+s2], $0x2000, $0x38;
	[tilespmem:$0xE000] =	vst v63  }
0x1d: {  	_ =	swait.ge [sflag:s18], $0x2000  }
0x1e: {  	[sflag:s18] =	ssyncset.done $0x0  }
0x1f: {  	[sflag:s18] =	ssyncadd.s32 $0xFFFFE000  }
0x20: {  	[tilespmem:s20], [sflag:$0x2] =	stream.strided.gather [hbm4b:s7+s16], $0x800, s17, s16, $0x38;
	[tilespmem:$0xE000] =	vst v63  }
0x21: {  	_ =	swait.ge [sflag:s18], $0x800  }
0x22: {  	[sflag:s18] =	ssyncset.done $0x0  }
0x23: {  	[sflag:s18] =	ssyncadd.s32 $0xFFFFF800  }
0x24: {  	[hbm4b:s4+s19] =	stream.indirect.scatter [tilespmem:s19], [sflag:$0x1], $0x1, s2, s19, $0xb8;
	[tilespmem:$0xE000] =	vst v63  }
0x25: {  	_ =	swait.ge [sflag:s3], $0x2000  }
0x26: {  	[sflag:s3] =	ssyncset.done $0x0  }
0x27: {  	[sflag:s3] =	ssyncadd.s32 $0xFFFFE000  }
0x28: {  	s0 =	simm.s32 $0x4000;
	[bflag:$0x0] =	sbarrier.arrive $0xFFFF  }
0x29: {  	[tilespmem:s0], [sflag:$0x1] =	stream.indirect.gather [hbm4b:s4+s19], $0x1, s2, s19, $0xb8;
	[tilespmem:$0xE000] =	vst v63  }
0x2a: {  	_ =	swait.ge [sflag:s3], $0x2000  }
0x2b: {  	[sflag:s3] =	ssyncset.done $0x0  }
0x2c: {  	[sflag:s3] =	ssyncadd.s32 $0xFFFFE000  }
0x2d: {  	[tilespmem:s22], [sflag:$0x2] =	stream.strided.gather [hbm4b:s8+s16], $0x2000, s17, s16, $0x38;
	[tilespmem:$0xE000] =	vst v63  }
0x2e: {  	_ =	swait.ge [sflag:s18], $0x2000  }
0x2f: {  	[sflag:s18] =	ssyncset.done $0x0  }
0x30: {  	[sflag:s18] =	ssyncadd.s32 $0xFFFFE000  }
0x31: {  	[tilespmem:s23], [sflag:$0x2] =	stream.strided.gather [hbm4b:s9+s16], $0x2000, s17, s16, $0x38;
	[tilespmem:$0xE000] =	vst v63  }
0x32: {  	_ =	swait.ge [sflag:s18], $0x2000  }
0x33: {  	[sflag:s18] =	ssyncset.done $0x0  }
0x34: {  	s1 =	simm.s32 $0x40;
	s0 =	simm.s32 $0x0;
	[sflag:s18] =	ssyncadd.s32 $0xFFFFE000  }
.LBB2_2:
0x35: {  	p0 =	sne.s32 s1, $0x1FC0;
	[tilespmem:s0+$0xD800] =	vst v0;
	s21 =	smov.u32 s1;
	s1 =	sadd.s32 $0x40, s1  }
.Ltmp0:
0x36: {  	[tilespmem:s0+$0xC800] =	vst v0;
	(pc) =	sbr.rel @p0 .LBB2_2-.Ltmp0, $2  }
0x37: {  	[tilespmem:s0+$0xD000] =	vst v0;
	_ =	sdelay $0x2  }
0x38: {  	s0 =	sshra.s32 s21, $0x2  }
0x39: {  	[tilespmem:s0+$0xD800] =	vst v0;
	s31 =	simm.s32 $0x0;
	s1 =	sadd.s32 $0x0, s10  }
0x3a: {  	[tilespmem:s0+$0xC800] =	vst v0;
	s1 =	sand.u32 $0x780, s1;
	s21 =	sand.u32 $0x70, s31  }
0x3b: {  	[tilespmem:s0+$0xD000] =	vst v0;
	s21 =	sor.u32 s21, s1  }
0x3c: {  	v2 =	vld [tilespmem:s21+$0xC000];
	_ =	sdelay $0x4  }
0x3d: {  	v2 =	vtrunc.f32 v2  }
0x3e: {  	v2 =	vcvt.f32.s32 v2;
	_ =	sdelay $0x3  }
0x3f: {  	s0 =	simm.s32 $0x20;
	s1 =	simm.s32 $0x10;
	s21 =	sadd.s32 $0x10, s10  }
.LBB2_4:
0x40: {  	p0 =	sne.s32 s0, $0x1F0;
	s21 =	sand.u32 $0x780, s21;
	s1 =	sand.u32 $0x70, s1  }
0x41: {  	s21 =	sor.u32 s1, s21;
	[tilespmem:v2+s24+$0x0] =	vst.idx.add.f32.msk $0xffff, v1;
	s1 =	smov.u32 s0  }
0x42: {  	v2 =	vld [tilespmem:s21+$0xC000];
	_ =	sdelay $0x4  }
0x43: {  	v2 =	vtrunc.f32 v2  }
.Ltmp1:
0x44: {  	v2 =	vcvt.f32.s32 v2;
	(pc) =	sbr.rel @p0 .LBB2_4-.Ltmp1, $2  }
0x45: {  	_ =	sdelay $0x2  }
0x46: {  	s0 =	sadd.s32 $0x10, s0;
	s21 =	sadd.s32 s1, s10  }
0x47: {  	_ =	sdelay $0x2  }
0x48: {  	s0 =	sand.u32 $0x780, s21;
	s1 =	sand.u32 $0x70, s1  }
0x49: {  	[tilespmem:v2+s24+$0x0] =	vst.idx.add.f32.msk $0xffff, v1;
	s0 =	sor.u32 s1, s0  }
0x4a: {  	v2 =	vld [tilespmem:s0+$0xC000];
	_ =	sdelay $0x4  }
0x4b: {  	v2 =	vtrunc.f32 v2  }
0x4c: {  	v2 =	vcvt.f32.s32 v2;
	_ =	sdelay $0x5  }
0x4d: {  	[tilespmem:v2+s24+$0x0] =	vst.idx.add.f32.msk $0xffff, v1  }
.LBB2_6:
0x4e: {  	s1 =	sshra.s32 s31, $0x2  }
0x4f: {  	v2 =	vld [tilespmem:s1+$0x2000]  }
0x50: {  	v3 =	vld [tilespmem:s1+$0x4000]  }
0x51: {  	v4 =	vld [tilespmem:s1+$0x6000]  }
0x52: {  	v5 =	vld [tilespmem:s1+$0x8000];
	_ =	sdelay $0x3  }
0x53: {  	vm0 =	veq.s32 v2, v3  }
0x54: {  	v2 =	vsel vm0, $0x3F800000, v0  }
0x55: {  	[tilespmem:s1+$0xA000] =	vst v2  }
0x56: {  	[tilespmem:v4+s25+$0x0] =	vst.idx.add.f32.msk $0xffff, v2  }
0x57: {  	v3 =	vld.idx.msk [tilespmem:v5+s20+$0x0], $0xffff;
	_ =	sdelay $0x4  }
0x58: {  	v2 =	vmul.f32 v3, v2;
	_ =	sdelay $0x1  }
0x59: {  	[tilespmem:v4+s26+$0x0] =	vst.idx.add.f32.msk $0xffff, v2  }
0x5a: {  	v2 =	vld [tilespmem:s1+$0x2010]  }
0x5b: {  	v3 =	vld [tilespmem:s1+$0x4010]  }
0x5c: {  	v4 =	vld [tilespmem:s1+$0x6010]  }
0x5d: {  	v57 =	vld [tilespmem:s1+$0x8010];
	_ =	sdelay $0x3  }
0x5e: {  	vm9 =	veq.s32 v2, v3  }
0x5f: {  	v2 =	vsel vm9, $0x3F800000, v0  }
0x60: {  	[tilespmem:s1+$0xA010] =	vst v2  }
0x61: {  	[tilespmem:v4+s25+$0x0] =	vst.idx.add.f32.msk $0xffff, v2  }
0x62: {  	v3 =	vld.idx.msk [tilespmem:v57+s20+$0x0], $0xffff;
	_ =	sdelay $0x4  }
0x63: {  	v2 =	vmul.f32 v3, v2;
	_ =	sdelay $0x1  }
0x64: {  	[tilespmem:v4+s26+$0x0] =	vst.idx.add.f32.msk $0xffff, v2  }
0x65: {  	v2 =	vld [tilespmem:s1+$0x2020]  }
0x66: {  	v3 =	vld [tilespmem:s1+$0x4020]  }
0x67: {  	v4 =	vld [tilespmem:s1+$0x6020]  }
0x68: {  	v58 =	vld [tilespmem:s1+$0x8020];
	_ =	sdelay $0x3  }
0x69: {  	vm10 =	veq.s32 v2, v3  }
0x6a: {  	v2 =	vsel vm10, $0x3F800000, v0  }
0x6b: {  	[tilespmem:s1+$0xA020] =	vst v2  }
0x6c: {  	[tilespmem:v4+s25+$0x0] =	vst.idx.add.f32.msk $0xffff, v2  }
0x6d: {  	v3 =	vld.idx.msk [tilespmem:v58+s20+$0x0], $0xffff;
	_ =	sdelay $0x4  }
0x6e: {  	v2 =	vmul.f32 v3, v2;
	_ =	sdelay $0x1  }
0x6f: {  	[tilespmem:v4+s26+$0x0] =	vst.idx.add.f32.msk $0xffff, v2  }
0x70: {  	v2 =	vld [tilespmem:s1+$0x2030]  }
0x71: {  	v3 =	vld [tilespmem:s1+$0x4030]  }
0x72: {  	v4 =	vld [tilespmem:s1+$0x6030]  }
0x73: {  	v59 =	vld [tilespmem:s1+$0x8030];
	_ =	sdelay $0x3  }
0x74: {  	vm11 =	veq.s32 v2, v3  }
0x75: {  	v2 =	vsel vm11, $0x3F800000, v0  }
0x76: {  	[tilespmem:s1+$0xA030] =	vst v2  }
0x77: {  	[tilespmem:v4+s25+$0x0] =	vst.idx.add.f32.msk $0xffff, v2  }
0x78: {  	v3 =	vld.idx.msk [tilespmem:v59+s20+$0x0], $0xffff;
	_ =	sdelay $0x4  }
0x79: {  	v2 =	vmul.f32 v3, v2;
	_ =	sdelay $0x1  }
0x7a: {  	[tilespmem:v4+s26+$0x0] =	vst.idx.add.f32.msk $0xffff, v2  }
0x7b: {  	v2 =	vld [tilespmem:s1+$0x2040]  }
0x7c: {  	v3 =	vld [tilespmem:s1+$0x4040]  }
0x7d: {  	v4 =	vld [tilespmem:s1+$0x6040]  }
0x7e: {  	v60 =	vld [tilespmem:s1+$0x8040];
	_ =	sdelay $0x3  }
0x7f: {  	vm12 =	veq.s32 v2, v3  }
0x80: {  	v2 =	vsel vm12, $0x3F800000, v0  }
0x81: {  	[tilespmem:s1+$0xA040] =	vst v2  }
0x82: {  	[tilespmem:v4+s25+$0x0] =	vst.idx.add.f32.msk $0xffff, v2  }
0x83: {  	v3 =	vld.idx.msk [tilespmem:v60+s20+$0x0], $0xffff;
	_ =	sdelay $0x4  }
0x84: {  	v2 =	vmul.f32 v3, v2;
	_ =	sdelay $0x1  }
0x85: {  	[tilespmem:v4+s26+$0x0] =	vst.idx.add.f32.msk $0xffff, v2  }
0x86: {  	v2 =	vld [tilespmem:s1+$0x2050]  }
0x87: {  	v3 =	vld [tilespmem:s1+$0x4050]  }
0x88: {  	v4 =	vld [tilespmem:s1+$0x6050]  }
0x89: {  	v61 =	vld [tilespmem:s1+$0x8050];
	_ =	sdelay $0x3  }
0x8a: {  	vm13 =	veq.s32 v2, v3  }
0x8b: {  	v2 =	vsel vm13, $0x3F800000, v0  }
0x8c: {  	[tilespmem:s1+$0xA050] =	vst v2  }
0x8d: {  	[tilespmem:v4+s25+$0x0] =	vst.idx.add.f32.msk $0xffff, v2  }
0x8e: {  	v3 =	vld.idx.msk [tilespmem:v61+s20+$0x0], $0xffff;
	_ =	sdelay $0x4  }
0x8f: {  	v2 =	vmul.f32 v3, v2;
	_ =	sdelay $0x1  }
0x90: {  	[tilespmem:v4+s26+$0x0] =	vst.idx.add.f32.msk $0xffff, v2  }
0x91: {  	v2 =	vld [tilespmem:s1+$0x2060]  }
0x92: {  	v3 =	vld [tilespmem:s1+$0x4060]  }
0x93: {  	v4 =	vld [tilespmem:s1+$0x6060]  }
0x94: {  	v62 =	vld [tilespmem:s1+$0x8060];
	_ =	sdelay $0x3  }
0x95: {  	vm14 =	veq.s32 v2, v3  }
0x96: {  	v2 =	vsel vm14, $0x3F800000, v0  }
0x97: {  	[tilespmem:s1+$0xA060] =	vst v2  }
0x98: {  	[tilespmem:v4+s25+$0x0] =	vst.idx.add.f32.msk $0xffff, v2  }
0x99: {  	v3 =	vld.idx.msk [tilespmem:v62+s20+$0x0], $0xffff;
	_ =	sdelay $0x4  }
0x9a: {  	v2 =	vmul.f32 v3, v2;
	_ =	sdelay $0x1  }
0x9b: {  	[tilespmem:v4+s26+$0x0] =	vst.idx.add.f32.msk $0xffff, v2  }
0x9c: {  	v2 =	vld [tilespmem:s1+$0x2070]  }
0x9d: {  	v3 =	vld [tilespmem:s1+$0x4070]  }
0x9e: {  	v4 =	vld [tilespmem:s1+$0x6070]  }
0x9f: {  	v63 =	vld [tilespmem:s1+$0x8070];
	_ =	sdelay $0x3  }
0xa0: {  	vm15 =	veq.s32 v2, v3  }
0xa1: {  	v2 =	vsel vm15, $0x3F800000, v0  }
0xa2: {  	[tilespmem:s1+$0xA070] =	vst v2  }
0xa3: {  	[tilespmem:v4+s25+$0x0] =	vst.idx.add.f32.msk $0xffff, v2  }
0xa4: {  	v3 =	vld.idx.msk [tilespmem:v63+s20+$0x0], $0xffff;
	_ =	sdelay $0x1  }
0xa5: {  	p0 =	sne.s32 s31, $0x7E00  }
.Ltmp2:
0xa6: {  	_ = 	snop;
	(pc) =	sbr.rel @p0 .LBB2_6-.Ltmp2, $3  }
0xa7: {  	_ = 	snop  }
0xa8: {  	v2 =	vmul.f32 v3, v2;
	_ =	sdelay $0x1  }
0xa9: {  	s31 =	sadd.s32 $0x200, s31;
	[tilespmem:v4+s26+$0x0] =	vst.idx.add.f32.msk $0xffff, v2  }
0xaa: {  	[hbm4b:s11+s16] =	stream.strided.scatter [tilespmem:s28], [sflag:$0x2], $0x2000, s17, s16, $0x38;
	[tilespmem:$0xE000] =	vst v63  }
0xab: {  	_ =	swait.ge [sflag:s18], $0x2000  }
0xac: {  	[sflag:s18] =	ssyncset.done $0x0  }
0xad: {  	[sflag:s18] =	ssyncadd.s32 $0xFFFFE000  }
0xae: {  	[hbm4b:s12+s16] =	stream.strided.scatter [tilespmem:s25], [sflag:$0x2], $0x800, s29, s16, $0x38;
	[tilespmem:$0xE000] =	vst v63  }
0xaf: {  	_ =	swait.ge [sflag:s18], $0x800  }
0xb0: {  	[sflag:s18] =	ssyncset.done $0x0  }
0xb1: {  	[sflag:s18] =	ssyncadd.s32 $0xFFFFF800  }
0xb2: {  	[hbm4b:s13+s16] =	stream.strided.scatter [tilespmem:s26], [sflag:$0x2], $0x800, s29, s16, $0x38;
	[tilespmem:$0xE000] =	vst v63  }
0xb3: {  	s30 =	sadd.s32 $0x1, s30;
	_ =	swait.ge [sflag:s18], $0x800  }
0xb4: {  	p0 =	sne.s32 s30, s15;
	[sflag:s18] =	ssyncset.done $0x0  }
.Ltmp3:
0xb5: {  	[sflag:s18] =	ssyncadd.s32 $0xFFFFF800;
	(pc) =	sbr.rel @p0 .LBB2_1-.Ltmp3, $4  }
0xb6: {  	[hbm4b:s14+s16] =	stream.strided.scatter [tilespmem:s24], [sflag:$0x2], $0x800, s29, s16, $0x38;
	[tilespmem:$0xE000] =	vst v63  }
0xb7: {  	_ =	swait.ge [sflag:s18], $0x800  }
0xb8: {  	[sflag:s18] =	ssyncset.done $0x0  }
0xb9: {  	[sflag:s18] =	ssyncadd.s32 $0xFFFFF800  }
0xba: {  	_ =	sfence.sel $0x180000  }
0xbb: {  	[bflag:$0x0] =	sbarrier.arrive $0xFFFF  }
0xbc: {  	_ =	strace $0x90000047  }
0xbd: {  	s0 =	stileid.u32;
	[bflag:$0x2] =	sbarrier.arrive $0xFFFF  }
0xbe: {  	p0 =	sne.s32 s0, $0x0;
	s0 =	rddreg [dreg:$0x1]  }
0xbf: {  	s0 =	sadd.s32 @!p0 $0x100000, s0  }
0xc0: {  	[sflag:s0] =	ssyncadd.tile.s32 @!p0 $0x1;
	_ =	shalt  }
.Lfunc_end2:
_tile_overlayer_lowered:
.L_overlay_start_2:
0xc1: {  	(tag) =	ssettag $0x2  }
0xc2: {  	s0 =	rddreg [dreg:$0x0];
	s2 =	stileid.u32  }
0xc3: {  	s1 =	rddreg [dreg:$0x1];
	p0 =	sne.s32 s2, $0x0  }
0xc4: {  	s3 =	rddreg [dreg:$0x2];
	[bflag:$0x3] =	sbarrier.arrive $0xFFFF;
	s2 =	simm.s32 @!p0 $0x1C02  }
0xc5: {  	[timem:s3], [sflag:s2] =	dma.local @!p0 [hbm:s0], s1  }
0xc6: {  	s0 =	simm.s32 @!p0 $0x2  }
0xc7: {  	_ =	swait.ge @!p0 [sflag:s0], s1  }
0xc8: {  	s1 =	ssub.s32 @!p0 $0x0, s1;
	[sflag:s0] =	ssyncset.done @!p0 $0x0  }
0xc9: {  	[sflag:s0] =	ssyncadd.s32 @!p0 s1  }
0xca: {  	[bflag:$0x3] =	sbarrier.arrive $0xFFFF  }
0xcb: {  	_ =	shalt  }

// kernel: kernel.16.cloned.1.call-start
scs
__scs_entry_jumppad:
0x0: {  	(pc) =	sbr.rel $0x88, $3  }
0x1: {  	(tag) =	ssettag $0x0;
	lr =	simm.s32 $0x1  }
0x2: {  	[smem:$0x3F9E] =	sst lr;
	_ =	strace $0xD0000000  }
0x3: {  	_ = 	snop  }
0x4: {  	_ = 	snop  }
0x5: {  	_ = 	snop  }
0x6: {  	_ = 	snop  }
0x7: {  	_ = 	snop  }
__scs_overlays_trampoline_lowered:
0x8: {  	[smem:$0x3FAD] =	sst s0  }
0x9: {  	[smem:$0x3FAE] =	sst s1  }
0xa: {  	[smem:$0x3FAF] =	sst s2  }
0xb: {  	[smem:$0x3FB0] =	sst s3  }
0xc: {  	[smem:$0x3FB1] =	sst s4  }
0xd: {  	[smem:$0x3FB2] =	sst s5  }
0xe: {  	[smem:$0x3FB3] =	sst s6  }
0xf: {  	[smem:$0x3FB4] =	sst s7  }
0x10: {  	[smem:$0x3FB5] =	sst s8  }
0x11: {  	[smem:$0x3FB6] =	sst s9;
	s0 =	simm.s32 @!p0 $0x0  }
0x12: {  	s1 =	sld [smem:$0x3F9C];
	s0 =	simm.s32 @p0 $0x1  }
0x13: {  	[smem:$0x3FB7] =	sst s0;
	s0 =	simm.s32 @!p1 $0x0  }
0x14: {  	s2 =	sld [smem:$0x3F9B];
	s0 =	simm.s32 @p1 $0x1  }
0x15: {  	[smem:$0x3FB8] =	sst s0;
	s0 =	simm.s32 @!p2 $0x0  }
0x16: {  	s3 =	sld [smem:$0x3FDB];
	s0 =	simm.s32 @p2 $0x1  }
0x17: {  	s4 =	simm.s32 $0x1BF5;
	[smem:$0x3FBA] =	sst s0  }
0x18: {  	s0 =	sld [smem:$0x3F9D];
	_ =	swait.ge [sflag:s4], $0x0  }
0x19: {  	s7 =	sld [smem:$0x3F9E]  }
0x1a: {  	s8 =	sadd.s32 $0xFFFFE003, lr  }
0x1b: {  	s9 =	sadd.s32 $0xFFFFFEF7, lr;
	s5 =	simm.s32 $0xFFFFFFFF;
	p2 =	slt.u32 s8, $0xFFFFF086  }
0x1c: {  	p1 =	slt.u32 s9, $0xF7A;
	s5 =	simm.s32 @!p2 $0x0  }
0x1d: {  	s5 =	simm.s32 @p1 $0x1;
	p0 =	seq.s32 s7, s2  }
0x1e: {  	s7 =	smul.u32 @!p0 $0xF7A, s2;
	p2 =	seq.s32 @!p0 s5, $0x0  }
0x1f: {  	s9 =	smul.u32 $0xF7A, s1;
	s8 =	simm.s32 @!p0 $0x1BF5;
	p2 =	por !p2, p0  }
0x20: {  	[sflag:s8] =	ssyncset.s32 @!p0 $0xFFFFF086;
	s6 =	sadd.s32 @!p0 s3, s7;
	s7 =	simm.s32 @!p0 $0x108  }
0x21: {  	s3 =	sadd.s32 s3, s9;
	s6 =	sadd.s32 @!p0 $0x88, s6;
	s7 =	simm.s32 @p2 $0x1082  }
0x22: {  	[simem:s7], [sflag:s8] =	dma.local @!p0 [hbm:s6], $0xF7A  }
0x23: {  	s9 =	sor.u32 $0xD0000000, s2;
	s6 =	simm.s32 $0x108;
	_ =	swait.ge @!p0 [sflag:s8], $0x0  }
0x24: {  	s3 =	sadd.s32 $0x88, s3;
	s6 =	simm.s32 @!p1 $0x1082;
	[sflag:s4] =	ssyncset.s32 $0xFFFFF086  }
0x25: {  	[simem:s6], [sflag:s4] =	dma.local [hbm:s3], $0xF7A  }
0x26: {  	[smem:$0x3F9E] =	sst s1;
	(tag) =	ssettag s2;
	_ =	strace s9  }
0x27: {  	s1 =	sld [smem:$0x3FAE]  }
0x28: {  	s2 =	sld [smem:$0x3FAF]  }
0x29: {  	s4 =	sld [smem:$0x3FB1]  }
0x2a: {  	p0 =	seq.s32 s5, $0x0;
	s5 =	sld [smem:$0x3FB2]  }
0x2b: {  	s6 =	sld [smem:$0x3FB3]  }
0x2c: {  	s7 =	sld [smem:$0x3FB4]  }
0x2d: {  	s3 =	simm.s32 $0x108;
	s8 =	sld [smem:$0x3FB5]  }
0x2e: {  	s3 =	simm.s32 @!p0 $0x1082;
	s9 =	sld [smem:$0x3FB6]  }
0x2f: {  	lr =	sadd.s32 s0, s3;
	s0 =	sld [smem:$0x3FAD]  }
0x30: {  	s3 =	sld [smem:$0x3FB0]  }
0x31: {  	[smem:$0x3FB9] =	sst s10  }
0x32: {  	s10 =	sld [smem:$0x3FB7];
	_ =	sdelay $0x3  }
0x33: {  	p0 =	seq.s32 s10, $0x1;
	s10 =	sld [smem:$0x3FB9];
	_ =	sdelay $0x3  }
0x34: {  	[smem:$0x3FB9] =	sst s10  }
0x35: {  	s10 =	sld [smem:$0x3FB8];
	_ =	sdelay $0x3  }
0x36: {  	p1 =	seq.s32 s10, $0x1;
	s10 =	sld [smem:$0x3FB9];
	_ =	sdelay $0x3  }
0x37: {  	[smem:$0x3FB9] =	sst s10  }
0x38: {  	s10 =	sld [smem:$0x3FBA]  }
0x39: {  	_ = 	snop;
	(pc) =	sbr.ind lr, $3  }
0x3a: {  	_ = 	snop  }
0x3b: {  	_ = 	snop  }
0x3c: {  	p2 =	seq.s32 s10, $0x1;
	s10 =	sld [smem:$0x3FB9]  }
0x3d: {  	_ =	shalt  }
0x3e: {  	_ =	shalt  }
0x3f: {  	_ =	shalt  }
0x40: {  	_ =	shalt  }
0x41: {  	_ =	shalt  }
0x42: {  	_ =	shalt  }
0x43: {  	_ =	shalt  }
0x44: {  	_ =	shalt  }
0x45: {  	_ =	shalt  }
0x46: {  	_ =	shalt  }
0x47: {  	_ =	shalt  }
0x48: {  	_ =	shalt  }
0x49: {  	_ =	shalt  }
0x4a: {  	_ =	shalt  }
0x4b: {  	_ =	shalt  }
0x4c: {  	_ =	shalt  }
0x4d: {  	_ =	shalt  }
0x4e: {  	_ =	shalt  }
0x4f: {  	_ =	shalt  }
0x50: {  	_ =	shalt  }
0x51: {  	_ =	shalt  }
0x52: {  	_ =	shalt  }
0x53: {  	_ =	shalt  }
0x54: {  	_ =	shalt  }
0x55: {  	_ =	shalt  }
0x56: {  	_ =	shalt  }
0x57: {  	_ =	shalt  }
0x58: {  	_ =	shalt  }
0x59: {  	_ =	shalt  }
0x5a: {  	_ =	shalt  }
0x5b: {  	_ =	shalt  }
0x5c: {  	_ =	shalt  }
0x5d: {  	_ =	shalt  }
0x5e: {  	_ =	shalt  }
0x5f: {  	_ =	shalt  }
0x60: {  	_ =	shalt  }
0x61: {  	_ =	shalt  }
0x62: {  	_ =	shalt  }
0x63: {  	_ =	shalt  }
0x64: {  	_ =	shalt  }
0x65: {  	_ =	shalt  }
0x66: {  	_ =	shalt  }
0x67: {  	_ =	shalt  }
0x68: {  	_ =	shalt  }
0x69: {  	_ =	shalt  }
0x6a: {  	_ =	shalt  }
0x6b: {  	_ =	shalt  }
0x6c: {  	_ =	shalt  }
0x6d: {  	_ =	shalt  }
0x6e: {  	_ =	shalt  }
0x6f: {  	_ =	shalt  }
0x70: {  	_ =	shalt  }
0x71: {  	_ =	shalt  }
0x72: {  	_ =	shalt  }
0x73: {  	_ =	shalt  }
0x74: {  	_ =	shalt  }
0x75: {  	_ =	shalt  }
0x76: {  	_ =	shalt  }
0x77: {  	_ =	shalt  }
0x78: {  	_ =	shalt  }
0x79: {  	_ =	shalt  }
0x7a: {  	_ =	shalt  }
0x7b: {  	_ =	shalt  }
0x7c: {  	_ =	shalt  }
0x7d: {  	_ =	shalt  }
0x7e: {  	_ =	shalt  }
0x7f: {  	_ =	shalt  }
0x80: {  	_ =	shalt  }
0x81: {  	_ =	shalt  }
0x82: {  	_ =	shalt  }
0x83: {  	_ =	shalt  }
0x84: {  	_ =	shalt  }
0x85: {  	_ =	shalt  }
0x86: {  	_ =	shalt  }
0x87: {  	_ =	shalt  }
.Lfunc_end0:
.L_simem_size_0:
called_computation.1_lowered:
.L_overlay_start_0:
0x88: {  	s2 =	sld [smem:$0x3FD9]  }
0x89: {  	s3 =	sld [smem:$0x3FFE];
	_ =	sdelay $0x1  }
0x8a: {  	s1 =	srdreg.scid  }
0x8b: {  	s0 =	sand.u32 $0x1, s1  }
0x8c: {  	s16 =	sshll.u32 s0, $0xA;
	s2 =	sadd.s32 s3, s2  }
0x8d: {  	s2 =	sadd.s32 s2, s16  }
0x8e: {  	[smem:$0x3FC5] =	sst s2  }
0x8f: {  	_ = 	snop  }
0x90: {  	(tm) =	ssettm $0x1  }
0x91: {  	s17 =	sld [smem:$0x3FFB];
	_ =	sdelay $0x3  }
0x92: {  	_ =	strace s17  }
0x93: {  	s2 =	sld [smem:$0x3FFC];
	_ =	sdelay $0x3  }
0x94: {  	_ =	strace s2  }
0x95: {  	s2 =	sld [smem:$0x3FFD];
	_ =	sdelay $0x3  }
0x96: {  	_ =	strace s2  }
0x97: {  	_ =	strace $0x8FFFFFFF  }
0x98: {  	s18 =	sld [smem:$0x3FDB];
	_ =	sdelay $0x1  }
0x99: {  	s19 =	simm.s32 $_scs_section_size  }
0x9a: {  	s4 =	simm.s32 $_size__tile_overlayer_lowered;
	s5 =	simm.s32 $_tile_overlayer_lowered  }
0x9b: {  	s22 =	simm.s32 $0x1BFF;
	s21 =	sshll.u32 s5, $0x1;
	s2 =	sadd.s32 s19, s18  }
0x9c: {  	s6 =	simm.s32 $0x0;
	s20 =	sshll.u32 s4, $0x1;
	s4 =	sadd.s32 s21, s2  }
0x9d: {  	[timem:s6], [sflag:s22] =	dma.local [hbm:s4], s20  }
0x9e: {  	_ =	swait.ge [sflag:s22], s20  }
0x9f: {  	s3 =	ssub.s32 $0x0, s20;
	[sflag:s22] =	ssyncset.done $0x0  }
0xa0: {  	[sflag:s22] =	ssyncadd.s32 s3;
	_ =	sdelay $0x1  }
0xa1: {  	s23 =	simm.s32 $0x1B8B  }
0xa2: {  	_ =	swait.ge [sflag:s23], $0x1  }
0xa3: {  	[sflag:s23] =	ssyncset.done $0x0  }
0xa4: {  	s25 =	simm.s32 $0x1B8E;
	s24 =	sld [smem:$0x3FFE];
	[sflag:s23] =	ssyncadd.s32 $0xFFFFFFFF  }
0xa5: {  	s26 =	simm.s32 $execute0_lowered;
	[smem:$0x3FD2] =	sst s25  }
0xa6: {  	s4 =	sshll.u32 s26, $0x1;
	_ =	strace $0x80000049;
	[dreg:$0x1] =	wrdreg $0xFFFFFFFF  }
0xa7: {  	s28 =	simm.s32 $_size_execute0_lowered;
	s2 =	sadd.s32 s2, s4;
	[dreg:$0x0] =	wrdreg $0x0  }
0xa8: {  	s4 =	sshll.u32 s28, $0x1;
	[dreg:$0x2] =	wrdreg s2  }
0xa9: {  	[dreg:$0x3] =	wrdreg s4  }
0xaa: {  	[dreg:$0x4] =	wrdreg $0xC0  }
0xab: {  	_ =	task [dreg:s6], $0x5FFFF  }
0xac: {  	[dreg:$0x1] =	wrdreg $0xFFFFFFFF  }
0xad: {  	[dreg:$0x0] =	wrdreg $0x60  }
0xae: {  	[dreg:$0x2] =	wrdreg s24  }
0xaf: {  	[dreg:$0x3] =	wrdreg $0x9  }
0xb0: {  	_ =	task.clear_ibuf [dreg:s6], $0x4FFFF;
	_ =	strace $0x90000049  }
0xb1: {  	s29 =	simm.s32 $0x9;
	_ =	strace $0x8000004B  }
0xb2: {  	_ =	swait.ge [sflag:s29], $0x1  }
0xb3: {  	[sflag:s29] =	ssyncadd.s32 $0xFFFFFFFF  }
0xb4: {  	_ =	strace $0x9000004B  }
0xb5: {  	_ =	sfence  }
0xb6: {  	s30 =	sld [smem:$0x0];
	_ =	sdelay $0x2  }
0xb7: {  	s31 =	sshll.u32 s1, $0xD;
	s1 =	sshrl.u32 s1, $0x2  }
0xb8: {  	s3 =	sand.u32 $0x4000, s31;
	s1 =	sadd.s32 s1, s30  }
0xb9: {  	s0 =	sor.u32 s3, s0;
	s1 =	sshll.u32 s1, $0x11  }
0xba: {  	s0 =	sor.u32 s1, s0  }
0xbb: {  	s0 =	sadd.s32 $0x8F2B, s0  }
0xbc: {  	[sflag:s0] =	ssyncadd.remote.s32 $0x1  }
0xbd: {  	_ =	sfence.sel $0xFFFF  }
0xbe: {  	[dreg:$0x0] =	wrdreg $0xFFFFFFFF;
	(pc) =	sbr.abs _section_cstart, $3  }
0xbf: {  	[dreg:$0x1] =	wrdreg $0xFFFFFFFF  }
0xc0: {  	_ =	task.clear_ibuf [dreg:s6], $0x2FFFF;
	_ =	strace $0x9FFFFFFF  }
0xc1: {  	(tm) =	ssettm $0x7FFFFFFF  }
tec
execute0_lowered:
.L_overlay_start_1:
0x0: {  	(tag) =	ssettag $0x1  }
0x1: {  	s0 =	srdreg.scid  }
0x2: {  	s2 =	simm.s32 $0x1;
	s6 =	rddreg [dreg:$0x0];
	s12 =	simm.s32 $0x80  }
0x3: {  	s13 =	simm.s32 $0x400;
	s14 =	simm.s32 $0x1800;
	s15 =	simm.s32 $0x3800  }
0x4: {  	s16 =	simm.s32 $0x5800;
	s17 =	simm.s32 $0x1000;
	s4 =	sand.u32 $0x1, s0  }
0x5: {  	s18 =	simm.s32 $0x800;
	s0 =	stileid.u32;
	s1 =	sshll.u32 s4, $0x4  }
0x6: {  	s19 =	simm.s32 $0x200;
	s5 =	sand.u32 $0x3, s0;
	s1 =	sor.u32 s0, s1  }
0x7: {  	s20 =	simm.s32 $0x0;
	p1 =	sne.s32 s5, $0x0;
	p0 =	seq.s32 s1, $0x0  }
0x8: {  	s4 =	ssub.s32 $0x2, s4;
	s10 =	sshll.u32 s5, $0x10;
	p0 =	por !p1, !p0  }
0x9: {  	s5 =	sshll.u32 s5, $0x7;
	s30 =	sshrl.u32 s4, $0x1;
	p0 =	por !p0, !p0  }
0xa: {  	s1 =	sshrl.u32 s1, $0x2;
	s31 =	ssub.s32 s4, s30;
	s2 =	simm.s32 @!p0 $0x0  }
0xb: {  	s7 =	ssub.s32 s1, s2;
	s1 =	rddreg [dreg:$0x1];
	s2 =	simm.s32 $0x0  }
0xc: {  	s8 =	sshrl.u32 s7, $0x3;
	s3 =	sshll.u32 s7, $0x7;
	[smem:$0x7FF] =	sst s2  }
0xd: {  	s7 =	sshll.u32 s7, $0xD;
	s9 =	sshll.u32 s8, $0x12;
	s11 =	sand.u32 $0x380, s3  }
0xe: {  	_ =	strace $0x8000004A;
	s3 =	simm.s32 $0x1;
	s8 =	sshll.u32 s8, $0xE  }
0xf: {  	s5 =	sor.u32 s5, s7;
	s26 =	sor.u32 s10, s9;
	s8 =	sor.u32 s11, s8  }
0x10: {  	s5 =	sshrl.u32 s5, $0x3;
	s9 =	sor.u32 s11, s26;
	s28 =	sshrl.u32 s8, $0x3  }
0x11: {  	s29 =	sadd.s32 s5, s6;
	s8 =	sshll.u32 s0, $0x9;
	s9 =	sshrl.u32 s9, $0x3  }
0x12: {  	s11 =	smax.u32 s31, $0x1;
	s7 =	sadd.s32 s28, s6;
	s9 =	sadd.s32 s9, s6  }
0x13: {  	s10 =	sadd.s32 $0x17000, s29;
	s4 =	sadd.s32 $0x14800, s7;
	s5 =	sadd.s32 $0xC800, s9  }
0x14: {  	v0 =	vimm.f32 $0.0e+00;
	v1 =	vimm.f32 $1.000000000e+00;
	s6 =	sadd.s32 $0x4800, s9;
	s7 =	sadd.s32 $0x422000, s9;
	s9 =	sadd.s32 $0x15000, s29  }
.LBB2_1:
0x15: {  	[tilespmem:s2], [sflag:$0x1] =	stream.strided.gather [hbm4b:s4+s12], $0x800, s13, s12, $0x38;
	[tilespmem:$0x7800] =	vst v63  }
0x16: {  	_ =	swait.ge [sflag:s3], $0x800  }
0x17: {  	[sflag:s3] =	ssyncset.done $0x0  }
0x18: {  	[sflag:s3] =	ssyncadd.s32 $0xFFFFF800  }
0x19: {  	[tilespmem:s14], [sflag:$0x1] =	stream.strided.gather [hbm4b:s5+s12], $0x2000, s13, s12, $0x38;
	[tilespmem:$0x7800] =	vst v63  }
0x1a: {  	_ =	swait.ge [sflag:s3], $0x2000  }
0x1b: {  	[sflag:s3] =	ssyncset.done $0x0  }
0x1c: {  	[sflag:s3] =	ssyncadd.s32 $0xFFFFE000  }
0x1d: {  	[tilespmem:s15], [sflag:$0x1] =	stream.strided.gather [hbm4b:s6+s12], $0x2000, s13, s12, $0x38;
	[tilespmem:$0x7800] =	vst v63  }
0x1e: {  	_ =	swait.ge [sflag:s3], $0x2000  }
0x1f: {  	[sflag:s3] =	ssyncset.done $0x0  }
0x20: {  	[sflag:s3] =	ssyncadd.s32 $0xFFFFE000  }
0x21: {  	[tilespmem:s16], [sflag:$0x1] =	stream.strided.gather [hbm4b:s7+s12], $0x2000, s13, s12, $0x38;
	[tilespmem:$0x7800] =	vst v63  }
0x22: {  	_ =	swait.ge [sflag:s3], $0x2000  }
0x23: {  	[sflag:s3] =	ssyncset.done $0x0  }
0x24: {  	s21 =	simm.s32 $0x40;
	s22 =	simm.s32 $0x0;
	[sflag:s3] =	ssyncadd.s32 $0xFFFFE000  }
.LBB2_2:
0x25: {  	p0 =	sne.s32 s21, $0x1FC0;
	[tilespmem:s22+$0x800] =	vst v0;
	s23 =	smov.u32 s21;
	s21 =	sadd.s32 $0x40, s21  }
.Ltmp0:
0x26: {  	[tilespmem:s22+$0x1000] =	vst v0;
	(pc) =	sbr.rel @p0 .LBB2_2-.Ltmp0, $2  }
0x27: {  	_ =	sdelay $0x2  }
0x28: {  	s22 =	sshra.s32 s23, $0x2  }
0x29: {  	s21 =	simm.s32 $0x0;
	s23 =	sadd.s32 $0x0, s8  }
0x2a: {  	[tilespmem:s22+$0x800] =	vst v0;
	s23 =	sand.u32 $0x780, s23;
	s24 =	sand.u32 $0x70, s21  }
0x2b: {  	[tilespmem:s22+$0x1000] =	vst v0;
	s31 =	sor.u32 s24, s23  }
0x2c: {  	v2 =	vld [tilespmem:s31+$0x0];
	_ =	sdelay $0x4  }
0x2d: {  	v2 =	vtrunc.f32 v2  }
0x2e: {  	v2 =	vcvt.f32.s32 v2;
	_ =	sdelay $0x3  }
0x2f: {  	s22 =	simm.s32 $0x10;
	s24 =	sadd.s32 $0x10, s8;
	s23 =	simm.s32 $0x20  }
.LBB2_4:
0x30: {  	p0 =	sne.s32 s23, $0x1F0;
	s24 =	sand.u32 $0x780, s24;
	s22 =	sand.u32 $0x70, s22  }
0x31: {  	s24 =	sor.u32 s22, s24;
	[tilespmem:v2+s17+$0x0] =	vst.idx.add.f32.msk $0xffff, v1;
	s22 =	smov.u32 s23  }
0x32: {  	v2 =	vld [tilespmem:s24+$0x0];
	_ =	sdelay $0x4  }
0x33: {  	v2 =	vtrunc.f32 v2  }
.Ltmp1:
0x34: {  	v2 =	vcvt.f32.s32 v2;
	(pc) =	sbr.rel @p0 .LBB2_4-.Ltmp1, $2  }
0x35: {  	_ =	sdelay $0x2  }
0x36: {  	s23 =	sadd.s32 $0x10, s23;
	s24 =	sadd.s32 s22, s8  }
0x37: {  	_ =	sdelay $0x2  }
0x38: {  	s23 =	sand.u32 $0x780, s24;
	s22 =	sand.u32 $0x70, s22  }
0x39: {  	[tilespmem:v2+s17+$0x0] =	vst.idx.add.f32.msk $0xffff, v1;
	s22 =	sor.u32 s22, s23  }
0x3a: {  	v2 =	vld [tilespmem:s22+$0x0];
	_ =	sdelay $0x4  }
0x3b: {  	v2 =	vtrunc.f32 v2  }
0x3c: {  	v2 =	vcvt.f32.s32 v2;
	_ =	sdelay $0x5  }
0x3d: {  	[tilespmem:v2+s17+$0x0] =	vst.idx.add.f32.msk $0xffff, v1  }
.LBB2_6:
0x3e: {  	s22 =	sshra.s32 s21, $0x2  }
0x3f: {  	v2 =	vld [tilespmem:s22+$0x3800];
	_ =	sdelay $0x5  }
0x40: {  	v3 =	vld [tilespmem:s22+$0x1800]  }
0x41: {  	v4 =	vld [tilespmem:s22+$0x5800]  }
0x42: {  	v2 =	vld.idx.msk [tilespmem:v2+s2+$0x0], $0xffff;
	_ =	sdelay $0x4  }
0x43: {  	v2 =	vmul.f32 v2, v4;
	_ =	sdelay $0x1  }
0x44: {  	[tilespmem:v3+s18+$0x0] =	vst.idx.add.f32.msk $0xffff, v2  }
0x45: {  	v2 =	vld [tilespmem:s22+$0x3810];
	_ =	sdelay $0x5  }
0x46: {  	v3 =	vld [tilespmem:s22+$0x1810]  }
0x47: {  	v57 =	vld [tilespmem:s22+$0x5810]  }
0x48: {  	v2 =	vld.idx.msk [tilespmem:v2+s2+$0x0], $0xffff;
	_ =	sdelay $0x4  }
0x49: {  	v2 =	vmul.f32 v2, v57;
	_ =	sdelay $0x1  }
0x4a: {  	[tilespmem:v3+s18+$0x0] =	vst.idx.add.f32.msk $0xffff, v2  }
0x4b: {  	v2 =	vld [tilespmem:s22+$0x3820];
	_ =	sdelay $0x5  }
0x4c: {  	v3 =	vld [tilespmem:s22+$0x1820]  }
0x4d: {  	v58 =	vld [tilespmem:s22+$0x5820]  }
0x4e: {  	v2 =	vld.idx.msk [tilespmem:v2+s2+$0x0], $0xffff;
	_ =	sdelay $0x4  }
0x4f: {  	v2 =	vmul.f32 v2, v58;
	_ =	sdelay $0x1  }
0x50: {  	[tilespmem:v3+s18+$0x0] =	vst.idx.add.f32.msk $0xffff, v2  }
0x51: {  	v2 =	vld [tilespmem:s22+$0x3830];
	_ =	sdelay $0x5  }
0x52: {  	v3 =	vld [tilespmem:s22+$0x1830]  }
0x53: {  	v59 =	vld [tilespmem:s22+$0x5830]  }
0x54: {  	v2 =	vld.idx.msk [tilespmem:v2+s2+$0x0], $0xffff;
	_ =	sdelay $0x4  }
0x55: {  	v2 =	vmul.f32 v2, v59;
	_ =	sdelay $0x1  }
0x56: {  	[tilespmem:v3+s18+$0x0] =	vst.idx.add.f32.msk $0xffff, v2  }
0x57: {  	v2 =	vld [tilespmem:s22+$0x3840];
	_ =	sdelay $0x5  }
0x58: {  	v3 =	vld [tilespmem:s22+$0x1840]  }
0x59: {  	v60 =	vld [tilespmem:s22+$0x5840]  }
0x5a: {  	v2 =	vld.idx.msk [tilespmem:v2+s2+$0x0], $0xffff;
	_ =	sdelay $0x4  }
0x5b: {  	v2 =	vmul.f32 v2, v60;
	_ =	sdelay $0x1  }
0x5c: {  	[tilespmem:v3+s18+$0x0] =	vst.idx.add.f32.msk $0xffff, v2  }
0x5d: {  	v2 =	vld [tilespmem:s22+$0x3850];
	_ =	sdelay $0x5  }
0x5e: {  	v3 =	vld [tilespmem:s22+$0x1850]  }
0x5f: {  	v61 =	vld [tilespmem:s22+$0x5850]  }
0x60: {  	v2 =	vld.idx.msk [tilespmem:v2+s2+$0x0], $0xffff;
	_ =	sdelay $0x4  }
0x61: {  	v2 =	vmul.f32 v2, v61;
	_ =	sdelay $0x1  }
0x62: {  	[tilespmem:v3+s18+$0x0] =	vst.idx.add.f32.msk $0xffff, v2  }
0x63: {  	v2 =	vld [tilespmem:s22+$0x3860];
	_ =	sdelay $0x5  }
0x64: {  	v3 =	vld [tilespmem:s22+$0x1860]  }
0x65: {  	v62 =	vld [tilespmem:s22+$0x5860]  }
0x66: {  	v2 =	vld.idx.msk [tilespmem:v2+s2+$0x0], $0xffff;
	_ =	sdelay $0x4  }
0x67: {  	v2 =	vmul.f32 v2, v62;
	_ =	sdelay $0x1  }
0x68: {  	[tilespmem:v3+s18+$0x0] =	vst.idx.add.f32.msk $0xffff, v2  }
0x69: {  	v2 =	vld [tilespmem:s22+$0x3870];
	_ =	sdelay $0x5  }
0x6a: {  	v3 =	vld [tilespmem:s22+$0x1870]  }
0x6b: {  	v63 =	vld [tilespmem:s22+$0x5870]  }
0x6c: {  	v2 =	vld.idx.msk [tilespmem:v2+s2+$0x0], $0xffff;
	_ =	sdelay $0x1  }
0x6d: {  	p0 =	sne.s32 s21, $0x7E00  }
.Ltmp2:
0x6e: {  	_ = 	snop;
	(pc) =	sbr.rel @p0 .LBB2_6-.Ltmp2, $3  }
0x6f: {  	_ = 	snop  }
0x70: {  	v2 =	vmul.f32 v2, v63;
	_ =	sdelay $0x1  }
0x71: {  	s21 =	sadd.s32 $0x200, s21;
	[tilespmem:v3+s18+$0x0] =	vst.idx.add.f32.msk $0xffff, v2  }
0x72: {  	[hbm4b:s9+s12] =	stream.strided.scatter [tilespmem:s18], [sflag:$0x1], $0x800, s19, s12, $0x38;
	[tilespmem:$0x7800] =	vst v63  }
0x73: {  	s20 =	sadd.s32 $0x1, s20;
	_ =	swait.ge [sflag:s3], $0x800  }
0x74: {  	p0 =	sne.s32 s20, s11;
	[sflag:s3] =	ssyncset.done $0x0  }
.Ltmp3:
0x75: {  	[sflag:s3] =	ssyncadd.s32 $0xFFFFF800;
	(pc) =	sbr.rel @p0 .LBB2_1-.Ltmp3, $4  }
0x76: {  	[hbm4b:s10+s12] =	stream.strided.scatter [tilespmem:s17], [sflag:$0x1], $0x800, s19, s12, $0x38;
	[tilespmem:$0x7800] =	vst v63  }
0x77: {  	_ =	swait.ge [sflag:s3], $0x800  }
0x78: {  	[sflag:s3] =	ssyncset.done $0x0  }
0x79: {  	[sflag:s3] =	ssyncadd.s32 $0xFFFFF800  }
0x7a: {  	_ =	sfence.sel $0x180000  }
0x7b: {  	[bflag:$0x0] =	sbarrier.arrive $0xFFFF  }
0x7c: {  	p0 =	sne.s32 s0, $0x0;
	_ =	strace $0x9000004A  }
0x7d: {  	s0 =	sadd.s32 @!p0 $0x100000, s1;
	[bflag:$0x2] =	sbarrier.arrive $0xFFFF  }
0x7e: {  	[sflag:s0] =	ssyncadd.tile.s32 @!p0 $0x1;
	_ =	shalt  }
.Lfunc_end2:
_tile_overlayer_lowered:
.L_overlay_start_2:
0x7f: {  	(tag) =	ssettag $0x2  }
0x80: {  	s0 =	rddreg [dreg:$0x0];
	s2 =	stileid.u32  }
0x81: {  	s1 =	rddreg [dreg:$0x1];
	p0 =	sne.s32 s2, $0x0  }
0x82: {  	s3 =	rddreg [dreg:$0x2];
	[bflag:$0x3] =	sbarrier.arrive $0xFFFF;
	s2 =	simm.s32 @!p0 $0x1C01  }
0x83: {  	[timem:s3], [sflag:s2] =	dma.local @!p0 [hbm:s0], s1  }
0x84: {  	s0 =	simm.s32 @!p0 $0x1  }
0x85: {  	_ =	swait.ge @!p0 [sflag:s0], s1  }
0x86: {  	s1 =	ssub.s32 @!p0 $0x0, s1;
	[sflag:s0] =	ssyncset.done @!p0 $0x0  }
0x87: {  	[sflag:s0] =	ssyncadd.s32 @!p0 s1  }
0x88: {  	[bflag:$0x3] =	sbarrier.arrive $0xFFFF  }
0x89: {  	_ =	shalt  }

// kernel: kernel.19.cloned.1.call-start
scs
__scs_entry_jumppad:
0x0: {  	(pc) =	sbr.rel $0x88, $3  }
0x1: {  	(tag) =	ssettag $0x0;
	lr =	simm.s32 $0x1  }
0x2: {  	[smem:$0x3F9E] =	sst lr;
	_ =	strace $0xD0000000  }
0x3: {  	_ = 	snop  }
0x4: {  	_ = 	snop  }
0x5: {  	_ = 	snop  }
0x6: {  	_ = 	snop  }
0x7: {  	_ = 	snop  }
__scs_overlays_trampoline_lowered:
0x8: {  	[smem:$0x3FAD] =	sst s0  }
0x9: {  	[smem:$0x3FAE] =	sst s1  }
0xa: {  	[smem:$0x3FAF] =	sst s2  }
0xb: {  	[smem:$0x3FB0] =	sst s3  }
0xc: {  	[smem:$0x3FB1] =	sst s4  }
0xd: {  	[smem:$0x3FB2] =	sst s5  }
0xe: {  	[smem:$0x3FB3] =	sst s6  }
0xf: {  	[smem:$0x3FB4] =	sst s7  }
0x10: {  	[smem:$0x3FB5] =	sst s8  }
0x11: {  	[smem:$0x3FB6] =	sst s9;
	s0 =	simm.s32 @!p0 $0x0  }
0x12: {  	s1 =	sld [smem:$0x3F9C];
	s0 =	simm.s32 @p0 $0x1  }
0x13: {  	[smem:$0x3FB7] =	sst s0;
	s0 =	simm.s32 @!p1 $0x0  }
0x14: {  	s2 =	sld [smem:$0x3F9B];
	s0 =	simm.s32 @p1 $0x1  }
0x15: {  	[smem:$0x3FB8] =	sst s0;
	s0 =	simm.s32 @!p2 $0x0  }
0x16: {  	s3 =	sld [smem:$0x3FDB];
	s0 =	simm.s32 @p2 $0x1  }
0x17: {  	s4 =	simm.s32 $0x1BF5;
	[smem:$0x3FBA] =	sst s0  }
0x18: {  	s0 =	sld [smem:$0x3F9D];
	_ =	swait.ge [sflag:s4], $0x0  }
0x19: {  	s7 =	sld [smem:$0x3F9E]  }
0x1a: {  	s8 =	sadd.s32 $0xFFFFE003, lr  }
0x1b: {  	s9 =	sadd.s32 $0xFFFFFEF7, lr;
	s5 =	simm.s32 $0xFFFFFFFF;
	p2 =	slt.u32 s8, $0xFFFFF086  }
0x1c: {  	p1 =	slt.u32 s9, $0xF7A;
	s5 =	simm.s32 @!p2 $0x0  }
0x1d: {  	s5 =	simm.s32 @p1 $0x1;
	p0 =	seq.s32 s7, s2  }
0x1e: {  	s7 =	smul.u32 @!p0 $0xF7A, s2;
	p2 =	seq.s32 @!p0 s5, $0x0  }
0x1f: {  	s9 =	smul.u32 $0xF7A, s1;
	s8 =	simm.s32 @!p0 $0x1BF5;
	p2 =	por !p2, p0  }
0x20: {  	[sflag:s8] =	ssyncset.s32 @!p0 $0xFFFFF086;
	s6 =	sadd.s32 @!p0 s3, s7;
	s7 =	simm.s32 @!p0 $0x108  }
0x21: {  	s3 =	sadd.s32 s3, s9;
	s6 =	sadd.s32 @!p0 $0x88, s6;
	s7 =	simm.s32 @p2 $0x1082  }
0x22: {  	[simem:s7], [sflag:s8] =	dma.local @!p0 [hbm:s6], $0xF7A  }
0x23: {  	s9 =	sor.u32 $0xD0000000, s2;
	s6 =	simm.s32 $0x108;
	_ =	swait.ge @!p0 [sflag:s8], $0x0  }
0x24: {  	s3 =	sadd.s32 $0x88, s3;
	s6 =	simm.s32 @!p1 $0x1082;
	[sflag:s4] =	ssyncset.s32 $0xFFFFF086  }
0x25: {  	[simem:s6], [sflag:s4] =	dma.local [hbm:s3], $0xF7A  }
0x26: {  	[smem:$0x3F9E] =	sst s1;
	(tag) =	ssettag s2;
	_ =	strace s9  }
0x27: {  	s1 =	sld [smem:$0x3FAE]  }
0x28: {  	s2 =	sld [smem:$0x3FAF]  }
0x29: {  	s4 =	sld [smem:$0x3FB1]  }
0x2a: {  	p0 =	seq.s32 s5, $0x0;
	s5 =	sld [smem:$0x3FB2]  }
0x2b: {  	s6 =	sld [smem:$0x3FB3]  }
0x2c: {  	s7 =	sld [smem:$0x3FB4]  }
0x2d: {  	s3 =	simm.s32 $0x108;
	s8 =	sld [smem:$0x3FB5]  }
0x2e: {  	s3 =	simm.s32 @!p0 $0x1082;
	s9 =	sld [smem:$0x3FB6]  }
0x2f: {  	lr =	sadd.s32 s0, s3;
	s0 =	sld [smem:$0x3FAD]  }
0x30: {  	s3 =	sld [smem:$0x3FB0]  }
0x31: {  	[smem:$0x3FB9] =	sst s10  }
0x32: {  	s10 =	sld [smem:$0x3FB7];
	_ =	sdelay $0x3  }
0x33: {  	p0 =	seq.s32 s10, $0x1;
	s10 =	sld [smem:$0x3FB9];
	_ =	sdelay $0x3  }
0x34: {  	[smem:$0x3FB9] =	sst s10  }
0x35: {  	s10 =	sld [smem:$0x3FB8];
	_ =	sdelay $0x3  }
0x36: {  	p1 =	seq.s32 s10, $0x1;
	s10 =	sld [smem:$0x3FB9];
	_ =	sdelay $0x3  }
0x37: {  	[smem:$0x3FB9] =	sst s10  }
0x38: {  	s10 =	sld [smem:$0x3FBA]  }
0x39: {  	_ = 	snop;
	(pc) =	sbr.ind lr, $3  }
0x3a: {  	_ = 	snop  }
0x3b: {  	_ = 	snop  }
0x3c: {  	p2 =	seq.s32 s10, $0x1;
	s10 =	sld [smem:$0x3FB9]  }
0x3d: {  	_ =	shalt  }
0x3e: {  	_ =	shalt  }
0x3f: {  	_ =	shalt  }
0x40: {  	_ =	shalt  }
0x41: {  	_ =	shalt  }
0x42: {  	_ =	shalt  }
0x43: {  	_ =	shalt  }
0x44: {  	_ =	shalt  }
0x45: {  	_ =	shalt  }
0x46: {  	_ =	shalt  }
0x47: {  	_ =	shalt  }
0x48: {  	_ =	shalt  }
0x49: {  	_ =	shalt  }
0x4a: {  	_ =	shalt  }
0x4b: {  	_ =	shalt  }
0x4c: {  	_ =	shalt  }
0x4d: {  	_ =	shalt  }
0x4e: {  	_ =	shalt  }
0x4f: {  	_ =	shalt  }
0x50: {  	_ =	shalt  }
0x51: {  	_ =	shalt  }
0x52: {  	_ =	shalt  }
0x53: {  	_ =	shalt  }
0x54: {  	_ =	shalt  }
0x55: {  	_ =	shalt  }
0x56: {  	_ =	shalt  }
0x57: {  	_ =	shalt  }
0x58: {  	_ =	shalt  }
0x59: {  	_ =	shalt  }
0x5a: {  	_ =	shalt  }
0x5b: {  	_ =	shalt  }
0x5c: {  	_ =	shalt  }
0x5d: {  	_ =	shalt  }
0x5e: {  	_ =	shalt  }
0x5f: {  	_ =	shalt  }
0x60: {  	_ =	shalt  }
0x61: {  	_ =	shalt  }
0x62: {  	_ =	shalt  }
0x63: {  	_ =	shalt  }
0x64: {  	_ =	shalt  }
0x65: {  	_ =	shalt  }
0x66: {  	_ =	shalt  }
0x67: {  	_ =	shalt  }
0x68: {  	_ =	shalt  }
0x69: {  	_ =	shalt  }
0x6a: {  	_ =	shalt  }
0x6b: {  	_ =	shalt  }
0x6c: {  	_ =	shalt  }
0x6d: {  	_ =	shalt  }
0x6e: {  	_ =	shalt  }
0x6f: {  	_ =	shalt  }
0x70: {  	_ =	shalt  }
0x71: {  	_ =	shalt  }
0x72: {  	_ =	shalt  }
0x73: {  	_ =	shalt  }
0x74: {  	_ =	shalt  }
0x75: {  	_ =	shalt  }
0x76: {  	_ =	shalt  }
0x77: {  	_ =	shalt  }
0x78: {  	_ =	shalt  }
0x79: {  	_ =	shalt  }
0x7a: {  	_ =	shalt  }
0x7b: {  	_ =	shalt  }
0x7c: {  	_ =	shalt  }
0x7d: {  	_ =	shalt  }
0x7e: {  	_ =	shalt  }
0x7f: {  	_ =	shalt  }
0x80: {  	_ =	shalt  }
0x81: {  	_ =	shalt  }
0x82: {  	_ =	shalt  }
0x83: {  	_ =	shalt  }
0x84: {  	_ =	shalt  }
0x85: {  	_ =	shalt  }
0x86: {  	_ =	shalt  }
0x87: {  	_ =	shalt  }
.Lfunc_end0:
.L_simem_size_0:
called_computation.2_lowered:
.L_overlay_start_0:
0x88: {  	s2 =	sld [smem:$0x3FD9]  }
0x89: {  	s3 =	sld [smem:$0x3FFE];
	_ =	sdelay $0x1  }
0x8a: {  	s1 =	srdreg.scid  }
0x8b: {  	s0 =	sand.u32 $0x1, s1  }
0x8c: {  	s16 =	sshll.u32 s0, $0xA;
	s2 =	sadd.s32 s3, s2  }
0x8d: {  	s2 =	sadd.s32 s2, s16  }
0x8e: {  	[smem:$0x3FC5] =	sst s2  }
0x8f: {  	_ = 	snop  }
0x90: {  	(tm) =	ssettm $0x1  }
0x91: {  	s17 =	sld [smem:$0x3FFB];
	_ =	sdelay $0x3  }
0x92: {  	_ =	strace s17  }
0x93: {  	s2 =	sld [smem:$0x3FFC];
	_ =	sdelay $0x3  }
0x94: {  	_ =	strace s2  }
0x95: {  	s2 =	sld [smem:$0x3FFD];
	_ =	sdelay $0x3  }
0x96: {  	_ =	strace s2  }
0x97: {  	_ =	strace $0x8FFFFFFF  }
0x98: {  	s18 =	sld [smem:$0x3FDB];
	_ =	sdelay $0x1  }
0x99: {  	s19 =	simm.s32 $_scs_section_size  }
0x9a: {  	s4 =	simm.s32 $_size__tile_overlayer_lowered;
	s5 =	simm.s32 $_tile_overlayer_lowered  }
0x9b: {  	s22 =	simm.s32 $0x1BFF;
	s21 =	sshll.u32 s5, $0x1;
	s2 =	sadd.s32 s19, s18  }
0x9c: {  	s6 =	simm.s32 $0x0;
	s20 =	sshll.u32 s4, $0x1;
	s4 =	sadd.s32 s21, s2  }
0x9d: {  	[timem:s6], [sflag:s22] =	dma.local [hbm:s4], s20  }
0x9e: {  	_ =	swait.ge [sflag:s22], s20  }
0x9f: {  	s3 =	ssub.s32 $0x0, s20;
	[sflag:s22] =	ssyncset.done $0x0  }
0xa0: {  	[sflag:s22] =	ssyncadd.s32 s3;
	_ =	sdelay $0x1  }
0xa1: {  	s23 =	simm.s32 $0x1B8B  }
0xa2: {  	_ =	swait.ge [sflag:s23], $0x1  }
0xa3: {  	[sflag:s23] =	ssyncset.done $0x0  }
0xa4: {  	s25 =	simm.s32 $0x1B8E;
	s24 =	sld [smem:$0x3FFE];
	[sflag:s23] =	ssyncadd.s32 $0xFFFFFFFF  }
0xa5: {  	s26 =	simm.s32 $execute0_lowered;
	[smem:$0x3FD2] =	sst s25  }
0xa6: {  	s4 =	sshll.u32 s26, $0x1;
	_ =	strace $0x8000004C;
	[dreg:$0x1] =	wrdreg $0xFFFFFFFF  }
0xa7: {  	s28 =	simm.s32 $_size_execute0_lowered;
	s2 =	sadd.s32 s2, s4;
	[dreg:$0x0] =	wrdreg $0x0  }
0xa8: {  	s4 =	sshll.u32 s28, $0x1;
	[dreg:$0x2] =	wrdreg s2  }
0xa9: {  	[dreg:$0x3] =	wrdreg s4  }
0xaa: {  	[dreg:$0x4] =	wrdreg $0xC0  }
0xab: {  	_ =	task [dreg:s6], $0x5FFFF  }
0xac: {  	[dreg:$0x1] =	wrdreg $0xFFFFFFFF  }
0xad: {  	[dreg:$0x0] =	wrdreg $0x60  }
0xae: {  	[dreg:$0x2] =	wrdreg s24  }
0xaf: {  	[dreg:$0x3] =	wrdreg $0x9  }
0xb0: {  	_ =	task.clear_ibuf [dreg:s6], $0x4FFFF;
	_ =	strace $0x9000004C  }
0xb1: {  	s29 =	simm.s32 $0x9;
	_ =	strace $0x8000004E  }
0xb2: {  	_ =	swait.ge [sflag:s29], $0x1  }
0xb3: {  	[sflag:s29] =	ssyncadd.s32 $0xFFFFFFFF  }
0xb4: {  	_ =	strace $0x9000004E  }
0xb5: {  	_ =	sfence  }
0xb6: {  	s30 =	sld [smem:$0x0];
	_ =	sdelay $0x2  }
0xb7: {  	s31 =	sshll.u32 s1, $0xD;
	s1 =	sshrl.u32 s1, $0x2  }
0xb8: {  	s3 =	sand.u32 $0x4000, s31;
	s1 =	sadd.s32 s1, s30  }
0xb9: {  	s0 =	sor.u32 s3, s0;
	s1 =	sshll.u32 s1, $0x11  }
0xba: {  	s0 =	sor.u32 s1, s0  }
0xbb: {  	s0 =	sadd.s32 $0x8F2B, s0  }
0xbc: {  	[sflag:s0] =	ssyncadd.remote.s32 $0x1  }
0xbd: {  	_ =	sfence.sel $0xFFFF  }
0xbe: {  	[dreg:$0x0] =	wrdreg $0xFFFFFFFF;
	(pc) =	sbr.abs _section_cstart, $3  }
0xbf: {  	[dreg:$0x1] =	wrdreg $0xFFFFFFFF  }
0xc0: {  	_ =	task.clear_ibuf [dreg:s6], $0x2FFFF;
	_ =	strace $0x9FFFFFFF  }
0xc1: {  	(tm) =	ssettm $0x7FFFFFFF  }
tec
execute0_lowered:
.L_overlay_start_1:
0x0: {  	(tag) =	ssettag $0x1  }
0x1: {  	s0 =	srdreg.scid  }
0x2: {  	s2 =	simm.s32 $0x1;
	s6 =	rddreg [dreg:$0x0];
	s12 =	simm.s32 $0x80  }
0x3: {  	s13 =	simm.s32 $0x400;
	s14 =	simm.s32 $0x1800;
	s15 =	simm.s32 $0x3800  }
0x4: {  	s16 =	simm.s32 $0x5800;
	s17 =	simm.s32 $0x1000;
	s4 =	sand.u32 $0x1, s0  }
0x5: {  	s18 =	simm.s32 $0x800;
	s0 =	stileid.u32;
	s1 =	sshll.u32 s4, $0x4  }
0x6: {  	s19 =	simm.s32 $0x200;
	s5 =	sand.u32 $0x3, s0;
	s1 =	sor.u32 s0, s1  }
0x7: {  	s20 =	simm.s32 $0x0;
	p1 =	sne.s32 s5, $0x0;
	p0 =	seq.s32 s1, $0x0  }
0x8: {  	s4 =	ssub.s32 $0x2, s4;
	s10 =	sshll.u32 s5, $0x10;
	p0 =	por !p1, !p0  }
0x9: {  	s5 =	sshll.u32 s5, $0x7;
	s30 =	sshrl.u32 s4, $0x1;
	p0 =	por !p0, !p0  }
0xa: {  	s1 =	sshrl.u32 s1, $0x2;
	s31 =	ssub.s32 s4, s30;
	s2 =	simm.s32 @!p0 $0x0  }
0xb: {  	s7 =	ssub.s32 s1, s2;
	s1 =	rddreg [dreg:$0x1];
	s2 =	simm.s32 $0x0  }
0xc: {  	s8 =	sshrl.u32 s7, $0x3;
	s3 =	sshll.u32 s7, $0x7;
	[smem:$0x7FF] =	sst s2  }
0xd: {  	s7 =	sshll.u32 s7, $0xD;
	s9 =	sshll.u32 s8, $0x12;
	s11 =	sand.u32 $0x380, s3  }
0xe: {  	_ =	strace $0x8000004D;
	s3 =	simm.s32 $0x1;
	s8 =	sshll.u32 s8, $0xE  }
0xf: {  	s5 =	sor.u32 s5, s7;
	s26 =	sor.u32 s10, s9;
	s8 =	sor.u32 s11, s8  }
0x10: {  	s5 =	sshrl.u32 s5, $0x3;
	s9 =	sor.u32 s11, s26;
	s28 =	sshrl.u32 s8, $0x3  }
0x11: {  	s29 =	sadd.s32 s5, s6;
	s8 =	sshll.u32 s0, $0x9;
	s9 =	sshrl.u32 s9, $0x3  }
0x12: {  	s11 =	smax.u32 s31, $0x1;
	s7 =	sadd.s32 s28, s6;
	s9 =	sadd.s32 s9, s6  }
0x13: {  	s10 =	sadd.s32 $0x19000, s29;
	s4 =	sadd.s32 $0x14800, s7;
	s5 =	sadd.s32 $0xC800, s9  }
0x14: {  	v0 =	vimm.f32 $0.0e+00;
	v1 =	vimm.f32 $1.000000000e+00;
	s6 =	sadd.s32 $0x4800, s9;
	s7 =	sadd.s32 $0x422000, s9;
	s9 =	sadd.s32 $0x15000, s29  }
.LBB2_1:
0x15: {  	[tilespmem:s2], [sflag:$0x1] =	stream.strided.gather [hbm4b:s4+s12], $0x800, s13, s12, $0x38;
	[tilespmem:$0x7800] =	vst v63  }
0x16: {  	_ =	swait.ge [sflag:s3], $0x800  }
0x17: {  	[sflag:s3] =	ssyncset.done $0x0  }
0x18: {  	[sflag:s3] =	ssyncadd.s32 $0xFFFFF800  }
0x19: {  	[tilespmem:s14], [sflag:$0x1] =	stream.strided.gather [hbm4b:s5+s12], $0x2000, s13, s12, $0x38;
	[tilespmem:$0x7800] =	vst v63  }
0x1a: {  	_ =	swait.ge [sflag:s3], $0x2000  }
0x1b: {  	[sflag:s3] =	ssyncset.done $0x0  }
0x1c: {  	[sflag:s3] =	ssyncadd.s32 $0xFFFFE000  }
0x1d: {  	[tilespmem:s15], [sflag:$0x1] =	stream.strided.gather [hbm4b:s6+s12], $0x2000, s13, s12, $0x38;
	[tilespmem:$0x7800] =	vst v63  }
0x1e: {  	_ =	swait.ge [sflag:s3], $0x2000  }
0x1f: {  	[sflag:s3] =	ssyncset.done $0x0  }
0x20: {  	[sflag:s3] =	ssyncadd.s32 $0xFFFFE000  }
0x21: {  	[tilespmem:s16], [sflag:$0x1] =	stream.strided.gather [hbm4b:s7+s12], $0x2000, s13, s12, $0x38;
	[tilespmem:$0x7800] =	vst v63  }
0x22: {  	_ =	swait.ge [sflag:s3], $0x2000  }
0x23: {  	[sflag:s3] =	ssyncset.done $0x0  }
0x24: {  	s21 =	simm.s32 $0x40;
	s22 =	simm.s32 $0x0;
	[sflag:s3] =	ssyncadd.s32 $0xFFFFE000  }
.LBB2_2:
0x25: {  	p0 =	sne.s32 s21, $0x1FC0;
	[tilespmem:s22+$0x800] =	vst v0;
	s23 =	smov.u32 s21;
	s21 =	sadd.s32 $0x40, s21  }
.Ltmp0:
0x26: {  	[tilespmem:s22+$0x1000] =	vst v0;
	(pc) =	sbr.rel @p0 .LBB2_2-.Ltmp0, $2  }
0x27: {  	_ =	sdelay $0x2  }
0x28: {  	s22 =	sshra.s32 s23, $0x2  }
0x29: {  	s21 =	simm.s32 $0x0;
	s23 =	sadd.s32 $0x0, s8  }
0x2a: {  	[tilespmem:s22+$0x800] =	vst v0;
	s23 =	sand.u32 $0x780, s23;
	s24 =	sand.u32 $0x70, s21  }
0x2b: {  	[tilespmem:s22+$0x1000] =	vst v0;
	s31 =	sor.u32 s24, s23  }
0x2c: {  	v2 =	vld [tilespmem:s31+$0x0];
	_ =	sdelay $0x4  }
0x2d: {  	v2 =	vtrunc.f32 v2  }
0x2e: {  	v2 =	vcvt.f32.s32 v2;
	_ =	sdelay $0x3  }
0x2f: {  	s22 =	simm.s32 $0x10;
	s24 =	sadd.s32 $0x10, s8;
	s23 =	simm.s32 $0x20  }
.LBB2_4:
0x30: {  	p0 =	sne.s32 s23, $0x1F0;
	s24 =	sand.u32 $0x780, s24;
	s22 =	sand.u32 $0x70, s22  }
0x31: {  	s24 =	sor.u32 s22, s24;
	[tilespmem:v2+s17+$0x0] =	vst.idx.add.f32.msk $0xffff, v1;
	s22 =	smov.u32 s23  }
0x32: {  	v2 =	vld [tilespmem:s24+$0x0];
	_ =	sdelay $0x4  }
0x33: {  	v2 =	vtrunc.f32 v2  }
.Ltmp1:
0x34: {  	v2 =	vcvt.f32.s32 v2;
	(pc) =	sbr.rel @p0 .LBB2_4-.Ltmp1, $2  }
0x35: {  	_ =	sdelay $0x2  }
0x36: {  	s23 =	sadd.s32 $0x10, s23;
	s24 =	sadd.s32 s22, s8  }
0x37: {  	_ =	sdelay $0x2  }
0x38: {  	s23 =	sand.u32 $0x780, s24;
	s22 =	sand.u32 $0x70, s22  }
0x39: {  	[tilespmem:v2+s17+$0x0] =	vst.idx.add.f32.msk $0xffff, v1;
	s22 =	sor.u32 s22, s23  }
0x3a: {  	v2 =	vld [tilespmem:s22+$0x0];
	_ =	sdelay $0x4  }
0x3b: {  	v2 =	vtrunc.f32 v2  }
0x3c: {  	v2 =	vcvt.f32.s32 v2;
	_ =	sdelay $0x5  }
0x3d: {  	[tilespmem:v2+s17+$0x0] =	vst.idx.add.f32.msk $0xffff, v1  }
.LBB2_6:
0x3e: {  	s22 =	sshra.s32 s21, $0x2  }
0x3f: {  	v2 =	vld [tilespmem:s22+$0x3800];
	_ =	sdelay $0x5  }
0x40: {  	v3 =	vld [tilespmem:s22+$0x1800]  }
0x41: {  	v4 =	vld [tilespmem:s22+$0x5800]  }
0x42: {  	v2 =	vld.idx.msk [tilespmem:v2+s2+$0x0], $0xffff;
	_ =	sdelay $0x4  }
0x43: {  	v2 =	vmul.f32 v2, v4;
	_ =	sdelay $0x1  }
0x44: {  	[tilespmem:v3+s18+$0x0] =	vst.idx.add.f32.msk $0xffff, v2  }
0x45: {  	v2 =	vld [tilespmem:s22+$0x3810];
	_ =	sdelay $0x5  }
0x46: {  	v3 =	vld [tilespmem:s22+$0x1810]  }
0x47: {  	v57 =	vld [tilespmem:s22+$0x5810]  }
0x48: {  	v2 =	vld.idx.msk [tilespmem:v2+s2+$0x0], $0xffff;
	_ =	sdelay $0x4  }
0x49: {  	v2 =	vmul.f32 v2, v57;
	_ =	sdelay $0x1  }
0x4a: {  	[tilespmem:v3+s18+$0x0] =	vst.idx.add.f32.msk $0xffff, v2  }
0x4b: {  	v2 =	vld [tilespmem:s22+$0x3820];
	_ =	sdelay $0x5  }
0x4c: {  	v3 =	vld [tilespmem:s22+$0x1820]  }
0x4d: {  	v58 =	vld [tilespmem:s22+$0x5820]  }
0x4e: {  	v2 =	vld.idx.msk [tilespmem:v2+s2+$0x0], $0xffff;
	_ =	sdelay $0x4  }
0x4f: {  	v2 =	vmul.f32 v2, v58;
	_ =	sdelay $0x1  }
0x50: {  	[tilespmem:v3+s18+$0x0] =	vst.idx.add.f32.msk $0xffff, v2  }
0x51: {  	v2 =	vld [tilespmem:s22+$0x3830];
	_ =	sdelay $0x5  }
0x52: {  	v3 =	vld [tilespmem:s22+$0x1830]  }
0x53: {  	v59 =	vld [tilespmem:s22+$0x5830]  }
0x54: {  	v2 =	vld.idx.msk [tilespmem:v2+s2+$0x0], $0xffff;
	_ =	sdelay $0x4  }
0x55: {  	v2 =	vmul.f32 v2, v59;
	_ =	sdelay $0x1  }
0x56: {  	[tilespmem:v3+s18+$0x0] =	vst.idx.add.f32.msk $0xffff, v2  }
0x57: {  	v2 =	vld [tilespmem:s22+$0x3840];
	_ =	sdelay $0x5  }
0x58: {  	v3 =	vld [tilespmem:s22+$0x1840]  }
0x59: {  	v60 =	vld [tilespmem:s22+$0x5840]  }
0x5a: {  	v2 =	vld.idx.msk [tilespmem:v2+s2+$0x0], $0xffff;
	_ =	sdelay $0x4  }
0x5b: {  	v2 =	vmul.f32 v2, v60;
	_ =	sdelay $0x1  }
0x5c: {  	[tilespmem:v3+s18+$0x0] =	vst.idx.add.f32.msk $0xffff, v2  }
0x5d: {  	v2 =	vld [tilespmem:s22+$0x3850];
	_ =	sdelay $0x5  }
0x5e: {  	v3 =	vld [tilespmem:s22+$0x1850]  }
0x5f: {  	v61 =	vld [tilespmem:s22+$0x5850]  }
0x60: {  	v2 =	vld.idx.msk [tilespmem:v2+s2+$0x0], $0xffff;
	_ =	sdelay $0x4  }
0x61: {  	v2 =	vmul.f32 v2, v61;
	_ =	sdelay $0x1  }
0x62: {  	[tilespmem:v3+s18+$0x0] =	vst.idx.add.f32.msk $0xffff, v2  }
0x63: {  	v2 =	vld [tilespmem:s22+$0x3860];
	_ =	sdelay $0x5  }
0x64: {  	v3 =	vld [tilespmem:s22+$0x1860]  }
0x65: {  	v62 =	vld [tilespmem:s22+$0x5860]  }
0x66: {  	v2 =	vld.idx.msk [tilespmem:v2+s2+$0x0], $0xffff;
	_ =	sdelay $0x4  }
0x67: {  	v2 =	vmul.f32 v2, v62;
	_ =	sdelay $0x1  }
0x68: {  	[tilespmem:v3+s18+$0x0] =	vst.idx.add.f32.msk $0xffff, v2  }
0x69: {  	v2 =	vld [tilespmem:s22+$0x3870];
	_ =	sdelay $0x5  }
0x6a: {  	v3 =	vld [tilespmem:s22+$0x1870]  }
0x6b: {  	v63 =	vld [tilespmem:s22+$0x5870]  }
0x6c: {  	v2 =	vld.idx.msk [tilespmem:v2+s2+$0x0], $0xffff;
	_ =	sdelay $0x1  }
0x6d: {  	p0 =	sne.s32 s21, $0x7E00  }
.Ltmp2:
0x6e: {  	_ = 	snop;
	(pc) =	sbr.rel @p0 .LBB2_6-.Ltmp2, $3  }
0x6f: {  	_ = 	snop  }
0x70: {  	v2 =	vmul.f32 v2, v63;
	_ =	sdelay $0x1  }
0x71: {  	s21 =	sadd.s32 $0x200, s21;
	[tilespmem:v3+s18+$0x0] =	vst.idx.add.f32.msk $0xffff, v2  }
0x72: {  	[hbm4b:s9+s12] =	stream.strided.scatter [tilespmem:s18], [sflag:$0x1], $0x800, s19, s12, $0x38;
	[tilespmem:$0x7800] =	vst v63  }
0x73: {  	s20 =	sadd.s32 $0x1, s20;
	_ =	swait.ge [sflag:s3], $0x800  }
0x74: {  	p0 =	sne.s32 s20, s11;
	[sflag:s3] =	ssyncset.done $0x0  }
.Ltmp3:
0x75: {  	[sflag:s3] =	ssyncadd.s32 $0xFFFFF800;
	(pc) =	sbr.rel @p0 .LBB2_1-.Ltmp3, $4  }
0x76: {  	[hbm4b:s10+s12] =	stream.strided.scatter [tilespmem:s17], [sflag:$0x1], $0x800, s19, s12, $0x38;
	[tilespmem:$0x7800] =	vst v63  }
0x77: {  	_ =	swait.ge [sflag:s3], $0x800  }
0x78: {  	[sflag:s3] =	ssyncset.done $0x0  }
0x79: {  	[sflag:s3] =	ssyncadd.s32 $0xFFFFF800  }
0x7a: {  	_ =	sfence.sel $0x180000  }
0x7b: {  	[bflag:$0x0] =	sbarrier.arrive $0xFFFF  }
0x7c: {  	p0 =	sne.s32 s0, $0x0;
	_ =	strace $0x9000004D  }
0x7d: {  	s0 =	sadd.s32 @!p0 $0x100000, s1;
	[bflag:$0x2] =	sbarrier.arrive $0xFFFF  }
0x7e: {  	[sflag:s0] =	ssyncadd.tile.s32 @!p0 $0x1;
	_ =	shalt  }
.Lfunc_end2:
_tile_overlayer_lowered:
.L_overlay_start_2:
0x7f: {  	(tag) =	ssettag $0x2  }
0x80: {  	s0 =	rddreg [dreg:$0x0];
	s2 =	stileid.u32  }
0x81: {  	s1 =	rddreg [dreg:$0x1];
	p0 =	sne.s32 s2, $0x0  }
0x82: {  	s3 =	rddreg [dreg:$0x2];
	[bflag:$0x3] =	sbarrier.arrive $0xFFFF;
	s2 =	simm.s32 @!p0 $0x1C01  }
0x83: {  	[timem:s3], [sflag:s2] =	dma.local @!p0 [hbm:s0], s1  }
0x84: {  	s0 =	simm.s32 @!p0 $0x1  }
0x85: {  	_ =	swait.ge @!p0 [sflag:s0], s1  }
0x86: {  	s1 =	ssub.s32 @!p0 $0x0, s1;
	[sflag:s0] =	ssyncset.done @!p0 $0x0  }
0x87: {  	[sflag:s0] =	ssyncadd.s32 @!p0 s1  }
0x88: {  	[bflag:$0x3] =	sbarrier.arrive $0xFFFF  }
0x89: {  	_ =	shalt  }

// kernel: kernel.22.cloned.1.call-start
scs
__scs_entry_jumppad:
0x0: {  	(pc) =	sbr.rel $0x88, $3  }
0x1: {  	(tag) =	ssettag $0x0;
	lr =	simm.s32 $0x1  }
0x2: {  	[smem:$0x3F9E] =	sst lr;
	_ =	strace $0xD0000000  }
0x3: {  	_ = 	snop  }
0x4: {  	_ = 	snop  }
0x5: {  	_ = 	snop  }
0x6: {  	_ = 	snop  }
0x7: {  	_ = 	snop  }
__scs_overlays_trampoline_lowered:
0x8: {  	[smem:$0x3FAD] =	sst s0  }
0x9: {  	[smem:$0x3FAE] =	sst s1  }
0xa: {  	[smem:$0x3FAF] =	sst s2  }
0xb: {  	[smem:$0x3FB0] =	sst s3  }
0xc: {  	[smem:$0x3FB1] =	sst s4  }
0xd: {  	[smem:$0x3FB2] =	sst s5  }
0xe: {  	[smem:$0x3FB3] =	sst s6  }
0xf: {  	[smem:$0x3FB4] =	sst s7  }
0x10: {  	[smem:$0x3FB5] =	sst s8  }
0x11: {  	[smem:$0x3FB6] =	sst s9;
	s0 =	simm.s32 @!p0 $0x0  }
0x12: {  	s1 =	sld [smem:$0x3F9C];
	s0 =	simm.s32 @p0 $0x1  }
0x13: {  	[smem:$0x3FB7] =	sst s0;
	s0 =	simm.s32 @!p1 $0x0  }
0x14: {  	s2 =	sld [smem:$0x3F9B];
	s0 =	simm.s32 @p1 $0x1  }
0x15: {  	[smem:$0x3FB8] =	sst s0;
	s0 =	simm.s32 @!p2 $0x0  }
0x16: {  	s3 =	sld [smem:$0x3FDB];
	s0 =	simm.s32 @p2 $0x1  }
0x17: {  	s4 =	simm.s32 $0x1BF5;
	[smem:$0x3FBA] =	sst s0  }
0x18: {  	s0 =	sld [smem:$0x3F9D];
	_ =	swait.ge [sflag:s4], $0x0  }
0x19: {  	s7 =	sld [smem:$0x3F9E]  }
0x1a: {  	s8 =	sadd.s32 $0xFFFFE003, lr  }
0x1b: {  	s9 =	sadd.s32 $0xFFFFFEF7, lr;
	s5 =	simm.s32 $0xFFFFFFFF;
	p2 =	slt.u32 s8, $0xFFFFF086  }
0x1c: {  	p1 =	slt.u32 s9, $0xF7A;
	s5 =	simm.s32 @!p2 $0x0  }
0x1d: {  	s5 =	simm.s32 @p1 $0x1;
	p0 =	seq.s32 s7, s2  }
0x1e: {  	s7 =	smul.u32 @!p0 $0xF7A, s2;
	p2 =	seq.s32 @!p0 s5, $0x0  }
0x1f: {  	s9 =	smul.u32 $0xF7A, s1;
	s8 =	simm.s32 @!p0 $0x1BF5;
	p2 =	por !p2, p0  }
0x20: {  	[sflag:s8] =	ssyncset.s32 @!p0 $0xFFFFF086;
	s6 =	sadd.s32 @!p0 s3, s7;
	s7 =	simm.s32 @!p0 $0x108  }
0x21: {  	s3 =	sadd.s32 s3, s9;
	s6 =	sadd.s32 @!p0 $0x88, s6;
	s7 =	simm.s32 @p2 $0x1082  }
0x22: {  	[simem:s7], [sflag:s8] =	dma.local @!p0 [hbm:s6], $0xF7A  }
0x23: {  	s9 =	sor.u32 $0xD0000000, s2;
	s6 =	simm.s32 $0x108;
	_ =	swait.ge @!p0 [sflag:s8], $0x0  }
0x24: {  	s3 =	sadd.s32 $0x88, s3;
	s6 =	simm.s32 @!p1 $0x1082;
	[sflag:s4] =	ssyncset.s32 $0xFFFFF086  }
0x25: {  	[simem:s6], [sflag:s4] =	dma.local [hbm:s3], $0xF7A  }
0x26: {  	[smem:$0x3F9E] =	sst s1;
	(tag) =	ssettag s2;
	_ =	strace s9  }
0x27: {  	s1 =	sld [smem:$0x3FAE]  }
0x28: {  	s2 =	sld [smem:$0x3FAF]  }
0x29: {  	s4 =	sld [smem:$0x3FB1]  }
0x2a: {  	p0 =	seq.s32 s5, $0x0;
	s5 =	sld [smem:$0x3FB2]  }
0x2b: {  	s6 =	sld [smem:$0x3FB3]  }
0x2c: {  	s7 =	sld [smem:$0x3FB4]  }
0x2d: {  	s3 =	simm.s32 $0x108;
	s8 =	sld [smem:$0x3FB5]  }
0x2e: {  	s3 =	simm.s32 @!p0 $0x1082;
	s9 =	sld [smem:$0x3FB6]  }
0x2f: {  	lr =	sadd.s32 s0, s3;
	s0 =	sld [smem:$0x3FAD]  }
0x30: {  	s3 =	sld [smem:$0x3FB0]  }
0x31: {  	[smem:$0x3FB9] =	sst s10  }
0x32: {  	s10 =	sld [smem:$0x3FB7];
	_ =	sdelay $0x3  }
0x33: {  	p0 =	seq.s32 s10, $0x1;
	s10 =	sld [smem:$0x3FB9];
	_ =	sdelay $0x3  }
0x34: {  	[smem:$0x3FB9] =	sst s10  }
0x35: {  	s10 =	sld [smem:$0x3FB8];
	_ =	sdelay $0x3  }
0x36: {  	p1 =	seq.s32 s10, $0x1;
	s10 =	sld [smem:$0x3FB9];
	_ =	sdelay $0x3  }
0x37: {  	[smem:$0x3FB9] =	sst s10  }
0x38: {  	s10 =	sld [smem:$0x3FBA]  }
0x39: {  	_ = 	snop;
	(pc) =	sbr.ind lr, $3  }
0x3a: {  	_ = 	snop  }
0x3b: {  	_ = 	snop  }
0x3c: {  	p2 =	seq.s32 s10, $0x1;
	s10 =	sld [smem:$0x3FB9]  }
0x3d: {  	_ =	shalt  }
0x3e: {  	_ =	shalt  }
0x3f: {  	_ =	shalt  }
0x40: {  	_ =	shalt  }
0x41: {  	_ =	shalt  }
0x42: {  	_ =	shalt  }
0x43: {  	_ =	shalt  }
0x44: {  	_ =	shalt  }
0x45: {  	_ =	shalt  }
0x46: {  	_ =	shalt  }
0x47: {  	_ =	shalt  }
0x48: {  	_ =	shalt  }
0x49: {  	_ =	shalt  }
0x4a: {  	_ =	shalt  }
0x4b: {  	_ =	shalt  }
0x4c: {  	_ =	shalt  }
0x4d: {  	_ =	shalt  }
0x4e: {  	_ =	shalt  }
0x4f: {  	_ =	shalt  }
0x50: {  	_ =	shalt  }
0x51: {  	_ =	shalt  }
0x52: {  	_ =	shalt  }
0x53: {  	_ =	shalt  }
0x54: {  	_ =	shalt  }
0x55: {  	_ =	shalt  }
0x56: {  	_ =	shalt  }
0x57: {  	_ =	shalt  }
0x58: {  	_ =	shalt  }
0x59: {  	_ =	shalt  }
0x5a: {  	_ =	shalt  }
0x5b: {  	_ =	shalt  }
0x5c: {  	_ =	shalt  }
0x5d: {  	_ =	shalt  }
0x5e: {  	_ =	shalt  }
0x5f: {  	_ =	shalt  }
0x60: {  	_ =	shalt  }
0x61: {  	_ =	shalt  }
0x62: {  	_ =	shalt  }
0x63: {  	_ =	shalt  }
0x64: {  	_ =	shalt  }
0x65: {  	_ =	shalt  }
0x66: {  	_ =	shalt  }
0x67: {  	_ =	shalt  }
0x68: {  	_ =	shalt  }
0x69: {  	_ =	shalt  }
0x6a: {  	_ =	shalt  }
0x6b: {  	_ =	shalt  }
0x6c: {  	_ =	shalt  }
0x6d: {  	_ =	shalt  }
0x6e: {  	_ =	shalt  }
0x6f: {  	_ =	shalt  }
0x70: {  	_ =	shalt  }
0x71: {  	_ =	shalt  }
0x72: {  	_ =	shalt  }
0x73: {  	_ =	shalt  }
0x74: {  	_ =	shalt  }
0x75: {  	_ =	shalt  }
0x76: {  	_ =	shalt  }
0x77: {  	_ =	shalt  }
0x78: {  	_ =	shalt  }
0x79: {  	_ =	shalt  }
0x7a: {  	_ =	shalt  }
0x7b: {  	_ =	shalt  }
0x7c: {  	_ =	shalt  }
0x7d: {  	_ =	shalt  }
0x7e: {  	_ =	shalt  }
0x7f: {  	_ =	shalt  }
0x80: {  	_ =	shalt  }
0x81: {  	_ =	shalt  }
0x82: {  	_ =	shalt  }
0x83: {  	_ =	shalt  }
0x84: {  	_ =	shalt  }
0x85: {  	_ =	shalt  }
0x86: {  	_ =	shalt  }
0x87: {  	_ =	shalt  }
.Lfunc_end0:
.L_simem_size_0:
called_computation.3_lowered:
.L_overlay_start_0:
0x88: {  	s2 =	sld [smem:$0x3FD9]  }
0x89: {  	s3 =	sld [smem:$0x3FFE];
	_ =	sdelay $0x1  }
0x8a: {  	s1 =	srdreg.scid  }
0x8b: {  	s0 =	sand.u32 $0x1, s1  }
0x8c: {  	s16 =	sshll.u32 s0, $0xA;
	s2 =	sadd.s32 s3, s2  }
0x8d: {  	s2 =	sadd.s32 s2, s16  }
0x8e: {  	[smem:$0x3FC5] =	sst s2  }
0x8f: {  	_ = 	snop  }
0x90: {  	(tm) =	ssettm $0x1  }
0x91: {  	s17 =	sld [smem:$0x3FFB];
	_ =	sdelay $0x3  }
0x92: {  	_ =	strace s17  }
0x93: {  	s2 =	sld [smem:$0x3FFC];
	_ =	sdelay $0x3  }
0x94: {  	_ =	strace s2  }
0x95: {  	s2 =	sld [smem:$0x3FFD];
	_ =	sdelay $0x3  }
0x96: {  	_ =	strace s2  }
0x97: {  	_ =	strace $0x8FFFFFFF  }
0x98: {  	s18 =	sld [smem:$0x3FDB];
	_ =	sdelay $0x1  }
0x99: {  	s19 =	simm.s32 $_scs_section_size  }
0x9a: {  	s4 =	simm.s32 $_size__tile_overlayer_lowered;
	s5 =	simm.s32 $_tile_overlayer_lowered  }
0x9b: {  	s22 =	simm.s32 $0x1BFF;
	s21 =	sshll.u32 s5, $0x1;
	s2 =	sadd.s32 s19, s18  }
0x9c: {  	s6 =	simm.s32 $0x0;
	s20 =	sshll.u32 s4, $0x1;
	s4 =	sadd.s32 s21, s2  }
0x9d: {  	[timem:s6], [sflag:s22] =	dma.local [hbm:s4], s20  }
0x9e: {  	_ =	swait.ge [sflag:s22], s20  }
0x9f: {  	s3 =	ssub.s32 $0x0, s20;
	[sflag:s22] =	ssyncset.done $0x0  }
0xa0: {  	[sflag:s22] =	ssyncadd.s32 s3;
	_ =	sdelay $0x1  }
0xa1: {  	s23 =	simm.s32 $0x1B8B  }
0xa2: {  	_ =	swait.ge [sflag:s23], $0x1  }
0xa3: {  	[sflag:s23] =	ssyncset.done $0x0  }
0xa4: {  	s25 =	simm.s32 $0x1B8E;
	s24 =	sld [smem:$0x3FFE];
	[sflag:s23] =	ssyncadd.s32 $0xFFFFFFFF  }
0xa5: {  	s26 =	simm.s32 $execute0_lowered;
	[smem:$0x3FD2] =	sst s25  }
0xa6: {  	s4 =	sshll.u32 s26, $0x1;
	_ =	strace $0x8000004F;
	[dreg:$0x1] =	wrdreg $0xFFFFFFFF  }
0xa7: {  	s28 =	simm.s32 $_size_execute0_lowered;
	s2 =	sadd.s32 s2, s4;
	[dreg:$0x0] =	wrdreg $0x0  }
0xa8: {  	s4 =	sshll.u32 s28, $0x1;
	[dreg:$0x2] =	wrdreg s2  }
0xa9: {  	[dreg:$0x3] =	wrdreg s4  }
0xaa: {  	[dreg:$0x4] =	wrdreg $0xC0  }
0xab: {  	_ =	task [dreg:s6], $0x5FFFF  }
0xac: {  	[dreg:$0x1] =	wrdreg $0xFFFFFFFF  }
0xad: {  	[dreg:$0x0] =	wrdreg $0x60  }
0xae: {  	[dreg:$0x2] =	wrdreg s24  }
0xaf: {  	[dreg:$0x3] =	wrdreg $0x9  }
0xb0: {  	_ =	task.clear_ibuf [dreg:s6], $0x4FFFF;
	_ =	strace $0x9000004F  }
0xb1: {  	s29 =	simm.s32 $0x9;
	_ =	strace $0x80000051  }
0xb2: {  	_ =	swait.ge [sflag:s29], $0x1  }
0xb3: {  	[sflag:s29] =	ssyncadd.s32 $0xFFFFFFFF  }
0xb4: {  	_ =	strace $0x90000051  }
0xb5: {  	_ =	sfence  }
0xb6: {  	s30 =	sld [smem:$0x0];
	_ =	sdelay $0x2  }
0xb7: {  	s31 =	sshll.u32 s1, $0xD;
	s1 =	sshrl.u32 s1, $0x2  }
0xb8: {  	s3 =	sand.u32 $0x4000, s31;
	s1 =	sadd.s32 s1, s30  }
0xb9: {  	s0 =	sor.u32 s3, s0;
	s1 =	sshll.u32 s1, $0x11  }
0xba: {  	s0 =	sor.u32 s1, s0  }
0xbb: {  	s0 =	sadd.s32 $0x8F2B, s0  }
0xbc: {  	[sflag:s0] =	ssyncadd.remote.s32 $0x1  }
0xbd: {  	_ =	sfence.sel $0xFFFF  }
0xbe: {  	[dreg:$0x0] =	wrdreg $0xFFFFFFFF;
	(pc) =	sbr.abs _section_cstart, $3  }
0xbf: {  	[dreg:$0x1] =	wrdreg $0xFFFFFFFF  }
0xc0: {  	_ =	task.clear_ibuf [dreg:s6], $0x2FFFF;
	_ =	strace $0x9FFFFFFF  }
0xc1: {  	(tm) =	ssettm $0x7FFFFFFF  }
tec
execute0_lowered:
.L_overlay_start_1:
0x0: {  	(tag) =	ssettag $0x1  }
0x1: {  	s0 =	srdreg.scid  }
0x2: {  	s2 =	simm.s32 $0x1;
	s6 =	rddreg [dreg:$0x0];
	s12 =	simm.s32 $0x80  }
0x3: {  	s13 =	simm.s32 $0x400;
	s14 =	simm.s32 $0x1800;
	s15 =	simm.s32 $0x3800  }
0x4: {  	s16 =	simm.s32 $0x5800;
	s17 =	simm.s32 $0x1000;
	s4 =	sand.u32 $0x1, s0  }
0x5: {  	s18 =	simm.s32 $0x800;
	s0 =	stileid.u32;
	s1 =	sshll.u32 s4, $0x4  }
0x6: {  	s19 =	simm.s32 $0x200;
	s5 =	sand.u32 $0x3, s0;
	s1 =	sor.u32 s0, s1  }
0x7: {  	s20 =	simm.s32 $0x0;
	p1 =	sne.s32 s5, $0x0;
	p0 =	seq.s32 s1, $0x0  }
0x8: {  	s4 =	ssub.s32 $0x2, s4;
	s10 =	sshll.u32 s5, $0x10;
	p0 =	por !p1, !p0  }
0x9: {  	s5 =	sshll.u32 s5, $0x7;
	s30 =	sshrl.u32 s4, $0x1;
	p0 =	por !p0, !p0  }
0xa: {  	s1 =	sshrl.u32 s1, $0x2;
	s31 =	ssub.s32 s4, s30;
	s2 =	simm.s32 @!p0 $0x0  }
0xb: {  	s7 =	ssub.s32 s1, s2;
	s1 =	rddreg [dreg:$0x1];
	s2 =	simm.s32 $0x0  }
0xc: {  	s8 =	sshrl.u32 s7, $0x3;
	s3 =	sshll.u32 s7, $0x7;
	[smem:$0x7FF] =	sst s2  }
0xd: {  	s7 =	sshll.u32 s7, $0xD;
	s9 =	sshll.u32 s8, $0x12;
	s11 =	sand.u32 $0x380, s3  }
0xe: {  	_ =	strace $0x80000050;
	s3 =	simm.s32 $0x1;
	s8 =	sshll.u32 s8, $0xE  }
0xf: {  	s5 =	sor.u32 s5, s7;
	s26 =	sor.u32 s10, s9;
	s8 =	sor.u32 s11, s8  }
0x10: {  	s5 =	sshrl.u32 s5, $0x3;
	s9 =	sor.u32 s11, s26;
	s28 =	sshrl.u32 s8, $0x3  }
0x11: {  	s29 =	sadd.s32 s5, s6;
	s8 =	sshll.u32 s0, $0x9;
	s9 =	sshrl.u32 s9, $0x3  }
0x12: {  	s11 =	smax.u32 s31, $0x1;
	s7 =	sadd.s32 s28, s6;
	s9 =	sadd.s32 s9, s6  }
0x13: {  	s10 =	sadd.s32 $0x1B000, s29;
	s4 =	sadd.s32 $0x14800, s7;
	s5 =	sadd.s32 $0xC800, s9  }
0x14: {  	v0 =	vimm.f32 $0.0e+00;
	v1 =	vimm.f32 $1.000000000e+00;
	s6 =	sadd.s32 $0x4800, s9;
	s7 =	sadd.s32 $0x422000, s9;
	s9 =	sadd.s32 $0x15000, s29  }
.LBB2_1:
0x15: {  	[tilespmem:s2], [sflag:$0x1] =	stream.strided.gather [hbm4b:s4+s12], $0x800, s13, s12, $0x38;
	[tilespmem:$0x7800] =	vst v63  }
0x16: {  	_ =	swait.ge [sflag:s3], $0x800  }
0x17: {  	[sflag:s3] =	ssyncset.done $0x0  }
0x18: {  	[sflag:s3] =	ssyncadd.s32 $0xFFFFF800  }
0x19: {  	[tilespmem:s14], [sflag:$0x1] =	stream.strided.gather [hbm4b:s5+s12], $0x2000, s13, s12, $0x38;
	[tilespmem:$0x7800] =	vst v63  }
0x1a: {  	_ =	swait.ge [sflag:s3], $0x2000  }
0x1b: {  	[sflag:s3] =	ssyncset.done $0x0  }
0x1c: {  	[sflag:s3] =	ssyncadd.s32 $0xFFFFE000  }
0x1d: {  	[tilespmem:s15], [sflag:$0x1] =	stream.strided.gather [hbm4b:s6+s12], $0x2000, s13, s12, $0x38;
	[tilespmem:$0x7800] =	vst v63  }
0x1e: {  	_ =	swait.ge [sflag:s3], $0x2000  }
0x1f: {  	[sflag:s3] =	ssyncset.done $0x0  }
0x20: {  	[sflag:s3] =	ssyncadd.s32 $0xFFFFE000  }
0x21: {  	[tilespmem:s16], [sflag:$0x1] =	stream.strided.gather [hbm4b:s7+s12], $0x2000, s13, s12, $0x38;
	[tilespmem:$0x7800] =	vst v63  }
0x22: {  	_ =	swait.ge [sflag:s3], $0x2000  }
0x23: {  	[sflag:s3] =	ssyncset.done $0x0  }
0x24: {  	s21 =	simm.s32 $0x40;
	s22 =	simm.s32 $0x0;
	[sflag:s3] =	ssyncadd.s32 $0xFFFFE000  }
.LBB2_2:
0x25: {  	p0 =	sne.s32 s21, $0x1FC0;
	[tilespmem:s22+$0x800] =	vst v0;
	s23 =	smov.u32 s21;
	s21 =	sadd.s32 $0x40, s21  }
.Ltmp0:
0x26: {  	[tilespmem:s22+$0x1000] =	vst v0;
	(pc) =	sbr.rel @p0 .LBB2_2-.Ltmp0, $2  }
0x27: {  	_ =	sdelay $0x2  }
0x28: {  	s22 =	sshra.s32 s23, $0x2  }
0x29: {  	s21 =	simm.s32 $0x0;
	s23 =	sadd.s32 $0x0, s8  }
0x2a: {  	[tilespmem:s22+$0x800] =	vst v0;
	s23 =	sand.u32 $0x780, s23;
	s24 =	sand.u32 $0x70, s21  }
0x2b: {  	[tilespmem:s22+$0x1000] =	vst v0;
	s31 =	sor.u32 s24, s23  }
0x2c: {  	v2 =	vld [tilespmem:s31+$0x0];
	_ =	sdelay $0x4  }
0x2d: {  	v2 =	vtrunc.f32 v2  }
0x2e: {  	v2 =	vcvt.f32.s32 v2;
	_ =	sdelay $0x3  }
0x2f: {  	s22 =	simm.s32 $0x10;
	s24 =	sadd.s32 $0x10, s8;
	s23 =	simm.s32 $0x20  }
.LBB2_4:
0x30: {  	p0 =	sne.s32 s23, $0x1F0;
	s24 =	sand.u32 $0x780, s24;
	s22 =	sand.u32 $0x70, s22  }
0x31: {  	s24 =	sor.u32 s22, s24;
	[tilespmem:v2+s17+$0x0] =	vst.idx.add.f32.msk $0xffff, v1;
	s22 =	smov.u32 s23  }
0x32: {  	v2 =	vld [tilespmem:s24+$0x0];
	_ =	sdelay $0x4  }
0x33: {  	v2 =	vtrunc.f32 v2  }
.Ltmp1:
0x34: {  	v2 =	vcvt.f32.s32 v2;
	(pc) =	sbr.rel @p0 .LBB2_4-.Ltmp1, $2  }
0x35: {  	_ =	sdelay $0x2  }
0x36: {  	s23 =	sadd.s32 $0x10, s23;
	s24 =	sadd.s32 s22, s8  }
0x37: {  	_ =	sdelay $0x2  }
0x38: {  	s23 =	sand.u32 $0x780, s24;
	s22 =	sand.u32 $0x70, s22  }
0x39: {  	[tilespmem:v2+s17+$0x0] =	vst.idx.add.f32.msk $0xffff, v1;
	s22 =	sor.u32 s22, s23  }
0x3a: {  	v2 =	vld [tilespmem:s22+$0x0];
	_ =	sdelay $0x4  }
0x3b: {  	v2 =	vtrunc.f32 v2  }
0x3c: {  	v2 =	vcvt.f32.s32 v2;
	_ =	sdelay $0x5  }
0x3d: {  	[tilespmem:v2+s17+$0x0] =	vst.idx.add.f32.msk $0xffff, v1  }
.LBB2_6:
0x3e: {  	s22 =	sshra.s32 s21, $0x2  }
0x3f: {  	v2 =	vld [tilespmem:s22+$0x3800];
	_ =	sdelay $0x5  }
0x40: {  	v3 =	vld [tilespmem:s22+$0x1800]  }
0x41: {  	v4 =	vld [tilespmem:s22+$0x5800]  }
0x42: {  	v2 =	vld.idx.msk [tilespmem:v2+s2+$0x0], $0xffff;
	_ =	sdelay $0x4  }
0x43: {  	v2 =	vmul.f32 v2, v4;
	_ =	sdelay $0x1  }
0x44: {  	[tilespmem:v3+s18+$0x0] =	vst.idx.add.f32.msk $0xffff, v2  }
0x45: {  	v2 =	vld [tilespmem:s22+$0x3810];
	_ =	sdelay $0x5  }
0x46: {  	v3 =	vld [tilespmem:s22+$0x1810]  }
0x47: {  	v57 =	vld [tilespmem:s22+$0x5810]  }
0x48: {  	v2 =	vld.idx.msk [tilespmem:v2+s2+$0x0], $0xffff;
	_ =	sdelay $0x4  }
0x49: {  	v2 =	vmul.f32 v2, v57;
	_ =	sdelay $0x1  }
0x4a: {  	[tilespmem:v3+s18+$0x0] =	vst.idx.add.f32.msk $0xffff, v2  }
0x4b: {  	v2 =	vld [tilespmem:s22+$0x3820];
	_ =	sdelay $0x5  }
0x4c: {  	v3 =	vld [tilespmem:s22+$0x1820]  }
0x4d: {  	v58 =	vld [tilespmem:s22+$0x5820]  }
0x4e: {  	v2 =	vld.idx.msk [tilespmem:v2+s2+$0x0], $0xffff;
	_ =	sdelay $0x4  }
0x4f: {  	v2 =	vmul.f32 v2, v58;
	_ =	sdelay $0x1  }
0x50: {  	[tilespmem:v3+s18+$0x0] =	vst.idx.add.f32.msk $0xffff, v2  }
0x51: {  	v2 =	vld [tilespmem:s22+$0x3830];
	_ =	sdelay $0x5  }
0x52: {  	v3 =	vld [tilespmem:s22+$0x1830]  }
0x53: {  	v59 =	vld [tilespmem:s22+$0x5830]  }
0x54: {  	v2 =	vld.idx.msk [tilespmem:v2+s2+$0x0], $0xffff;
	_ =	sdelay $0x4  }
0x55: {  	v2 =	vmul.f32 v2, v59;
	_ =	sdelay $0x1  }
0x56: {  	[tilespmem:v3+s18+$0x0] =	vst.idx.add.f32.msk $0xffff, v2  }
0x57: {  	v2 =	vld [tilespmem:s22+$0x3840];
	_ =	sdelay $0x5  }
0x58: {  	v3 =	vld [tilespmem:s22+$0x1840]  }
0x59: {  	v60 =	vld [tilespmem:s22+$0x5840]  }
0x5a: {  	v2 =	vld.idx.msk [tilespmem:v2+s2+$0x0], $0xffff;
	_ =	sdelay $0x4  }
0x5b: {  	v2 =	vmul.f32 v2, v60;
	_ =	sdelay $0x1  }
0x5c: {  	[tilespmem:v3+s18+$0x0] =	vst.idx.add.f32.msk $0xffff, v2  }
0x5d: {  	v2 =	vld [tilespmem:s22+$0x3850];
	_ =	sdelay $0x5  }
0x5e: {  	v3 =	vld [tilespmem:s22+$0x1850]  }
0x5f: {  	v61 =	vld [tilespmem:s22+$0x5850]  }
0x60: {  	v2 =	vld.idx.msk [tilespmem:v2+s2+$0x0], $0xffff;
	_ =	sdelay $0x4  }
0x61: {  	v2 =	vmul.f32 v2, v61;
	_ =	sdelay $0x1  }
0x62: {  	[tilespmem:v3+s18+$0x0] =	vst.idx.add.f32.msk $0xffff, v2  }
0x63: {  	v2 =	vld [tilespmem:s22+$0x3860];
	_ =	sdelay $0x5  }
0x64: {  	v3 =	vld [tilespmem:s22+$0x1860]  }
0x65: {  	v62 =	vld [tilespmem:s22+$0x5860]  }
0x66: {  	v2 =	vld.idx.msk [tilespmem:v2+s2+$0x0], $0xffff;
	_ =	sdelay $0x4  }
0x67: {  	v2 =	vmul.f32 v2, v62;
	_ =	sdelay $0x1  }
0x68: {  	[tilespmem:v3+s18+$0x0] =	vst.idx.add.f32.msk $0xffff, v2  }
0x69: {  	v2 =	vld [tilespmem:s22+$0x3870];
	_ =	sdelay $0x5  }
0x6a: {  	v3 =	vld [tilespmem:s22+$0x1870]  }
0x6b: {  	v63 =	vld [tilespmem:s22+$0x5870]  }
0x6c: {  	v2 =	vld.idx.msk [tilespmem:v2+s2+$0x0], $0xffff;
	_ =	sdelay $0x1  }
0x6d: {  	p0 =	sne.s32 s21, $0x7E00  }
.Ltmp2:
0x6e: {  	_ = 	snop;
	(pc) =	sbr.rel @p0 .LBB2_6-.Ltmp2, $3  }
0x6f: {  	_ = 	snop  }
0x70: {  	v2 =	vmul.f32 v2, v63;
	_ =	sdelay $0x1  }
0x71: {  	s21 =	sadd.s32 $0x200, s21;
	[tilespmem:v3+s18+$0x0] =	vst.idx.add.f32.msk $0xffff, v2  }
0x72: {  	[hbm4b:s9+s12] =	stream.strided.scatter [tilespmem:s18], [sflag:$0x1], $0x800, s19, s12, $0x38;
	[tilespmem:$0x7800] =	vst v63  }
0x73: {  	s20 =	sadd.s32 $0x1, s20;
	_ =	swait.ge [sflag:s3], $0x800  }
0x74: {  	p0 =	sne.s32 s20, s11;
	[sflag:s3] =	ssyncset.done $0x0  }
.Ltmp3:
0x75: {  	[sflag:s3] =	ssyncadd.s32 $0xFFFFF800;
	(pc) =	sbr.rel @p0 .LBB2_1-.Ltmp3, $4  }
0x76: {  	[hbm4b:s10+s12] =	stream.strided.scatter [tilespmem:s17], [sflag:$0x1], $0x800, s19, s12, $0x38;
	[tilespmem:$0x7800] =	vst v63  }
0x77: {  	_ =	swait.ge [sflag:s3], $0x800  }
0x78: {  	[sflag:s3] =	ssyncset.done $0x0  }
0x79: {  	[sflag:s3] =	ssyncadd.s32 $0xFFFFF800  }
0x7a: {  	_ =	sfence.sel $0x180000  }
0x7b: {  	[bflag:$0x0] =	sbarrier.arrive $0xFFFF  }
0x7c: {  	p0 =	sne.s32 s0, $0x0;
	_ =	strace $0x90000050  }
0x7d: {  	s0 =	sadd.s32 @!p0 $0x100000, s1;
	[bflag:$0x2] =	sbarrier.arrive $0xFFFF  }
0x7e: {  	[sflag:s0] =	ssyncadd.tile.s32 @!p0 $0x1;
	_ =	shalt  }
.Lfunc_end2:
_tile_overlayer_lowered:
.L_overlay_start_2:
0x7f: {  	(tag) =	ssettag $0x2  }
0x80: {  	s0 =	rddreg [dreg:$0x0];
	s2 =	stileid.u32  }
0x81: {  	s1 =	rddreg [dreg:$0x1];
	p0 =	sne.s32 s2, $0x0  }
0x82: {  	s3 =	rddreg [dreg:$0x2];
	[bflag:$0x3] =	sbarrier.arrive $0xFFFF;
	s2 =	simm.s32 @!p0 $0x1C01  }
0x83: {  	[timem:s3], [sflag:s2] =	dma.local @!p0 [hbm:s0], s1  }
0x84: {  	s0 =	simm.s32 @!p0 $0x1  }
0x85: {  	_ =	swait.ge @!p0 [sflag:s0], s1  }
0x86: {  	s1 =	ssub.s32 @!p0 $0x0, s1;
	[sflag:s0] =	ssyncset.done @!p0 $0x0  }
0x87: {  	[sflag:s0] =	ssyncadd.s32 @!p0 s1  }
0x88: {  	[bflag:$0x3] =	sbarrier.arrive $0xFFFF  }
0x89: {  	_ =	shalt  }

// kernel: kernel.25.cloned.1.call-start
scs
__scs_entry_jumppad:
0x0: {  	(pc) =	sbr.rel $0x88, $3  }
0x1: {  	(tag) =	ssettag $0x0;
	lr =	simm.s32 $0x1  }
0x2: {  	[smem:$0x3F9E] =	sst lr;
	_ =	strace $0xD0000000  }
0x3: {  	_ = 	snop  }
0x4: {  	_ = 	snop  }
0x5: {  	_ = 	snop  }
0x6: {  	_ = 	snop  }
0x7: {  	_ = 	snop  }
__scs_overlays_trampoline_lowered:
0x8: {  	[smem:$0x3FAD] =	sst s0  }
0x9: {  	[smem:$0x3FAE] =	sst s1  }
0xa: {  	[smem:$0x3FAF] =	sst s2  }
0xb: {  	[smem:$0x3FB0] =	sst s3  }
0xc: {  	[smem:$0x3FB1] =	sst s4  }
0xd: {  	[smem:$0x3FB2] =	sst s5  }
0xe: {  	[smem:$0x3FB3] =	sst s6  }
0xf: {  	[smem:$0x3FB4] =	sst s7  }
0x10: {  	[smem:$0x3FB5] =	sst s8  }
0x11: {  	[smem:$0x3FB6] =	sst s9;
	s0 =	simm.s32 @!p0 $0x0  }
0x12: {  	s1 =	sld [smem:$0x3F9C];
	s0 =	simm.s32 @p0 $0x1  }
0x13: {  	[smem:$0x3FB7] =	sst s0;
	s0 =	simm.s32 @!p1 $0x0  }
0x14: {  	s2 =	sld [smem:$0x3F9B];
	s0 =	simm.s32 @p1 $0x1  }
0x15: {  	[smem:$0x3FB8] =	sst s0;
	s0 =	simm.s32 @!p2 $0x0  }
0x16: {  	s3 =	sld [smem:$0x3FDB];
	s0 =	simm.s32 @p2 $0x1  }
0x17: {  	s4 =	simm.s32 $0x1BF5;
	[smem:$0x3FBA] =	sst s0  }
0x18: {  	s0 =	sld [smem:$0x3F9D];
	_ =	swait.ge [sflag:s4], $0x0  }
0x19: {  	s7 =	sld [smem:$0x3F9E]  }
0x1a: {  	s8 =	sadd.s32 $0xFFFFE003, lr  }
0x1b: {  	s9 =	sadd.s32 $0xFFFFFEF7, lr;
	s5 =	simm.s32 $0xFFFFFFFF;
	p2 =	slt.u32 s8, $0xFFFFF086  }
0x1c: {  	p1 =	slt.u32 s9, $0xF7A;
	s5 =	simm.s32 @!p2 $0x0  }
0x1d: {  	s5 =	simm.s32 @p1 $0x1;
	p0 =	seq.s32 s7, s2  }
0x1e: {  	s7 =	smul.u32 @!p0 $0xF7A, s2;
	p2 =	seq.s32 @!p0 s5, $0x0  }
0x1f: {  	s9 =	smul.u32 $0xF7A, s1;
	s8 =	simm.s32 @!p0 $0x1BF5;
	p2 =	por !p2, p0  }
0x20: {  	[sflag:s8] =	ssyncset.s32 @!p0 $0xFFFFF086;
	s6 =	sadd.s32 @!p0 s3, s7;
	s7 =	simm.s32 @!p0 $0x108  }
0x21: {  	s3 =	sadd.s32 s3, s9;
	s6 =	sadd.s32 @!p0 $0x88, s6;
	s7 =	simm.s32 @p2 $0x1082  }
0x22: {  	[simem:s7], [sflag:s8] =	dma.local @!p0 [hbm:s6], $0xF7A  }
0x23: {  	s9 =	sor.u32 $0xD0000000, s2;
	s6 =	simm.s32 $0x108;
	_ =	swait.ge @!p0 [sflag:s8], $0x0  }
0x24: {  	s3 =	sadd.s32 $0x88, s3;
	s6 =	simm.s32 @!p1 $0x1082;
	[sflag:s4] =	ssyncset.s32 $0xFFFFF086  }
0x25: {  	[simem:s6], [sflag:s4] =	dma.local [hbm:s3], $0xF7A  }
0x26: {  	[smem:$0x3F9E] =	sst s1;
	(tag) =	ssettag s2;
	_ =	strace s9  }
0x27: {  	s1 =	sld [smem:$0x3FAE]  }
0x28: {  	s2 =	sld [smem:$0x3FAF]  }
0x29: {  	s4 =	sld [smem:$0x3FB1]  }
0x2a: {  	p0 =	seq.s32 s5, $0x0;
	s5 =	sld [smem:$0x3FB2]  }
0x2b: {  	s6 =	sld [smem:$0x3FB3]  }
0x2c: {  	s7 =	sld [smem:$0x3FB4]  }
0x2d: {  	s3 =	simm.s32 $0x108;
	s8 =	sld [smem:$0x3FB5]  }
0x2e: {  	s3 =	simm.s32 @!p0 $0x1082;
	s9 =	sld [smem:$0x3FB6]  }
0x2f: {  	lr =	sadd.s32 s0, s3;
	s0 =	sld [smem:$0x3FAD]  }
0x30: {  	s3 =	sld [smem:$0x3FB0]  }
0x31: {  	[smem:$0x3FB9] =	sst s10  }
0x32: {  	s10 =	sld [smem:$0x3FB7];
	_ =	sdelay $0x3  }
0x33: {  	p0 =	seq.s32 s10, $0x1;
	s10 =	sld [smem:$0x3FB9];
	_ =	sdelay $0x3  }
0x34: {  	[smem:$0x3FB9] =	sst s10  }
0x35: {  	s10 =	sld [smem:$0x3FB8];
	_ =	sdelay $0x3  }
0x36: {  	p1 =	seq.s32 s10, $0x1;
	s10 =	sld [smem:$0x3FB9];
	_ =	sdelay $0x3  }
0x37: {  	[smem:$0x3FB9] =	sst s10  }
0x38: {  	s10 =	sld [smem:$0x3FBA]  }
0x39: {  	_ = 	snop;
	(pc) =	sbr.ind lr, $3  }
0x3a: {  	_ = 	snop  }
0x3b: {  	_ = 	snop  }
0x3c: {  	p2 =	seq.s32 s10, $0x1;
	s10 =	sld [smem:$0x3FB9]  }
0x3d: {  	_ =	shalt  }
0x3e: {  	_ =	shalt  }
0x3f: {  	_ =	shalt  }
0x40: {  	_ =	shalt  }
0x41: {  	_ =	shalt  }
0x42: {  	_ =	shalt  }
0x43: {  	_ =	shalt  }
0x44: {  	_ =	shalt  }
0x45: {  	_ =	shalt  }
0x46: {  	_ =	shalt  }
0x47: {  	_ =	shalt  }
0x48: {  	_ =	shalt  }
0x49: {  	_ =	shalt  }
0x4a: {  	_ =	shalt  }
0x4b: {  	_ =	shalt  }
0x4c: {  	_ =	shalt  }
0x4d: {  	_ =	shalt  }
0x4e: {  	_ =	shalt  }
0x4f: {  	_ =	shalt  }
0x50: {  	_ =	shalt  }
0x51: {  	_ =	shalt  }
0x52: {  	_ =	shalt  }
0x53: {  	_ =	shalt  }
0x54: {  	_ =	shalt  }
0x55: {  	_ =	shalt  }
0x56: {  	_ =	shalt  }
0x57: {  	_ =	shalt  }
0x58: {  	_ =	shalt  }
0x59: {  	_ =	shalt  }
0x5a: {  	_ =	shalt  }
0x5b: {  	_ =	shalt  }
0x5c: {  	_ =	shalt  }
0x5d: {  	_ =	shalt  }
0x5e: {  	_ =	shalt  }
0x5f: {  	_ =	shalt  }
0x60: {  	_ =	shalt  }
0x61: {  	_ =	shalt  }
0x62: {  	_ =	shalt  }
0x63: {  	_ =	shalt  }
0x64: {  	_ =	shalt  }
0x65: {  	_ =	shalt  }
0x66: {  	_ =	shalt  }
0x67: {  	_ =	shalt  }
0x68: {  	_ =	shalt  }
0x69: {  	_ =	shalt  }
0x6a: {  	_ =	shalt  }
0x6b: {  	_ =	shalt  }
0x6c: {  	_ =	shalt  }
0x6d: {  	_ =	shalt  }
0x6e: {  	_ =	shalt  }
0x6f: {  	_ =	shalt  }
0x70: {  	_ =	shalt  }
0x71: {  	_ =	shalt  }
0x72: {  	_ =	shalt  }
0x73: {  	_ =	shalt  }
0x74: {  	_ =	shalt  }
0x75: {  	_ =	shalt  }
0x76: {  	_ =	shalt  }
0x77: {  	_ =	shalt  }
0x78: {  	_ =	shalt  }
0x79: {  	_ =	shalt  }
0x7a: {  	_ =	shalt  }
0x7b: {  	_ =	shalt  }
0x7c: {  	_ =	shalt  }
0x7d: {  	_ =	shalt  }
0x7e: {  	_ =	shalt  }
0x7f: {  	_ =	shalt  }
0x80: {  	_ =	shalt  }
0x81: {  	_ =	shalt  }
0x82: {  	_ =	shalt  }
0x83: {  	_ =	shalt  }
0x84: {  	_ =	shalt  }
0x85: {  	_ =	shalt  }
0x86: {  	_ =	shalt  }
0x87: {  	_ =	shalt  }
.Lfunc_end0:
.L_simem_size_0:
called_computation.4_lowered:
.L_overlay_start_0:
0x88: {  	s2 =	sld [smem:$0x3FD9]  }
0x89: {  	s3 =	sld [smem:$0x3FFE];
	_ =	sdelay $0x1  }
0x8a: {  	s1 =	srdreg.scid  }
0x8b: {  	s0 =	sand.u32 $0x1, s1  }
0x8c: {  	s16 =	sshll.u32 s0, $0xA;
	s2 =	sadd.s32 s3, s2  }
0x8d: {  	s2 =	sadd.s32 s2, s16  }
0x8e: {  	[smem:$0x3FC5] =	sst s2  }
0x8f: {  	_ = 	snop  }
0x90: {  	(tm) =	ssettm $0x1  }
0x91: {  	s17 =	sld [smem:$0x3FFB];
	_ =	sdelay $0x3  }
0x92: {  	_ =	strace s17  }
0x93: {  	s2 =	sld [smem:$0x3FFC];
	_ =	sdelay $0x3  }
0x94: {  	_ =	strace s2  }
0x95: {  	s2 =	sld [smem:$0x3FFD];
	_ =	sdelay $0x3  }
0x96: {  	_ =	strace s2  }
0x97: {  	_ =	strace $0x8FFFFFFF  }
0x98: {  	s18 =	sld [smem:$0x3FDB];
	_ =	sdelay $0x1  }
0x99: {  	s19 =	simm.s32 $_scs_section_size  }
0x9a: {  	s4 =	simm.s32 $_size__tile_overlayer_lowered;
	s5 =	simm.s32 $_tile_overlayer_lowered  }
0x9b: {  	s22 =	simm.s32 $0x1BFF;
	s21 =	sshll.u32 s5, $0x1;
	s2 =	sadd.s32 s19, s18  }
0x9c: {  	s6 =	simm.s32 $0x0;
	s20 =	sshll.u32 s4, $0x1;
	s4 =	sadd.s32 s21, s2  }
0x9d: {  	[timem:s6], [sflag:s22] =	dma.local [hbm:s4], s20  }
0x9e: {  	_ =	swait.ge [sflag:s22], s20  }
0x9f: {  	s3 =	ssub.s32 $0x0, s20;
	[sflag:s22] =	ssyncset.done $0x0  }
0xa0: {  	[sflag:s22] =	ssyncadd.s32 s3;
	_ =	sdelay $0x1  }
0xa1: {  	s23 =	simm.s32 $0x1B8B  }
0xa2: {  	_ =	swait.ge [sflag:s23], $0x1  }
0xa3: {  	[sflag:s23] =	ssyncset.done $0x0  }
0xa4: {  	s25 =	simm.s32 $0x1B8E;
	s24 =	sld [smem:$0x3FFE];
	[sflag:s23] =	ssyncadd.s32 $0xFFFFFFFF  }
0xa5: {  	s26 =	simm.s32 $execute0_lowered;
	[smem:$0x3FD2] =	sst s25  }
0xa6: {  	s4 =	sshll.u32 s26, $0x1;
	_ =	strace $0x80000052;
	[dreg:$0x1] =	wrdreg $0xFFFFFFFF  }
0xa7: {  	s28 =	simm.s32 $_size_execute0_lowered;
	s2 =	sadd.s32 s2, s4;
	[dreg:$0x0] =	wrdreg $0x0  }
0xa8: {  	s4 =	sshll.u32 s28, $0x1;
	[dreg:$0x2] =	wrdreg s2  }
0xa9: {  	[dreg:$0x3] =	wrdreg s4  }
0xaa: {  	[dreg:$0x4] =	wrdreg $0xC0  }
0xab: {  	_ =	task [dreg:s6], $0x5FFFF  }
0xac: {  	[dreg:$0x1] =	wrdreg $0xFFFFFFFF  }
0xad: {  	[dreg:$0x0] =	wrdreg $0x60  }
0xae: {  	[dreg:$0x2] =	wrdreg s24  }
0xaf: {  	[dreg:$0x3] =	wrdreg $0x9  }
0xb0: {  	_ =	task.clear_ibuf [dreg:s6], $0x4FFFF;
	_ =	strace $0x90000052  }
0xb1: {  	s29 =	simm.s32 $0x9;
	_ =	strace $0x80000054  }
0xb2: {  	_ =	swait.ge [sflag:s29], $0x1  }
0xb3: {  	[sflag:s29] =	ssyncadd.s32 $0xFFFFFFFF  }
0xb4: {  	_ =	strace $0x90000054  }
0xb5: {  	_ =	sfence  }
0xb6: {  	s30 =	sld [smem:$0x0];
	_ =	sdelay $0x2  }
0xb7: {  	s31 =	sshll.u32 s1, $0xD;
	s1 =	sshrl.u32 s1, $0x2  }
0xb8: {  	s3 =	sand.u32 $0x4000, s31;
	s1 =	sadd.s32 s1, s30  }
0xb9: {  	s0 =	sor.u32 s3, s0;
	s1 =	sshll.u32 s1, $0x11  }
0xba: {  	s0 =	sor.u32 s1, s0  }
0xbb: {  	s0 =	sadd.s32 $0x8F2B, s0  }
0xbc: {  	[sflag:s0] =	ssyncadd.remote.s32 $0x1  }
0xbd: {  	_ =	sfence.sel $0xFFFF  }
0xbe: {  	[dreg:$0x0] =	wrdreg $0xFFFFFFFF;
	(pc) =	sbr.abs _section_cstart, $3  }
0xbf: {  	[dreg:$0x1] =	wrdreg $0xFFFFFFFF  }
0xc0: {  	_ =	task.clear_ibuf [dreg:s6], $0x2FFFF;
	_ =	strace $0x9FFFFFFF  }
0xc1: {  	(tm) =	ssettm $0x7FFFFFFF  }
tec
execute0_lowered:
.L_overlay_start_1:
0x0: {  	(tag) =	ssettag $0x1  }
0x1: {  	s0 =	srdreg.scid  }
0x2: {  	s2 =	simm.s32 $0x1;
	s6 =	rddreg [dreg:$0x0];
	s12 =	simm.s32 $0x80  }
0x3: {  	s13 =	simm.s32 $0x400;
	s14 =	simm.s32 $0x1800;
	s15 =	simm.s32 $0x3800  }
0x4: {  	s16 =	simm.s32 $0x5800;
	s17 =	simm.s32 $0x1000;
	s4 =	sand.u32 $0x1, s0  }
0x5: {  	s18 =	simm.s32 $0x800;
	s0 =	stileid.u32;
	s1 =	sshll.u32 s4, $0x4  }
0x6: {  	s19 =	simm.s32 $0x200;
	s5 =	sand.u32 $0x3, s0;
	s1 =	sor.u32 s0, s1  }
0x7: {  	s20 =	simm.s32 $0x0;
	p1 =	sne.s32 s5, $0x0;
	p0 =	seq.s32 s1, $0x0  }
0x8: {  	s4 =	ssub.s32 $0x2, s4;
	s10 =	sshll.u32 s5, $0x10;
	p0 =	por !p1, !p0  }
0x9: {  	s5 =	sshll.u32 s5, $0x7;
	s30 =	sshrl.u32 s4, $0x1;
	p0 =	por !p0, !p0  }
0xa: {  	s1 =	sshrl.u32 s1, $0x2;
	s31 =	ssub.s32 s4, s30;
	s2 =	simm.s32 @!p0 $0x0  }
0xb: {  	s7 =	ssub.s32 s1, s2;
	s1 =	rddreg [dreg:$0x1];
	s2 =	simm.s32 $0x0  }
0xc: {  	s8 =	sshrl.u32 s7, $0x3;
	s3 =	sshll.u32 s7, $0x7;
	[smem:$0x7FF] =	sst s2  }
0xd: {  	s7 =	sshll.u32 s7, $0xD;
	s9 =	sshll.u32 s8, $0x12;
	s11 =	sand.u32 $0x380, s3  }
0xe: {  	_ =	strace $0x80000053;
	s3 =	simm.s32 $0x1;
	s8 =	sshll.u32 s8, $0xE  }
0xf: {  	s5 =	sor.u32 s5, s7;
	s26 =	sor.u32 s10, s9;
	s8 =	sor.u32 s11, s8  }
0x10: {  	s5 =	sshrl.u32 s5, $0x3;
	s9 =	sor.u32 s11, s26;
	s28 =	sshrl.u32 s8, $0x3  }
0x11: {  	s29 =	sadd.s32 s5, s6;
	s8 =	sshll.u32 s0, $0x9;
	s9 =	sshrl.u32 s9, $0x3  }
0x12: {  	s11 =	smax.u32 s31, $0x1;
	s7 =	sadd.s32 s28, s6;
	s9 =	sadd.s32 s9, s6  }
0x13: {  	s10 =	sadd.s32 $0x1D000, s29;
	s4 =	sadd.s32 $0x14800, s7;
	s5 =	sadd.s32 $0xC800, s9  }
0x14: {  	v0 =	vimm.f32 $0.0e+00;
	v1 =	vimm.f32 $1.000000000e+00;
	s6 =	sadd.s32 $0x4800, s9;
	s7 =	sadd.s32 $0x422000, s9;
	s9 =	sadd.s32 $0x15000, s29  }
.LBB2_1:
0x15: {  	[tilespmem:s2], [sflag:$0x1] =	stream.strided.gather [hbm4b:s4+s12], $0x800, s13, s12, $0x38;
	[tilespmem:$0x7800] =	vst v63  }
0x16: {  	_ =	swait.ge [sflag:s3], $0x800  }
0x17: {  	[sflag:s3] =	ssyncset.done $0x0  }
0x18: {  	[sflag:s3] =	ssyncadd.s32 $0xFFFFF800  }
0x19: {  	[tilespmem:s14], [sflag:$0x1] =	stream.strided.gather [hbm4b:s5+s12], $0x2000, s13, s12, $0x38;
	[tilespmem:$0x7800] =	vst v63  }
0x1a: {  	_ =	swait.ge [sflag:s3], $0x2000  }
0x1b: {  	[sflag:s3] =	ssyncset.done $0x0  }
0x1c: {  	[sflag:s3] =	ssyncadd.s32 $0xFFFFE000  }
0x1d: {  	[tilespmem:s15], [sflag:$0x1] =	stream.strided.gather [hbm4b:s6+s12], $0x2000, s13, s12, $0x38;
	[tilespmem:$0x7800] =	vst v63  }
0x1e: {  	_ =	swait.ge [sflag:s3], $0x2000  }
0x1f: {  	[sflag:s3] =	ssyncset.done $0x0  }
0x20: {  	[sflag:s3] =	ssyncadd.s32 $0xFFFFE000  }
0x21: {  	[tilespmem:s16], [sflag:$0x1] =	stream.strided.gather [hbm4b:s7+s12], $0x2000, s13, s12, $0x38;
	[tilespmem:$0x7800] =	vst v63  }
0x22: {  	_ =	swait.ge [sflag:s3], $0x2000  }
0x23: {  	[sflag:s3] =	ssyncset.done $0x0  }
0x24: {  	s21 =	simm.s32 $0x40;
	s22 =	simm.s32 $0x0;
	[sflag:s3] =	ssyncadd.s32 $0xFFFFE000  }
.LBB2_2:
0x25: {  	p0 =	sne.s32 s21, $0x1FC0;
	[tilespmem:s22+$0x800] =	vst v0;
	s23 =	smov.u32 s21;
	s21 =	sadd.s32 $0x40, s21  }
.Ltmp0:
0x26: {  	[tilespmem:s22+$0x1000] =	vst v0;
	(pc) =	sbr.rel @p0 .LBB2_2-.Ltmp0, $2  }
0x27: {  	_ =	sdelay $0x2  }
0x28: {  	s22 =	sshra.s32 s23, $0x2  }
0x29: {  	s21 =	simm.s32 $0x0;
	s23 =	sadd.s32 $0x0, s8  }
0x2a: {  	[tilespmem:s22+$0x800] =	vst v0;
	s23 =	sand.u32 $0x780, s23;
	s24 =	sand.u32 $0x70, s21  }
0x2b: {  	[tilespmem:s22+$0x1000] =	vst v0;
	s31 =	sor.u32 s24, s23  }
0x2c: {  	v2 =	vld [tilespmem:s31+$0x0];
	_ =	sdelay $0x4  }
0x2d: {  	v2 =	vtrunc.f32 v2  }
0x2e: {  	v2 =	vcvt.f32.s32 v2;
	_ =	sdelay $0x3  }
0x2f: {  	s22 =	simm.s32 $0x10;
	s24 =	sadd.s32 $0x10, s8;
	s23 =	simm.s32 $0x20  }
.LBB2_4:
0x30: {  	p0 =	sne.s32 s23, $0x1F0;
	s24 =	sand.u32 $0x780, s24;
	s22 =	sand.u32 $0x70, s22  }
0x31: {  	s24 =	sor.u32 s22, s24;
	[tilespmem:v2+s17+$0x0] =	vst.idx.add.f32.msk $0xffff, v1;
	s22 =	smov.u32 s23  }
0x32: {  	v2 =	vld [tilespmem:s24+$0x0];
	_ =	sdelay $0x4  }
0x33: {  	v2 =	vtrunc.f32 v2  }
.Ltmp1:
0x34: {  	v2 =	vcvt.f32.s32 v2;
	(pc) =	sbr.rel @p0 .LBB2_4-.Ltmp1, $2  }
0x35: {  	_ =	sdelay $0x2  }
0x36: {  	s23 =	sadd.s32 $0x10, s23;
	s24 =	sadd.s32 s22, s8  }
0x37: {  	_ =	sdelay $0x2  }
0x38: {  	s23 =	sand.u32 $0x780, s24;
	s22 =	sand.u32 $0x70, s22  }
0x39: {  	[tilespmem:v2+s17+$0x0] =	vst.idx.add.f32.msk $0xffff, v1;
	s22 =	sor.u32 s22, s23  }
0x3a: {  	v2 =	vld [tilespmem:s22+$0x0];
	_ =	sdelay $0x4  }
0x3b: {  	v2 =	vtrunc.f32 v2  }
0x3c: {  	v2 =	vcvt.f32.s32 v2;
	_ =	sdelay $0x5  }
0x3d: {  	[tilespmem:v2+s17+$0x0] =	vst.idx.add.f32.msk $0xffff, v1  }
.LBB2_6:
0x3e: {  	s22 =	sshra.s32 s21, $0x2  }
0x3f: {  	v2 =	vld [tilespmem:s22+$0x3800];
	_ =	sdelay $0x5  }
0x40: {  	v3 =	vld [tilespmem:s22+$0x1800]  }
0x41: {  	v4 =	vld [tilespmem:s22+$0x5800]  }
0x42: {  	v2 =	vld.idx.msk [tilespmem:v2+s2+$0x0], $0xffff;
	_ =	sdelay $0x4  }
0x43: {  	v2 =	vmul.f32 v2, v4;
	_ =	sdelay $0x1  }
0x44: {  	[tilespmem:v3+s18+$0x0] =	vst.idx.add.f32.msk $0xffff, v2  }
0x45: {  	v2 =	vld [tilespmem:s22+$0x3810];
	_ =	sdelay $0x5  }
0x46: {  	v3 =	vld [tilespmem:s22+$0x1810]  }
0x47: {  	v57 =	vld [tilespmem:s22+$0x5810]  }
0x48: {  	v2 =	vld.idx.msk [tilespmem:v2+s2+$0x0], $0xffff;
	_ =	sdelay $0x4  }
0x49: {  	v2 =	vmul.f32 v2, v57;
	_ =	sdelay $0x1  }
0x4a: {  	[tilespmem:v3+s18+$0x0] =	vst.idx.add.f32.msk $0xffff, v2  }
0x4b: {  	v2 =	vld [tilespmem:s22+$0x3820];
	_ =	sdelay $0x5  }
0x4c: {  	v3 =	vld [tilespmem:s22+$0x1820]  }
0x4d: {  	v58 =	vld [tilespmem:s22+$0x5820]  }
0x4e: {  	v2 =	vld.idx.msk [tilespmem:v2+s2+$0x0], $0xffff;
	_ =	sdelay $0x4  }
0x4f: {  	v2 =	vmul.f32 v2, v58;
	_ =	sdelay $0x1  }
0x50: {  	[tilespmem:v3+s18+$0x0] =	vst.idx.add.f32.msk $0xffff, v2  }
0x51: {  	v2 =	vld [tilespmem:s22+$0x3830];
	_ =	sdelay $0x5  }
0x52: {  	v3 =	vld [tilespmem:s22+$0x1830]  }
0x53: {  	v59 =	vld [tilespmem:s22+$0x5830]  }
0x54: {  	v2 =	vld.idx.msk [tilespmem:v2+s2+$0x0], $0xffff;
	_ =	sdelay $0x4  }
0x55: {  	v2 =	vmul.f32 v2, v59;
	_ =	sdelay $0x1  }
0x56: {  	[tilespmem:v3+s18+$0x0] =	vst.idx.add.f32.msk $0xffff, v2  }
0x57: {  	v2 =	vld [tilespmem:s22+$0x3840];
	_ =	sdelay $0x5  }
0x58: {  	v3 =	vld [tilespmem:s22+$0x1840]  }
0x59: {  	v60 =	vld [tilespmem:s22+$0x5840]  }
0x5a: {  	v2 =	vld.idx.msk [tilespmem:v2+s2+$0x0], $0xffff;
	_ =	sdelay $0x4  }
0x5b: {  	v2 =	vmul.f32 v2, v60;
	_ =	sdelay $0x1  }
0x5c: {  	[tilespmem:v3+s18+$0x0] =	vst.idx.add.f32.msk $0xffff, v2  }
0x5d: {  	v2 =	vld [tilespmem:s22+$0x3850];
	_ =	sdelay $0x5  }
0x5e: {  	v3 =	vld [tilespmem:s22+$0x1850]  }
0x5f: {  	v61 =	vld [tilespmem:s22+$0x5850]  }
0x60: {  	v2 =	vld.idx.msk [tilespmem:v2+s2+$0x0], $0xffff;
	_ =	sdelay $0x4  }
0x61: {  	v2 =	vmul.f32 v2, v61;
	_ =	sdelay $0x1  }
0x62: {  	[tilespmem:v3+s18+$0x0] =	vst.idx.add.f32.msk $0xffff, v2  }
0x63: {  	v2 =	vld [tilespmem:s22+$0x3860];
	_ =	sdelay $0x5  }
0x64: {  	v3 =	vld [tilespmem:s22+$0x1860]  }
0x65: {  	v62 =	vld [tilespmem:s22+$0x5860]  }
0x66: {  	v2 =	vld.idx.msk [tilespmem:v2+s2+$0x0], $0xffff;
	_ =	sdelay $0x4  }
0x67: {  	v2 =	vmul.f32 v2, v62;
	_ =	sdelay $0x1  }
0x68: {  	[tilespmem:v3+s18+$0x0] =	vst.idx.add.f32.msk $0xffff, v2  }
0x69: {  	v2 =	vld [tilespmem:s22+$0x3870];
	_ =	sdelay $0x5  }
0x6a: {  	v3 =	vld [tilespmem:s22+$0x1870]  }
0x6b: {  	v63 =	vld [tilespmem:s22+$0x5870]  }
0x6c: {  	v2 =	vld.idx.msk [tilespmem:v2+s2+$0x0], $0xffff;
	_ =	sdelay $0x1  }
0x6d: {  	p0 =	sne.s32 s21, $0x7E00  }
.Ltmp2:
0x6e: {  	_ = 	snop;
	(pc) =	sbr.rel @p0 .LBB2_6-.Ltmp2, $3  }
0x6f: {  	_ = 	snop  }
0x70: {  	v2 =	vmul.f32 v2, v63;
	_ =	sdelay $0x1  }
0x71: {  	s21 =	sadd.s32 $0x200, s21;
	[tilespmem:v3+s18+$0x0] =	vst.idx.add.f32.msk $0xffff, v2  }
0x72: {  	[hbm4b:s9+s12] =	stream.strided.scatter [tilespmem:s18], [sflag:$0x1], $0x800, s19, s12, $0x38;
	[tilespmem:$0x7800] =	vst v63  }
0x73: {  	s20 =	sadd.s32 $0x1, s20;
	_ =	swait.ge [sflag:s3], $0x800  }
0x74: {  	p0 =	sne.s32 s20, s11;
	[sflag:s3] =	ssyncset.done $0x0  }
.Ltmp3:
0x75: {  	[sflag:s3] =	ssyncadd.s32 $0xFFFFF800;
	(pc) =	sbr.rel @p0 .LBB2_1-.Ltmp3, $4  }
0x76: {  	[hbm4b:s10+s12] =	stream.strided.scatter [tilespmem:s17], [sflag:$0x1], $0x800, s19, s12, $0x38;
	[tilespmem:$0x7800] =	vst v63  }
0x77: {  	_ =	swait.ge [sflag:s3], $0x800  }
0x78: {  	[sflag:s3] =	ssyncset.done $0x0  }
0x79: {  	[sflag:s3] =	ssyncadd.s32 $0xFFFFF800  }
0x7a: {  	_ =	sfence.sel $0x180000  }
0x7b: {  	[bflag:$0x0] =	sbarrier.arrive $0xFFFF  }
0x7c: {  	p0 =	sne.s32 s0, $0x0;
	_ =	strace $0x90000053  }
0x7d: {  	s0 =	sadd.s32 @!p0 $0x100000, s1;
	[bflag:$0x2] =	sbarrier.arrive $0xFFFF  }
0x7e: {  	[sflag:s0] =	ssyncadd.tile.s32 @!p0 $0x1;
	_ =	shalt  }
.Lfunc_end2:
_tile_overlayer_lowered:
.L_overlay_start_2:
0x7f: {  	(tag) =	ssettag $0x2  }
0x80: {  	s0 =	rddreg [dreg:$0x0];
	s2 =	stileid.u32  }
0x81: {  	s1 =	rddreg [dreg:$0x1];
	p0 =	sne.s32 s2, $0x0  }
0x82: {  	s3 =	rddreg [dreg:$0x2];
	[bflag:$0x3] =	sbarrier.arrive $0xFFFF;
	s2 =	simm.s32 @!p0 $0x1C01  }
0x83: {  	[timem:s3], [sflag:s2] =	dma.local @!p0 [hbm:s0], s1  }
0x84: {  	s0 =	simm.s32 @!p0 $0x1  }
0x85: {  	_ =	swait.ge @!p0 [sflag:s0], s1  }
0x86: {  	s1 =	ssub.s32 @!p0 $0x0, s1;
	[sflag:s0] =	ssyncset.done @!p0 $0x0  }
0x87: {  	[sflag:s0] =	ssyncadd.s32 @!p0 s1  }
0x88: {  	[bflag:$0x3] =	sbarrier.arrive $0xFFFF  }
0x89: {  	_ =	shalt  }

</sc_bundles>
